<compile_context>
chip_gen: v7x
topology: tpu7x:2x2x1
jax: 0.10.2.dev20260603
libtpu: 0.0.44.dev20260713+nightly
codegen_flags: <defaults>
</compile_context>

<pallas_src>
import functools

import jax
import jax.numpy as jnp
from jax import lax
from jax.experimental import pallas as pl
from jax.experimental.pallas import tpu as pltpu
from jax.experimental.pallas import tpu_sc as plsc

_NC = 2
_NS = 16
_TILES = _NC * _NS
_CHUNK = 64
_SUB = 16
_NBUF = 4
_LANES = 16


def _weight_body(comp_ref, basis_ref, out_ref):
    r = pl.program_id(1)
    acc = comp_ref[r, 0] * basis_ref[0]
    for i in range(1, basis_ref.shape[0]):
        acc = acc + comp_ref[r, i] * basis_ref[i]
    out_ref[0] = acc


def _weight_table(comp, basis, bn):
    R, B = comp.shape
    _, N, D = basis.shape
    nj = N // bn
    return pl.pallas_call(
        _weight_body,
        grid=(nj, R),
        in_specs=[
            pl.BlockSpec(memory_space=pltpu.SMEM),
            pl.BlockSpec((B, bn, D), lambda j, r: (0, j, 0)),
        ],
        out_specs=pl.BlockSpec((1, bn, D), lambda j, r: (r, j, 0)),
        out_shape=jax.ShapeDtypeStruct((R, N, D), jnp.float32),
    )(comp, basis)


def _edge_accumulate(wflat, srcp, etp, dstp, n, n_pad, cpt):
    D = wflat.shape[1]
    sr = n_pad // _NS
    ept = cpt * _CHUNK
    strip = _SUB * _CHUNK
    mesh = plsc.VectorSubcoreMesh(
        core_axis_name="c", subcore_axis_name="s", num_cores=_NC)

    cs = n_pad // _NS
    zrows = jnp.zeros((sr, D), jnp.float32)
    zcnt = jnp.zeros((cs,), jnp.float32)

    @functools.partial(
        pl.kernel,
        out_type=[
            jax.ShapeDtypeStruct((_NC, n_pad, D), jnp.float32),
            jax.ShapeDtypeStruct((_NC, n_pad), jnp.float32),
        ],
        mesh=mesh,
        scratch_types=[
            pltpu.VMEM((strip,), jnp.int32),
            pltpu.VMEM((strip,), jnp.int32),
            pltpu.VMEM((strip,), jnp.int32),
            [pltpu.VMEM((_CHUNK,), jnp.int32)] * _NBUF,
            [pltpu.VMEM((_CHUNK,), jnp.int32)] * _NBUF,
            [pltpu.VMEM((_CHUNK, D), jnp.float32)] * _NBUF,
            pltpu.VMEM((_CHUNK,), jnp.float32),
            pltpu.VMEM_SHARED((n_pad, D), jnp.float32),
            pltpu.VMEM_SHARED((n_pad,), jnp.float32),
            [pltpu.SemaphoreType.DMA] * _NBUF,
        ],
    )
    def k(w_hbm, src_hbm, et_hbm, dst_hbm, zr_hbm, zc_hbm,
          aggp_hbm, cntp_hbm,
          srcs_v, ets_v, dsts_v, eidx, dstb, rows, ones_v,
          agg_sh, cnt_sh, sems):
        cid = lax.axis_index("c")
        sid = lax.axis_index("s")
        wid = cid * _NS + sid
        ebase = wid * ept
        zbase = sid * sr
        cbase = sid * cs

        o16 = jnp.ones((_LANES,), jnp.float32)
        for i in range(_CHUNK // _LANES):
            ones_v[pl.ds(i * _LANES, _LANES)] = o16

        pltpu.sync_copy(zr_hbm, agg_sh.at[pl.ds(zbase, sr)])
        pltpu.sync_copy(zc_hbm, cnt_sh.at[pl.ds(cbase, cs)])
        plsc.subcore_barrier()

        def build_idx(j):
            sl = j % _NBUF
            for i in range(_CHUNK // _LANES):
                sl_s = pl.ds(j * _CHUNK + i * _LANES, _LANES)
                sl_d = pl.ds(i * _LANES, _LANES)
                eidx[sl][sl_d] = ets_v[sl_s] * n + srcs_v[sl_s]
                dstb[sl][sl_d] = dsts_v[sl_s]

        def fire(j):
            sl = j % _NBUF
            return pltpu.async_copy(w_hbm.at[eidx[sl]], rows[sl], sems[sl])

        def strip_body(s, carry):
            off = ebase + s * strip
            pltpu.sync_copy(src_hbm.at[pl.ds(off, strip)], srcs_v)
            pltpu.sync_copy(et_hbm.at[pl.ds(off, strip)], ets_v)
            pltpu.sync_copy(dst_hbm.at[pl.ds(off, strip)], dsts_v)
            hnds = [None] * _NBUF
            for p in range(_NBUF - 1):
                build_idx(p)
                hnds[p] = fire(p)
            for j in range(_SUB):
                sl = j % _NBUF
                jn = j + _NBUF - 1
                if jn < _SUB:
                    build_idx(jn)
                    hnds[jn % _NBUF] = fire(jn)
                hnds[sl].wait()
                pltpu.sync_copy(rows[sl], agg_sh.at[dstb[sl]], add=True)
                pltpu.sync_copy(ones_v, cnt_sh.at[dstb[sl]], add=True)
            return carry
        lax.fori_loop(0, cpt // _SUB, strip_body, 0)

        plsc.subcore_barrier()
        pltpu.sync_copy(agg_sh.at[pl.ds(zbase, sr)],
                        aggp_hbm.at[cid, pl.ds(zbase, sr)])
        pltpu.sync_copy(cnt_sh.at[pl.ds(cbase, cs)],
                        cntp_hbm.at[cid, pl.ds(cbase, cs)])

    return k(wflat, srcp, etp, dstp, zrows, zcnt)


def _combine_body(aggp_ref, cnt_ref, root_ref, bias_ref, out_ref):
    s = aggp_ref[0].astype(jnp.float32)
    c = cnt_ref[0]
    for q in range(1, _NC):
        s = s + aggp_ref[q].astype(jnp.float32)
        c = c + cnt_ref[q]
    out_ref[...] = (s / jnp.maximum(c, 1.0)[:, None]
                    + root_ref[...] + bias_ref[...])


def _combine(aggp, cnt, rootp, bias2d, br):
    _, n_pad, D = aggp.shape
    return pl.pallas_call(
        _combine_body,
        grid=(n_pad // br,),
        in_specs=[
            pl.BlockSpec((_NC, br, D), lambda i: (0, i, 0)),
            pl.BlockSpec((_NC, br), lambda i: (0, i)),
            pl.BlockSpec((br, D), lambda i: (i, 0)),
            pl.BlockSpec((1, D), lambda i: (0, 0)),
        ],
        out_specs=pl.BlockSpec((br, D), lambda i: (i, 0)),
        out_shape=jax.ShapeDtypeStruct((n_pad, D), jnp.float32),
    )(aggp, cnt, rootp, bias2d)


def kernel(edge_index, edge_type, basis, comp, root, bias):
    src = edge_index[0].astype(jnp.int32)
    dst = edge_index[1].astype(jnp.int32)
    et = edge_type.astype(jnp.int32)
    E = src.shape[0]
    N, D = root.shape

    cpt = -(-E // (_TILES * _CHUNK))
    cpt = -(-cpt // _SUB) * _SUB
    e_pad = _TILES * cpt * _CHUNK
    pad = e_pad - E
    srcp = jnp.concatenate([src, jnp.zeros((pad,), jnp.int32)])
    etp = jnp.concatenate([et, jnp.zeros((pad,), jnp.int32)])
    dstp = jnp.concatenate([dst, jnp.full((pad,), N, jnp.int32)])

    unit = _NS * _CHUNK
    n_pad = -(-(N + 1) // unit) * unit

    weight = _weight_table(comp, basis, bn=400)
    wflat = weight.reshape(-1, D)

    aggp, cnt = _edge_accumulate(wflat, srcp, etp, dstp, N, n_pad, cpt)

    rootp = jnp.pad(root, ((0, n_pad - N), (0, 0)))
    out = _combine(aggp, cnt, rootp, bias.reshape(1, D), br=640)
    return out[:N]

# --- scband reference (transcript-rebuilt; emitter-appended) ---
"""Pipeline reference for scband-social-item-graph-1821066134230 (READ-ONLY COPY).

The authoritative reference and input builder live on the scoring server;
editing this copy changes nothing except your own understanding.
"""

import jax, jax.numpy as jnp
import numpy as np

N = 10000      # num_items + num_users (node count)
E = 320000     # number of (item,user,rating) interaction edges
D = 128        # user_embed_dim / embed_dim
R = 5          # n_relation (ratings_list length)
B = 8          # num_bases


def setup_inputs(seed: int = 0) -> dict:
    key = jax.random.key(seed)
    ks = jax.random.split(key, 6)
    edge_index = jax.random.randint(ks[0], (2, E), 0, N)           # [2,E] src=item, dst=user
    edge_type = jax.random.randint(ks[1], (E,), 0, R)              # [E] rating relation per edge
    basis = jax.random.normal(ks[2], (B, N, D), dtype=jnp.float32) * 0.02  # RGCN basis weights
    comp = jax.random.normal(ks[3], (R, B), dtype=jnp.float32)     # relation->basis coefficients
    root = jax.random.normal(ks[4], (N, D), dtype=jnp.float32) * 0.02      # root (self) embedding, x=None => one-hot
    bias = jnp.zeros((D,), dtype=jnp.float32)
    return {"edge_index": edge_index, "edge_type": edge_type, "basis": basis,
            "comp": comp, "root": root, "bias": bias}


def reference(edge_index, edge_type, basis, comp, root, bias):
    # RGCNConv(num_items+num_users, user_embed_dim, n_relation, num_bases) with x=None:
    # node features are implicit one-hot, so the conv reduces to per-(relation, src-node)
    # embedding gathers from the basis-decomposed weight, scatter-mean aggregated by dst.
    src = edge_index[0]
    dst = edge_index[1]
    # basis decomposition: weight[r] = sum_b comp[r,b] * basis[b]  -> [R, N, D]
    weight = jnp.einsum('rb,bnd->rnd', comp, basis)
    # per-edge message: gather row (edge_type_e, src_e) of the relational weight table
    msg = weight[edge_type, src]                                   # [E, D] gather (memory bound)
    # mean aggregation by destination node (scatter-add + degree normalize)
    agg = jax.ops.segment_sum(msg, dst, num_segments=N)            # [N, D]
    cnt = jax.ops.segment_sum(jnp.ones((msg.shape[0],), jnp.float32), dst, num_segments=N)
    out = agg / jnp.clip(cnt, 1.0)[:, None]
    # root/self term (x=None -> root weight indexed by arange == root itself) + bias
    out = out + root + bias
    return out

if __name__ == "__main__":
    import jax
    _d = setup_inputs()
    print(jax.jit(kernel)(*tuple(_d.values())))

</pallas_src>

<mosaic_0001>
#map = affine_map<(d0, d1) -> (0, 0)>
#map1 = affine_map<(d0, d1) -> (0)>
#map2 = affine_map<(d0, d1) -> (0, 0, 0)>
module attributes {stable_mosaic.version = 14 : i64} {
  func.func @k(%arg0: i32, %arg1: i32, %arg2: memref<50000x128xf32, #tpu.memory_space<hbm>>, %arg3: memref<327680xi32, #tpu.memory_space<hbm>>, %arg4: memref<327680xi32, #tpu.memory_space<hbm>>, %arg5: memref<327680xi32, #tpu.memory_space<hbm>>, %arg6: memref<640x128xf32, #tpu.memory_space<hbm>>, %arg7: memref<640xf32, #tpu.memory_space<hbm>>, %arg8: memref<2x10240x128xf32, #tpu.memory_space<hbm>>, %arg9: memref<2x10240xf32, #tpu.memory_space<hbm>>, %arg10: memref<1024xi32, #tpu.memory_space<vmem>>, %arg11: memref<1024xi32, #tpu.memory_space<vmem>>, %arg12: memref<1024xi32, #tpu.memory_space<vmem>>, %arg13: memref<64xi32, #tpu.memory_space<vmem>>, %arg14: memref<64xi32, #tpu.memory_space<vmem>>, %arg15: memref<64xi32, #tpu.memory_space<vmem>>, %arg16: memref<64xi32, #tpu.memory_space<vmem>>, %arg17: memref<64xi32, #tpu.memory_space<vmem>>, %arg18: memref<64xi32, #tpu.memory_space<vmem>>, %arg19: memref<64xi32, #tpu.memory_space<vmem>>, %arg20: memref<64xi32, #tpu.memory_space<vmem>>, %arg21: memref<64x128xf32, #tpu.memory_space<vmem>>, %arg22: memref<64x128xf32, #tpu.memory_space<vmem>>, %arg23: memref<64x128xf32, #tpu.memory_space<vmem>>, %arg24: memref<64x128xf32, #tpu.memory_space<vmem>>, %arg25: memref<64xf32, #tpu.memory_space<vmem>>, %arg26: memref<10240x128xf32, #tpu.memory_space<vmem_shared>>, %arg27: memref<10240xf32, #tpu.memory_space<vmem_shared>>, %arg28: memref<!tpu.dma_semaphore, #tpu.memory_space<semaphore_mem>>, %arg29: memref<!tpu.dma_semaphore, #tpu.memory_space<semaphore_mem>>, %arg30: memref<!tpu.dma_semaphore, #tpu.memory_space<semaphore_mem>>, %arg31: memref<!tpu.dma_semaphore, #tpu.memory_space<semaphore_mem>>) attributes {dimension_semantics = [#tpu.dimension_semantics<core_parallel>, #tpu.dimension_semantics<subcore_parallel>], iteration_bounds = array<i64: 2, 16>, scalar_prefetch = 0 : i64, scratch_operands = 22 : i64, tpu.core_type = #tpu.core_type<sc_vector_subcore>, window_params = [{transform_indices = #map}, {transform_indices = #map1}, {transform_indices = #map1}, {transform_indices = #map1}, {transform_indices = #map}, {transform_indices = #map1}, {transform_indices = #map2}, {transform_indices = #map}]} {
    %mul3A = arith.constant 16 : i32
    %mul3A_0 = arith.muli %arg0, %mul3A : i32
    %add3A = arith.addi %mul3A_0, %arg1 : i32
    %mul3A_1 = arith.constant 10240 : i32
    %mul3A_2 = arith.muli %add3A, %mul3A_1 : i32
    %mul3A_3 = arith.constant 640 : i32
    %mul3A_4 = arith.muli %arg1, %mul3A_3 : i32
    %mul3A_5 = arith.constant 640 : i32
    %mul3A_6 = arith.muli %arg1, %mul3A_5 : i32
    %broadcast_in_dim3A = arith.constant 1.000000e+00 : f32
    %broadcast_in_dim3A_7 = vector.broadcast %broadcast_in_dim3A : f32 to vector<16xf32>
    %swap3A = arith.constant 0 : index
    %swap3A_8 = tpu.vector_load %arg25[%swap3A] {strides = array<i32>} : memref<64xf32, #tpu.memory_space<vmem>>, vector<16xf32>,
    %swap3A_9 = vector.shape_cast %swap3A_8 : vector<16xf32> to vector<16xf32>
    %swap3A_10 = vector.shape_cast %broadcast_in_dim3A_7 : vector<16xf32> to vector<16xf32>
    tpu.vector_store %arg25[%swap3A], %swap3A_10 {strides = array<i32>} : memref<64xf32, #tpu.memory_space<vmem>>, vector<16xf32>,
    %swap3A_11 = arith.constant 16 : index
    %swap3A_12 = tpu.vector_load %arg25[%swap3A_11] {strides = array<i32>} : memref<64xf32, #tpu.memory_space<vmem>>, vector<16xf32>,
    %swap3A_13 = vector.shape_cast %swap3A_12 : vector<16xf32> to vector<16xf32>
    %swap3A_14 = vector.shape_cast %broadcast_in_dim3A_7 : vector<16xf32> to vector<16xf32>
    tpu.vector_store %arg25[%swap3A_11], %swap3A_14 {strides = array<i32>} : memref<64xf32, #tpu.memory_space<vmem>>, vector<16xf32>,
    %swap3A_15 = arith.constant 32 : index
    %swap3A_16 = tpu.vector_load %arg25[%swap3A_15] {strides = array<i32>} : memref<64xf32, #tpu.memory_space<vmem>>, vector<16xf32>,
    %swap3A_17 = vector.shape_cast %swap3A_16 : vector<16xf32> to vector<16xf32>
    %swap3A_18 = vector.shape_cast %broadcast_in_dim3A_7 : vector<16xf32> to vector<16xf32>
    tpu.vector_store %arg25[%swap3A_15], %swap3A_18 {strides = array<i32>} : memref<64xf32, #tpu.memory_space<vmem>>, vector<16xf32>,
    %swap3A_19 = arith.constant 48 : index
    %swap3A_20 = tpu.vector_load %arg25[%swap3A_19] {strides = array<i32>} : memref<64xf32, #tpu.memory_space<vmem>>, vector<16xf32>,
    %swap3A_21 = vector.shape_cast %swap3A_20 : vector<16xf32> to vector<16xf32>
    %swap3A_22 = vector.shape_cast %broadcast_in_dim3A_7 : vector<16xf32> to vector<16xf32>
    tpu.vector_store %arg25[%swap3A_19], %swap3A_22 {strides = array<i32>} : memref<64xf32, #tpu.memory_space<vmem>>, vector<16xf32>,
    "tpu.region"() ({
      %run_scoped3A = tpu.sem_alloc : memref<!tpu.dma_semaphore, #tpu.memory_space<semaphore_mem>>
      %dma_start3A = arith.constant 0 : i32
      %dma_start3A_29 = tpu.memref_slice %arg26[%mul3A_4, %dma_start3A] : memref<10240x128xf32, #tpu.memory_space<vmem_shared>> -> memref<640x128xf32, #tpu.memory_space<vmem_shared>>
      tpu.enqueue_dma source(%arg6 : memref<640x128xf32, #tpu.memory_space<hbm>>) target(%dma_start3A_29 : memref<640x128xf32, #tpu.memory_space<vmem_shared>>) target_semaphore(%run_scoped3A : memref<!tpu.dma_semaphore, #tpu.memory_space<semaphore_mem>>)
      %dma_wait3A = arith.constant 0 : i32
      %dma_wait3A_30 = tpu.memref_slice %arg26[%mul3A_4, %dma_wait3A] : memref<10240x128xf32, #tpu.memory_space<vmem_shared>> -> memref<640x128xf32, #tpu.memory_space<vmem_shared>>
      tpu.wait_dma2 semaphore(%run_scoped3A : memref<!tpu.dma_semaphore, #tpu.memory_space<semaphore_mem>>) src(%arg6 : memref<640x128xf32, #tpu.memory_space<hbm>>) dst(%dma_wait3A_30 : memref<640x128xf32, #tpu.memory_space<vmem_shared>>)
      tpu.yield
    }) : () -> ()
    "tpu.region"() ({
      %run_scoped3A = tpu.sem_alloc : memref<!tpu.dma_semaphore, #tpu.memory_space<semaphore_mem>>
      %dma_start3A = tpu.memref_slice %arg27[%mul3A_6] : memref<10240xf32, #tpu.memory_space<vmem_shared>> -> memref<640xf32, #tpu.memory_space<vmem_shared>>
      tpu.enqueue_dma source(%arg7 : memref<640xf32, #tpu.memory_space<hbm>>) target(%dma_start3A : memref<640xf32, #tpu.memory_space<vmem_shared>>) target_semaphore(%run_scoped3A : memref<!tpu.dma_semaphore, #tpu.memory_space<semaphore_mem>>)
      %dma_wait3A = tpu.memref_slice %arg27[%mul3A_6] : memref<10240xf32, #tpu.memory_space<vmem_shared>> -> memref<640xf32, #tpu.memory_space<vmem_shared>>
      tpu.wait_dma2 semaphore(%run_scoped3A : memref<!tpu.dma_semaphore, #tpu.memory_space<semaphore_mem>>) src(%arg7 : memref<640xf32, #tpu.memory_space<hbm>>) dst(%dma_wait3A : memref<640xf32, #tpu.memory_space<vmem_shared>>)
      tpu.yield
    }) : () -> ()
    %barrier3A = arith.constant 0 : index
    tpu.barrier barrier_id(%barrier3A)
    %scan3A = arith.constant 0 : i32
    %scan3A_23 = arith.constant 0 : i32
    %scan3A_24 = arith.constant 10 : i32
    %scan3A_25 = arith.addi %scan3A_23, %scan3A_24 : i32
    %scan3A_26 = arith.constant 1 : i32
    scf.for %scan3A_29 = %scan3A_23 to %scan3A_25 step %scan3A_26  : i32 {
      %mul3A_30 = arith.constant 1024 : i32
      %mul3A_31 = arith.muli %scan3A_29, %mul3A_30 : i32
      %add3A_32 = arith.addi %mul3A_2, %mul3A_31 : i32
      "tpu.region"() ({
        %run_scoped3A = tpu.sem_alloc : memref<!tpu.dma_semaphore, #tpu.memory_space<semaphore_mem>>
        %dma_start3A_1470 = tpu.memref_slice %arg3[%add3A_32] : memref<327680xi32, #tpu.memory_space<hbm>> -> memref<1024xi32, #tpu.memory_space<hbm>>
        %dma_start3A_1471 = tpu.memref_slice %arg3[%add3A_32] : memref<327680xi32, #tpu.memory_space<hbm>> -> memref<1024xi32, #tpu.memory_space<hbm>>
        tpu.enqueue_dma source(%dma_start3A_1471 : memref<1024xi32, #tpu.memory_space<hbm>>) target(%arg10 : memref<1024xi32, #tpu.memory_space<vmem>>) target_semaphore(%run_scoped3A : memref<!tpu.dma_semaphore, #tpu.memory_space<semaphore_mem>>)
        %dma_wait3A_1472 = tpu.memref_slice %arg3[%add3A_32] : memref<327680xi32, #tpu.memory_space<hbm>> -> memref<1024xi32, #tpu.memory_space<hbm>>
        %dma_wait3A_1473 = tpu.memref_slice %arg3[%add3A_32] : memref<327680xi32, #tpu.memory_space<hbm>> -> memref<1024xi32, #tpu.memory_space<hbm>>
        tpu.wait_dma2 semaphore(%run_scoped3A : memref<!tpu.dma_semaphore, #tpu.memory_space<semaphore_mem>>) src(%dma_wait3A_1473 : memref<1024xi32, #tpu.memory_space<hbm>>) dst(%arg10 : memref<1024xi32, #tpu.memory_space<vmem>>)
        tpu.yield
      }) : () -> ()
      "tpu.region"() ({
        %run_scoped3A = tpu.sem_alloc : memref<!tpu.dma_semaphore, #tpu.memory_space<semaphore_mem>>
        %dma_start3A_1470 = tpu.memref_slice %arg4[%add3A_32] : memref<327680xi32, #tpu.memory_space<hbm>> -> memref<1024xi32, #tpu.memory_space<hbm>>
        %dma_start3A_1471 = tpu.memref_slice %arg4[%add3A_32] : memref<327680xi32, #tpu.memory_space<hbm>> -> memref<1024xi32, #tpu.memory_space<hbm>>
        tpu.enqueue_dma source(%dma_start3A_1471 : memref<1024xi32, #tpu.memory_space<hbm>>) target(%arg11 : memref<1024xi32, #tpu.memory_space<vmem>>) target_semaphore(%run_scoped3A : memref<!tpu.dma_semaphore, #tpu.memory_space<semaphore_mem>>)
        %dma_wait3A_1472 = tpu.memref_slice %arg4[%add3A_32] : memref<327680xi32, #tpu.memory_space<hbm>> -> memref<1024xi32, #tpu.memory_space<hbm>>
        %dma_wait3A_1473 = tpu.memref_slice %arg4[%add3A_32] : memref<327680xi32, #tpu.memory_space<hbm>> -> memref<1024xi32, #tpu.memory_space<hbm>>
        tpu.wait_dma2 semaphore(%run_scoped3A : memref<!tpu.dma_semaphore, #tpu.memory_space<semaphore_mem>>) src(%dma_wait3A_1473 : memref<1024xi32, #tpu.memory_space<hbm>>) dst(%arg11 : memref<1024xi32, #tpu.memory_space<vmem>>)
        tpu.yield
      }) : () -> ()
      "tpu.region"() ({
        %run_scoped3A = tpu.sem_alloc : memref<!tpu.dma_semaphore, #tpu.memory_space<semaphore_mem>>
        %dma_start3A_1470 = tpu.memref_slice %arg5[%add3A_32] : memref<327680xi32, #tpu.memory_space<hbm>> -> memref<1024xi32, #tpu.memory_space<hbm>>
        %dma_start3A_1471 = tpu.memref_slice %arg5[%add3A_32] : memref<327680xi32, #tpu.memory_space<hbm>> -> memref<1024xi32, #tpu.memory_space<hbm>>
        tpu.enqueue_dma source(%dma_start3A_1471 : memref<1024xi32, #tpu.memory_space<hbm>>) target(%arg12 : memref<1024xi32, #tpu.memory_space<vmem>>) target_semaphore(%run_scoped3A : memref<!tpu.dma_semaphore, #tpu.memory_space<semaphore_mem>>)
        %dma_wait3A_1472 = tpu.memref_slice %arg5[%add3A_32] : memref<327680xi32, #tpu.memory_space<hbm>> -> memref<1024xi32, #tpu.memory_space<hbm>>
        %dma_wait3A_1473 = tpu.memref_slice %arg5[%add3A_32] : memref<327680xi32, #tpu.memory_space<hbm>> -> memref<1024xi32, #tpu.memory_space<hbm>>
        tpu.wait_dma2 semaphore(%run_scoped3A : memref<!tpu.dma_semaphore, #tpu.memory_space<semaphore_mem>>) src(%dma_wait3A_1473 : memref<1024xi32, #tpu.memory_space<hbm>>) dst(%arg12 : memref<1024xi32, #tpu.memory_space<vmem>>)
        tpu.yield
      }) : () -> ()
      %get3A = arith.constant 0 : index
      %get3A_33 = tpu.vector_load %arg11[%get3A] {strides = array<i32>} : memref<1024xi32, #tpu.memory_space<vmem>>, vector<16xi32>,
      %get3A_34 = vector.shape_cast %get3A_33 : vector<16xi32> to vector<16xi32>
      %mul3A_35 = arith.constant 10000 : i32
      %mul3A_36 = vector.broadcast %mul3A_35 : i32 to vector<16xi32>
      %mul3A_37 = arith.muli %get3A_34, %mul3A_36 : vector<16xi32>
      %get3A_38 = arith.constant 0 : index
      %get3A_39 = tpu.vector_load %arg10[%get3A_38] {strides = array<i32>} : memref<1024xi32, #tpu.memory_space<vmem>>, vector<16xi32>,
      %get3A_40 = vector.shape_cast %get3A_39 : vector<16xi32> to vector<16xi32>
      %add3A_41 = arith.addi %mul3A_37, %get3A_40 : vector<16xi32>
      %swap3A_42 = arith.constant 0 : index
      %swap3A_43 = tpu.vector_load %arg13[%swap3A_42] {strides = array<i32>} : memref<64xi32, #tpu.memory_space<vmem>>, vector<16xi32>,
      %swap3A_44 = vector.shape_cast %swap3A_43 : vector<16xi32> to vector<16xi32>
      %swap3A_45 = vector.shape_cast %add3A_41 : vector<16xi32> to vector<16xi32>
      tpu.vector_store %arg13[%swap3A_42], %swap3A_45 {strides = array<i32>} : memref<64xi32, #tpu.memory_space<vmem>>, vector<16xi32>,
      %get3A_46 = arith.constant 0 : index
      %get3A_47 = tpu.vector_load %arg12[%get3A_46] {strides = array<i32>} : memref<1024xi32, #tpu.memory_space<vmem>>, vector<16xi32>,
      %get3A_48 = vector.shape_cast %get3A_47 : vector<16xi32> to vector<16xi32>
      %swap3A_49 = arith.constant 0 : index
      %swap3A_50 = tpu.vector_load %arg17[%swap3A_49] {strides = array<i32>} : memref<64xi32, #tpu.memory_space<vmem>>, vector<16xi32>,
      %swap3A_51 = vector.shape_cast %swap3A_50 : vector<16xi32> to vector<16xi32>
      %swap3A_52 = vector.shape_cast %get3A_48 : vector<16xi32> to vector<16xi32>
      tpu.vector_store %arg17[%swap3A_49], %swap3A_52 {strides = array<i32>} : memref<64xi32, #tpu.memory_space<vmem>>, vector<16xi32>,
      %get3A_53 = arith.constant 16 : index
      %get3A_54 = tpu.vector_load %arg11[%get3A_53] {strides = array<i32>} : memref<1024xi32, #tpu.memory_space<vmem>>, vector<16xi32>,
      %get3A_55 = vector.shape_cast %get3A_54 : vector<16xi32> to vector<16xi32>
      %mul3A_56 = arith.constant 10000 : i32
      %mul3A_57 = vector.broadcast %mul3A_56 : i32 to vector<16xi32>
      %mul3A_58 = arith.muli %get3A_55, %mul3A_57 : vector<16xi32>
      %get3A_59 = arith.constant 16 : index
      %get3A_60 = tpu.vector_load %arg10[%get3A_59] {strides = array<i32>} : memref<1024xi32, #tpu.memory_space<vmem>>, vector<16xi32>,
      %get3A_61 = vector.shape_cast %get3A_60 : vector<16xi32> to vector<16xi32>
      %add3A_62 = arith.addi %mul3A_58, %get3A_61 : vector<16xi32>
      %swap3A_63 = arith.constant 16 : index
      %swap3A_64 = tpu.vector_load %arg13[%swap3A_63] {strides = array<i32>} : memref<64xi32, #tpu.memory_space<vmem>>, vector<16xi32>,
      %swap3A_65 = vector.shape_cast %swap3A_64 : vector<16xi32> to vector<16xi32>
      %swap3A_66 = vector.shape_cast %add3A_62 : vector<16xi32> to vector<16xi32>
      tpu.vector_store %arg13[%swap3A_63], %swap3A_66 {strides = array<i32>} : memref<64xi32, #tpu.memory_space<vmem>>, vector<16xi32>,
      %get3A_67 = arith.constant 16 : index
      %get3A_68 = tpu.vector_load %arg12[%get3A_67] {strides = array<i32>} : memref<1024xi32, #tpu.memory_space<vmem>>, vector<16xi32>,
      %get3A_69 = vector.shape_cast %get3A_68 : vector<16xi32> to vector<16xi32>
      %swap3A_70 = arith.constant 16 : index
      %swap3A_71 = tpu.vector_load %arg17[%swap3A_70] {strides = array<i32>} : memref<64xi32, #tpu.memory_space<vmem>>, vector<16xi32>,
      %swap3A_72 = vector.shape_cast %swap3A_71 : vector<16xi32> to vector<16xi32>
      %swap3A_73 = vector.shape_cast %get3A_69 : vector<16xi32> to vector<16xi32>
      tpu.vector_store %arg17[%swap3A_70], %swap3A_73 {strides = array<i32>} : memref<64xi32, #tpu.memory_space<vmem>>, vector<16xi32>,
      %get3A_74 = arith.constant 32 : index
      %get3A_75 = tpu.vector_load %arg11[%get3A_74] {strides = array<i32>} : memref<1024xi32, #tpu.memory_space<vmem>>, vector<16xi32>,
      %get3A_76 = vector.shape_cast %get3A_75 : vector<16xi32> to vector<16xi32>
      %mul3A_77 = arith.constant 10000 : i32
      %mul3A_78 = vector.broadcast %mul3A_77 : i32 to vector<16xi32>
      %mul3A_79 = arith.muli %get3A_76, %mul3A_78 : vector<16xi32>
      %get3A_80 = arith.constant 32 : index
      %get3A_81 = tpu.vector_load %arg10[%get3A_80] {strides = array<i32>} : memref<1024xi32, #tpu.memory_space<vmem>>, vector<16xi32>,
      %get3A_82 = vector.shape_cast %get3A_81 : vector<16xi32> to vector<16xi32>
      %add3A_83 = arith.addi %mul3A_79, %get3A_82 : vector<16xi32>
      %swap3A_84 = arith.constant 32 : index
      %swap3A_85 = tpu.vector_load %arg13[%swap3A_84] {strides = array<i32>} : memref<64xi32, #tpu.memory_space<vmem>>, vector<16xi32>,
      %swap3A_86 = vector.shape_cast %swap3A_85 : vector<16xi32> to vector<16xi32>
      %swap3A_87 = vector.shape_cast %add3A_83 : vector<16xi32> to vector<16xi32>
      tpu.vector_store %arg13[%swap3A_84], %swap3A_87 {strides = array<i32>} : memref<64xi32, #tpu.memory_space<vmem>>, vector<16xi32>,
      %get3A_88 = arith.constant 32 : index
      %get3A_89 = tpu.vector_load %arg12[%get3A_88] {strides = array<i32>} : memref<1024xi32, #tpu.memory_space<vmem>>, vector<16xi32>,
      %get3A_90 = vector.shape_cast %get3A_89 : vector<16xi32> to vector<16xi32>
      %swap3A_91 = arith.constant 32 : index
      %swap3A_92 = tpu.vector_load %arg17[%swap3A_91] {strides = array<i32>} : memref<64xi32, #tpu.memory_space<vmem>>, vector<16xi32>,
      %swap3A_93 = vector.shape_cast %swap3A_92 : vector<16xi32> to vector<16xi32>
      %swap3A_94 = vector.shape_cast %get3A_90 : vector<16xi32> to vector<16xi32>
      tpu.vector_store %arg17[%swap3A_91], %swap3A_94 {strides = array<i32>} : memref<64xi32, #tpu.memory_space<vmem>>, vector<16xi32>,
      %get3A_95 = arith.constant 48 : index
      %get3A_96 = tpu.vector_load %arg11[%get3A_95] {strides = array<i32>} : memref<1024xi32, #tpu.memory_space<vmem>>, vector<16xi32>,
      %get3A_97 = vector.shape_cast %get3A_96 : vector<16xi32> to vector<16xi32>
      %mul3A_98 = arith.constant 10000 : i32
      %mul3A_99 = vector.broadcast %mul3A_98 : i32 to vector<16xi32>
      %mul3A_100 = arith.muli %get3A_97, %mul3A_99 : vector<16xi32>
      %get3A_101 = arith.constant 48 : index
      %get3A_102 = tpu.vector_load %arg10[%get3A_101] {strides = array<i32>} : memref<1024xi32, #tpu.memory_space<vmem>>, vector<16xi32>,
      %get3A_103 = vector.shape_cast %get3A_102 : vector<16xi32> to vector<16xi32>
      %add3A_104 = arith.addi %mul3A_100, %get3A_103 : vector<16xi32>
      %swap3A_105 = arith.constant 48 : index
      %swap3A_106 = tpu.vector_load %arg13[%swap3A_105] {strides = array<i32>} : memref<64xi32, #tpu.memory_space<vmem>>, vector<16xi32>,
      %swap3A_107 = vector.shape_cast %swap3A_106 : vector<16xi32> to vector<16xi32>
      %swap3A_108 = vector.shape_cast %add3A_104 : vector<16xi32> to vector<16xi32>
      tpu.vector_store %arg13[%swap3A_105], %swap3A_108 {strides = array<i32>} : memref<64xi32, #tpu.memory_space<vmem>>, vector<16xi32>,
      %get3A_109 = arith.constant 48 : index
      %get3A_110 = tpu.vector_load %arg12[%get3A_109] {strides = array<i32>} : memref<1024xi32, #tpu.memory_space<vmem>>, vector<16xi32>,
      %get3A_111 = vector.shape_cast %get3A_110 : vector<16xi32> to vector<16xi32>
      %swap3A_112 = arith.constant 48 : index
      %swap3A_113 = tpu.vector_load %arg17[%swap3A_112] {strides = array<i32>} : memref<64xi32, #tpu.memory_space<vmem>>, vector<16xi32>,
      %swap3A_114 = vector.shape_cast %swap3A_113 : vector<16xi32> to vector<16xi32>
      %swap3A_115 = vector.shape_cast %get3A_111 : vector<16xi32> to vector<16xi32>
      tpu.vector_store %arg17[%swap3A_112], %swap3A_115 {strides = array<i32>} : memref<64xi32, #tpu.memory_space<vmem>>, vector<16xi32>,
      %dma_start3A = arith.constant 0 : i32
      %dma_start3A_116 = arith.constant 0 : i32
      %dma_start3A_117 = tpu.memref_slice %arg2[%dma_start3A, %dma_start3A_116] : memref<50000x128xf32, #tpu.memory_space<hbm>> -> memref<50000x128xf32, #tpu.memory_space<hbm>>
      tpu.enqueue_indirect_dma source(%dma_start3A_117 : memref<50000x128xf32, #tpu.memory_space<hbm>>) target(%arg21 : memref<64x128xf32, #tpu.memory_space<vmem>>) offsets(%arg13 : memref<64xi32, #tpu.memory_space<vmem>>) semaphore(%arg28 : memref<!tpu.dma_semaphore, #tpu.memory_space<semaphore_mem>>)
      %get3A_118 = arith.constant 64 : index
      %get3A_119 = tpu.vector_load %arg11[%get3A_118] {strides = array<i32>} : memref<1024xi32, #tpu.memory_space<vmem>>, vector<16xi32>,
      %get3A_120 = vector.shape_cast %get3A_119 : vector<16xi32> to vector<16xi32>
      %mul3A_121 = arith.constant 10000 : i32
      %mul3A_122 = vector.broadcast %mul3A_121 : i32 to vector<16xi32>
      %mul3A_123 = arith.muli %get3A_120, %mul3A_122 : vector<16xi32>
      %get3A_124 = arith.constant 64 : index
      %get3A_125 = tpu.vector_load %arg10[%get3A_124] {strides = array<i32>} : memref<1024xi32, #tpu.memory_space<vmem>>, vector<16xi32>,
      %get3A_126 = vector.shape_cast %get3A_125 : vector<16xi32> to vector<16xi32>
      %add3A_127 = arith.addi %mul3A_123, %get3A_126 : vector<16xi32>
      %swap3A_128 = arith.constant 0 : index
      %swap3A_129 = tpu.vector_load %arg14[%swap3A_128] {strides = array<i32>} : memref<64xi32, #tpu.memory_space<vmem>>, vector<16xi32>,
      %swap3A_130 = vector.shape_cast %swap3A_129 : vector<16xi32> to vector<16xi32>
      %swap3A_131 = vector.shape_cast %add3A_127 : vector<16xi32> to vector<16xi32>
      tpu.vector_store %arg14[%swap3A_128], %swap3A_131 {strides = array<i32>} : memref<64xi32, #tpu.memory_space<vmem>>, vector<16xi32>,
      %get3A_132 = arith.constant 64 : index
      %get3A_133 = tpu.vector_load %arg12[%get3A_132] {strides = array<i32>} : memref<1024xi32, #tpu.memory_space<vmem>>, vector<16xi32>,
      %get3A_134 = vector.shape_cast %get3A_133 : vector<16xi32> to vector<16xi32>
      %swap3A_135 = arith.constant 0 : index
      %swap3A_136 = tpu.vector_load %arg18[%swap3A_135] {strides = array<i32>} : memref<64xi32, #tpu.memory_space<vmem>>, vector<16xi32>,
      %swap3A_137 = vector.shape_cast %swap3A_136 : vector<16xi32> to vector<16xi32>
      %swap3A_138 = vector.shape_cast %get3A_134 : vector<16xi32> to vector<16xi32>
      tpu.vector_store %arg18[%swap3A_135], %swap3A_138 {strides = array<i32>} : memref<64xi32, #tpu.memory_space<vmem>>, vector<16xi32>,
      %get3A_139 = arith.constant 80 : index
      %get3A_140 = tpu.vector_load %arg11[%get3A_139] {strides = array<i32>} : memref<1024xi32, #tpu.memory_space<vmem>>, vector<16xi32>,
      %get3A_141 = vector.shape_cast %get3A_140 : vector<16xi32> to vector<16xi32>
      %mul3A_142 = arith.constant 10000 : i32
      %mul3A_143 = vector.broadcast %mul3A_142 : i32 to vector<16xi32>
      %mul3A_144 = arith.muli %get3A_141, %mul3A_143 : vector<16xi32>
      %get3A_145 = arith.constant 80 : index
      %get3A_146 = tpu.vector_load %arg10[%get3A_145] {strides = array<i32>} : memref<1024xi32, #tpu.memory_space<vmem>>, vector<16xi32>,
      %get3A_147 = vector.shape_cast %get3A_146 : vector<16xi32> to vector<16xi32>
      %add3A_148 = arith.addi %mul3A_144, %get3A_147 : vector<16xi32>
      %swap3A_149 = arith.constant 16 : index
      %swap3A_150 = tpu.vector_load %arg14[%swap3A_149] {strides = array<i32>} : memref<64xi32, #tpu.memory_space<vmem>>, vector<16xi32>,
      %swap3A_151 = vector.shape_cast %swap3A_150 : vector<16xi32> to vector<16xi32>
      %swap3A_152 = vector.shape_cast %add3A_148 : vector<16xi32> to vector<16xi32>
      tpu.vector_store %arg14[%swap3A_149], %swap3A_152 {strides = array<i32>} : memref<64xi32, #tpu.memory_space<vmem>>, vector<16xi32>,
      %get3A_153 = arith.constant 80 : index
      %get3A_154 = tpu.vector_load %arg12[%get3A_153] {strides = array<i32>} : memref<1024xi32, #tpu.memory_space<vmem>>, vector<16xi32>,
      %get3A_155 = vector.shape_cast %get3A_154 : vector<16xi32> to vector<16xi32>
      %swap3A_156 = arith.constant 16 : index
      %swap3A_157 = tpu.vector_load %arg18[%swap3A_156] {strides = array<i32>} : memref<64xi32, #tpu.memory_space<vmem>>, vector<16xi32>,
      %swap3A_158 = vector.shape_cast %swap3A_157 : vector<16xi32> to vector<16xi32>
      %swap3A_159 = vector.shape_cast %get3A_155 : vector<16xi32> to vector<16xi32>
      tpu.vector_store %arg18[%swap3A_156], %swap3A_159 {strides = array<i32>} : memref<64xi32, #tpu.memory_space<vmem>>, vector<16xi32>,
      %get3A_160 = arith.constant 96 : index
      %get3A_161 = tpu.vector_load %arg11[%get3A_160] {strides = array<i32>} : memref<1024xi32, #tpu.memory_space<vmem>>, vector<16xi32>,
      %get3A_162 = vector.shape_cast %get3A_161 : vector<16xi32> to vector<16xi32>
      %mul3A_163 = arith.constant 10000 : i32
      %mul3A_164 = vector.broadcast %mul3A_163 : i32 to vector<16xi32>
      %mul3A_165 = arith.muli %get3A_162, %mul3A_164 : vector<16xi32>
      %get3A_166 = arith.constant 96 : index
      %get3A_167 = tpu.vector_load %arg10[%get3A_166] {strides = array<i32>} : memref<1024xi32, #tpu.memory_space<vmem>>, vector<16xi32>,
      %get3A_168 = vector.shape_cast %get3A_167 : vector<16xi32> to vector<16xi32>
      %add3A_169 = arith.addi %mul3A_165, %get3A_168 : vector<16xi32>
      %swap3A_170 = arith.constant 32 : index
      %swap3A_171 = tpu.vector_load %arg14[%swap3A_170] {strides = array<i32>} : memref<64xi32, #tpu.memory_space<vmem>>, vector<16xi32>,
      %swap3A_172 = vector.shape_cast %swap3A_171 : vector<16xi32> to vector<16xi32>
      %swap3A_173 = vector.shape_cast %add3A_169 : vector<16xi32> to vector<16xi32>
      tpu.vector_store %arg14[%swap3A_170], %swap3A_173 {strides = array<i32>} : memref<64xi32, #tpu.memory_space<vmem>>, vector<16xi32>,
      %get3A_174 = arith.constant 96 : index
      %get3A_175 = tpu.vector_load %arg12[%get3A_174] {strides = array<i32>} : memref<1024xi32, #tpu.memory_space<vmem>>, vector<16xi32>,
      %get3A_176 = vector.shape_cast %get3A_175 : vector<16xi32> to vector<16xi32>
      %swap3A_177 = arith.constant 32 : index
      %swap3A_178 = tpu.vector_load %arg18[%swap3A_177] {strides = array<i32>} : memref<64xi32, #tpu.memory_space<vmem>>, vector<16xi32>,
      %swap3A_179 = vector.shape_cast %swap3A_178 : vector<16xi32> to vector<16xi32>
      %swap3A_180 = vector.shape_cast %get3A_176 : vector<16xi32> to vector<16xi32>
      tpu.vector_store %arg18[%swap3A_177], %swap3A_180 {strides = array<i32>} : memref<64xi32, #tpu.memory_space<vmem>>, vector<16xi32>,
      %get3A_181 = arith.constant 112 : index
      %get3A_182 = tpu.vector_load %arg11[%get3A_181] {strides = array<i32>} : memref<1024xi32, #tpu.memory_space<vmem>>, vector<16xi32>,
      %get3A_183 = vector.shape_cast %get3A_182 : vector<16xi32> to vector<16xi32>
      %mul3A_184 = arith.constant 10000 : i32
      %mul3A_185 = vector.broadcast %mul3A_184 : i32 to vector<16xi32>
      %mul3A_186 = arith.muli %get3A_183, %mul3A_185 : vector<16xi32>
      %get3A_187 = arith.constant 112 : index
      %get3A_188 = tpu.vector_load %arg10[%get3A_187] {strides = array<i32>} : memref<1024xi32, #tpu.memory_space<vmem>>, vector<16xi32>,
      %get3A_189 = vector.shape_cast %get3A_188 : vector<16xi32> to vector<16xi32>
      %add3A_190 = arith.addi %mul3A_186, %get3A_189 : vector<16xi32>
      %swap3A_191 = arith.constant 48 : index
      %swap3A_192 = tpu.vector_load %arg14[%swap3A_191] {strides = array<i32>} : memref<64xi32, #tpu.memory_space<vmem>>, vector<16xi32>,
      %swap3A_193 = vector.shape_cast %swap3A_192 : vector<16xi32> to vector<16xi32>
      %swap3A_194 = vector.shape_cast %add3A_190 : vector<16xi32> to vector<16xi32>
      tpu.vector_store %arg14[%swap3A_191], %swap3A_194 {strides = array<i32>} : memref<64xi32, #tpu.memory_space<vmem>>, vector<16xi32>,
      %get3A_195 = arith.constant 112 : index
      %get3A_196 = tpu.vector_load %arg12[%get3A_195] {strides = array<i32>} : memref<1024xi32, #tpu.memory_space<vmem>>, vector<16xi32>,
      %get3A_197 = vector.shape_cast %get3A_196 : vector<16xi32> to vector<16xi32>
      %swap3A_198 = arith.constant 48 : index
      %swap3A_199 = tpu.vector_load %arg18[%swap3A_198] {strides = array<i32>} : memref<64xi32, #tpu.memory_space<vmem>>, vector<16xi32>,
      %swap3A_200 = vector.shape_cast %swap3A_199 : vector<16xi32> to vector<16xi32>
      %swap3A_201 = vector.shape_cast %get3A_197 : vector<16xi32> to vector<16xi32>
      tpu.vector_store %arg18[%swap3A_198], %swap3A_201 {strides = array<i32>} : memref<64xi32, #tpu.memory_space<vmem>>, vector<16xi32>,
      %dma_start3A_202 = arith.constant 0 : i32
      %dma_start3A_203 = arith.constant 0 : i32
      %dma_start3A_204 = tpu.memref_slice %arg2[%dma_start3A_202, %dma_start3A_203] : memref<50000x128xf32, #tpu.memory_space<hbm>> -> memref<50000x128xf32, #tpu.memory_space<hbm>>
      tpu.enqueue_indirect_dma source(%dma_start3A_204 : memref<50000x128xf32, #tpu.memory_space<hbm>>) target(%arg22 : memref<64x128xf32, #tpu.memory_space<vmem>>) offsets(%arg14 : memref<64xi32, #tpu.memory_space<vmem>>) semaphore(%arg29 : memref<!tpu.dma_semaphore, #tpu.memory_space<semaphore_mem>>)
      %get3A_205 = arith.constant 128 : index
      %get3A_206 = tpu.vector_load %arg11[%get3A_205] {strides = array<i32>} : memref<1024xi32, #tpu.memory_space<vmem>>, vector<16xi32>,
      %get3A_207 = vector.shape_cast %get3A_206 : vector<16xi32> to vector<16xi32>
      %mul3A_208 = arith.constant 10000 : i32
      %mul3A_209 = vector.broadcast %mul3A_208 : i32 to vector<16xi32>
      %mul3A_210 = arith.muli %get3A_207, %mul3A_209 : vector<16xi32>
      %get3A_211 = arith.constant 128 : index
      %get3A_212 = tpu.vector_load %arg10[%get3A_211] {strides = array<i32>} : memref<1024xi32, #tpu.memory_space<vmem>>, vector<16xi32>,
      %get3A_213 = vector.shape_cast %get3A_212 : vector<16xi32> to vector<16xi32>
      %add3A_214 = arith.addi %mul3A_210, %get3A_213 : vector<16xi32>
      %swap3A_215 = arith.constant 0 : index
      %swap3A_216 = tpu.vector_load %arg15[%swap3A_215] {strides = array<i32>} : memref<64xi32, #tpu.memory_space<vmem>>, vector<16xi32>,
      %swap3A_217 = vector.shape_cast %swap3A_216 : vector<16xi32> to vector<16xi32>
      %swap3A_218 = vector.shape_cast %add3A_214 : vector<16xi32> to vector<16xi32>
      tpu.vector_store %arg15[%swap3A_215], %swap3A_218 {strides = array<i32>} : memref<64xi32, #tpu.memory_space<vmem>>, vector<16xi32>,
      %get3A_219 = arith.constant 128 : index
      %get3A_220 = tpu.vector_load %arg12[%get3A_219] {strides = array<i32>} : memref<1024xi32, #tpu.memory_space<vmem>>, vector<16xi32>,
      %get3A_221 = vector.shape_cast %get3A_220 : vector<16xi32> to vector<16xi32>
      %swap3A_222 = arith.constant 0 : index
      %swap3A_223 = tpu.vector_load %arg19[%swap3A_222] {strides = array<i32>} : memref<64xi32, #tpu.memory_space<vmem>>, vector<16xi32>,
      %swap3A_224 = vector.shape_cast %swap3A_223 : vector<16xi32> to vector<16xi32>
      %swap3A_225 = vector.shape_cast %get3A_221 : vector<16xi32> to vector<16xi32>
      tpu.vector_store %arg19[%swap3A_222], %swap3A_225 {strides = array<i32>} : memref<64xi32, #tpu.memory_space<vmem>>, vector<16xi32>,
      %get3A_226 = arith.constant 144 : index
      %get3A_227 = tpu.vector_load %arg11[%get3A_226] {strides = array<i32>} : memref<1024xi32, #tpu.memory_space<vmem>>, vector<16xi32>,
      %get3A_228 = vector.shape_cast %get3A_227 : vector<16xi32> to vector<16xi32>
      %mul3A_229 = arith.constant 10000 : i32
      %mul3A_230 = vector.broadcast %mul3A_229 : i32 to vector<16xi32>
      %mul3A_231 = arith.muli %get3A_228, %mul3A_230 : vector<16xi32>
      %get3A_232 = arith.constant 144 : index
      %get3A_233 = tpu.vector_load %arg10[%get3A_232] {strides = array<i32>} : memref<1024xi32, #tpu.memory_space<vmem>>, vector<16xi32>,
      %get3A_234 = vector.shape_cast %get3A_233 : vector<16xi32> to vector<16xi32>
      %add3A_235 = arith.addi %mul3A_231, %get3A_234 : vector<16xi32>
      %swap3A_236 = arith.constant 16 : index
      %swap3A_237 = tpu.vector_load %arg15[%swap3A_236] {strides = array<i32>} : memref<64xi32, #tpu.memory_space<vmem>>, vector<16xi32>,
      %swap3A_238 = vector.shape_cast %swap3A_237 : vector<16xi32> to vector<16xi32>
      %swap3A_239 = vector.shape_cast %add3A_235 : vector<16xi32> to vector<16xi32>
      tpu.vector_store %arg15[%swap3A_236], %swap3A_239 {strides = array<i32>} : memref<64xi32, #tpu.memory_space<vmem>>, vector<16xi32>,
      %get3A_240 = arith.constant 144 : index
      %get3A_241 = tpu.vector_load %arg12[%get3A_240] {strides = array<i32>} : memref<1024xi32, #tpu.memory_space<vmem>>, vector<16xi32>,
      %get3A_242 = vector.shape_cast %get3A_241 : vector<16xi32> to vector<16xi32>
      %swap3A_243 = arith.constant 16 : index
      %swap3A_244 = tpu.vector_load %arg19[%swap3A_243] {strides = array<i32>} : memref<64xi32, #tpu.memory_space<vmem>>, vector<16xi32>,
      %swap3A_245 = vector.shape_cast %swap3A_244 : vector<16xi32> to vector<16xi32>
      %swap3A_246 = vector.shape_cast %get3A_242 : vector<16xi32> to vector<16xi32>
      tpu.vector_store %arg19[%swap3A_243], %swap3A_246 {strides = array<i32>} : memref<64xi32, #tpu.memory_space<vmem>>, vector<16xi32>,
      %get3A_247 = arith.constant 160 : index
      %get3A_248 = tpu.vector_load %arg11[%get3A_247] {strides = array<i32>} : memref<1024xi32, #tpu.memory_space<vmem>>, vector<16xi32>,
      %get3A_249 = vector.shape_cast %get3A_248 : vector<16xi32> to vector<16xi32>
      %mul3A_250 = arith.constant 10000 : i32
      %mul3A_251 = vector.broadcast %mul3A_250 : i32 to vector<16xi32>
      %mul3A_252 = arith.muli %get3A_249, %mul3A_251 : vector<16xi32>
      %get3A_253 = arith.constant 160 : index
      %get3A_254 = tpu.vector_load %arg10[%get3A_253] {strides = array<i32>} : memref<1024xi32, #tpu.memory_space<vmem>>, vector<16xi32>,
      %get3A_255 = vector.shape_cast %get3A_254 : vector<16xi32> to vector<16xi32>
      %add3A_256 = arith.addi %mul3A_252, %get3A_255 : vector<16xi32>
      %swap3A_257 = arith.constant 32 : index
      %swap3A_258 = tpu.vector_load %arg15[%swap3A_257] {strides = array<i32>} : memref<64xi32, #tpu.memory_space<vmem>>, vector<16xi32>,
      %swap3A_259 = vector.shape_cast %swap3A_258 : vector<16xi32> to vector<16xi32>
      %swap3A_260 = vector.shape_cast %add3A_256 : vector<16xi32> to vector<16xi32>
      tpu.vector_store %arg15[%swap3A_257], %swap3A_260 {strides = array<i32>} : memref<64xi32, #tpu.memory_space<vmem>>, vector<16xi32>,
      %get3A_261 = arith.constant 160 : index
      %get3A_262 = tpu.vector_load %arg12[%get3A_261] {strides = array<i32>} : memref<1024xi32, #tpu.memory_space<vmem>>, vector<16xi32>,
      %get3A_263 = vector.shape_cast %get3A_262 : vector<16xi32> to vector<16xi32>
      %swap3A_264 = arith.constant 32 : index
      %swap3A_265 = tpu.vector_load %arg19[%swap3A_264] {strides = array<i32>} : memref<64xi32, #tpu.memory_space<vmem>>, vector<16xi32>,
      %swap3A_266 = vector.shape_cast %swap3A_265 : vector<16xi32> to vector<16xi32>
      %swap3A_267 = vector.shape_cast %get3A_263 : vector<16xi32> to vector<16xi32>
      tpu.vector_store %arg19[%swap3A_264], %swap3A_267 {strides = array<i32>} : memref<64xi32, #tpu.memory_space<vmem>>, vector<16xi32>,
      %get3A_268 = arith.constant 176 : index
      %get3A_269 = tpu.vector_load %arg11[%get3A_268] {strides = array<i32>} : memref<1024xi32, #tpu.memory_space<vmem>>, vector<16xi32>,
      %get3A_270 = vector.shape_cast %get3A_269 : vector<16xi32> to vector<16xi32>
      %mul3A_271 = arith.constant 10000 : i32
      %mul3A_272 = vector.broadcast %mul3A_271 : i32 to vector<16xi32>
      %mul3A_273 = arith.muli %get3A_270, %mul3A_272 : vector<16xi32>
      %get3A_274 = arith.constant 176 : index
      %get3A_275 = tpu.vector_load %arg10[%get3A_274] {strides = array<i32>} : memref<1024xi32, #tpu.memory_space<vmem>>, vector<16xi32>,
      %get3A_276 = vector.shape_cast %get3A_275 : vector<16xi32> to vector<16xi32>
      %add3A_277 = arith.addi %mul3A_273, %get3A_276 : vector<16xi32>
      %swap3A_278 = arith.constant 48 : index
      %swap3A_279 = tpu.vector_load %arg15[%swap3A_278] {strides = array<i32>} : memref<64xi32, #tpu.memory_space<vmem>>, vector<16xi32>,
      %swap3A_280 = vector.shape_cast %swap3A_279 : vector<16xi32> to vector<16xi32>
      %swap3A_281 = vector.shape_cast %add3A_277 : vector<16xi32> to vector<16xi32>
      tpu.vector_store %arg15[%swap3A_278], %swap3A_281 {strides = array<i32>} : memref<64xi32, #tpu.memory_space<vmem>>, vector<16xi32>,
      %get3A_282 = arith.constant 176 : index
      %get3A_283 = tpu.vector_load %arg12[%get3A_282] {strides = array<i32>} : memref<1024xi32, #tpu.memory_space<vmem>>, vector<16xi32>,
      %get3A_284 = vector.shape_cast %get3A_283 : vector<16xi32> to vector<16xi32>
      %swap3A_285 = arith.constant 48 : index
      %swap3A_286 = tpu.vector_load %arg19[%swap3A_285] {strides = array<i32>} : memref<64xi32, #tpu.memory_space<vmem>>, vector<16xi32>,
      %swap3A_287 = vector.shape_cast %swap3A_286 : vector<16xi32> to vector<16xi32>
      %swap3A_288 = vector.shape_cast %get3A_284 : vector<16xi32> to vector<16xi32>
      tpu.vector_store %arg19[%swap3A_285], %swap3A_288 {strides = array<i32>} : memref<64xi32, #tpu.memory_space<vmem>>, vector<16xi32>,
      %dma_start3A_289 = arith.constant 0 : i32
      %dma_start3A_290 = arith.constant 0 : i32
      %dma_start3A_291 = tpu.memref_slice %arg2[%dma_start3A_289, %dma_start3A_290] : memref<50000x128xf32, #tpu.memory_space<hbm>> -> memref<50000x128xf32, #tpu.memory_space<hbm>>
      tpu.enqueue_indirect_dma source(%dma_start3A_291 : memref<50000x128xf32, #tpu.memory_space<hbm>>) target(%arg23 : memref<64x128xf32, #tpu.memory_space<vmem>>) offsets(%arg15 : memref<64xi32, #tpu.memory_space<vmem>>) semaphore(%arg30 : memref<!tpu.dma_semaphore, #tpu.memory_space<semaphore_mem>>)
      %get3A_292 = arith.constant 192 : index
      %get3A_293 = tpu.vector_load %arg11[%get3A_292] {strides = array<i32>} : memref<1024xi32, #tpu.memory_space<vmem>>, vector<16xi32>,
      %get3A_294 = vector.shape_cast %get3A_293 : vector<16xi32> to vector<16xi32>
      %mul3A_295 = arith.constant 10000 : i32
      %mul3A_296 = vector.broadcast %mul3A_295 : i32 to vector<16xi32>
      %mul3A_297 = arith.muli %get3A_294, %mul3A_296 : vector<16xi32>
      %get3A_298 = arith.constant 192 : index
      %get3A_299 = tpu.vector_load %arg10[%get3A_298] {strides = array<i32>} : memref<1024xi32, #tpu.memory_space<vmem>>, vector<16xi32>,
      %get3A_300 = vector.shape_cast %get3A_299 : vector<16xi32> to vector<16xi32>
      %add3A_301 = arith.addi %mul3A_297, %get3A_300 : vector<16xi32>
      %swap3A_302 = arith.constant 0 : index
      %swap3A_303 = tpu.vector_load %arg16[%swap3A_302] {strides = array<i32>} : memref<64xi32, #tpu.memory_space<vmem>>, vector<16xi32>,
      %swap3A_304 = vector.shape_cast %swap3A_303 : vector<16xi32> to vector<16xi32>
      %swap3A_305 = vector.shape_cast %add3A_301 : vector<16xi32> to vector<16xi32>
      tpu.vector_store %arg16[%swap3A_302], %swap3A_305 {strides = array<i32>} : memref<64xi32, #tpu.memory_space<vmem>>, vector<16xi32>,
      %get3A_306 = arith.constant 192 : index
      %get3A_307 = tpu.vector_load %arg12[%get3A_306] {strides = array<i32>} : memref<1024xi32, #tpu.memory_space<vmem>>, vector<16xi32>,
      %get3A_308 = vector.shape_cast %get3A_307 : vector<16xi32> to vector<16xi32>
      %swap3A_309 = arith.constant 0 : index
      %swap3A_310 = tpu.vector_load %arg20[%swap3A_309] {strides = array<i32>} : memref<64xi32, #tpu.memory_space<vmem>>, vector<16xi32>,
      %swap3A_311 = vector.shape_cast %swap3A_310 : vector<16xi32> to vector<16xi32>
      %swap3A_312 = vector.shape_cast %get3A_308 : vector<16xi32> to vector<16xi32>
      tpu.vector_store %arg20[%swap3A_309], %swap3A_312 {strides = array<i32>} : memref<64xi32, #tpu.memory_space<vmem>>, vector<16xi32>,
      %get3A_313 = arith.constant 208 : index
      %get3A_314 = tpu.vector_load %arg11[%get3A_313] {strides = array<i32>} : memref<1024xi32, #tpu.memory_space<vmem>>, vector<16xi32>,
      %get3A_315 = vector.shape_cast %get3A_314 : vector<16xi32> to vector<16xi32>
      %mul3A_316 = arith.constant 10000 : i32
      %mul3A_317 = vector.broadcast %mul3A_316 : i32 to vector<16xi32>
      %mul3A_318 = arith.muli %get3A_315, %mul3A_317 : vector<16xi32>
      %get3A_319 = arith.constant 208 : index
      %get3A_320 = tpu.vector_load %arg10[%get3A_319] {strides = array<i32>} : memref<1024xi32, #tpu.memory_space<vmem>>, vector<16xi32>,
      %get3A_321 = vector.shape_cast %get3A_320 : vector<16xi32> to vector<16xi32>
      %add3A_322 = arith.addi %mul3A_318, %get3A_321 : vector<16xi32>
      %swap3A_323 = arith.constant 16 : index
      %swap3A_324 = tpu.vector_load %arg16[%swap3A_323] {strides = array<i32>} : memref<64xi32, #tpu.memory_space<vmem>>, vector<16xi32>,
      %swap3A_325 = vector.shape_cast %swap3A_324 : vector<16xi32> to vector<16xi32>
      %swap3A_326 = vector.shape_cast %add3A_322 : vector<16xi32> to vector<16xi32>
      tpu.vector_store %arg16[%swap3A_323], %swap3A_326 {strides = array<i32>} : memref<64xi32, #tpu.memory_space<vmem>>, vector<16xi32>,
      %get3A_327 = arith.constant 208 : index
      %get3A_328 = tpu.vector_load %arg12[%get3A_327] {strides = array<i32>} : memref<1024xi32, #tpu.memory_space<vmem>>, vector<16xi32>,
      %get3A_329 = vector.shape_cast %get3A_328 : vector<16xi32> to vector<16xi32>
      %swap3A_330 = arith.constant 16 : index
      %swap3A_331 = tpu.vector_load %arg20[%swap3A_330] {strides = array<i32>} : memref<64xi32, #tpu.memory_space<vmem>>, vector<16xi32>,
      %swap3A_332 = vector.shape_cast %swap3A_331 : vector<16xi32> to vector<16xi32>
      %swap3A_333 = vector.shape_cast %get3A_329 : vector<16xi32> to vector<16xi32>
      tpu.vector_store %arg20[%swap3A_330], %swap3A_333 {strides = array<i32>} : memref<64xi32, #tpu.memory_space<vmem>>, vector<16xi32>,
      %get3A_334 = arith.constant 224 : index
      %get3A_335 = tpu.vector_load %arg11[%get3A_334] {strides = array<i32>} : memref<1024xi32, #tpu.memory_space<vmem>>, vector<16xi32>,
      %get3A_336 = vector.shape_cast %get3A_335 : vector<16xi32> to vector<16xi32>
      %mul3A_337 = arith.constant 10000 : i32
      %mul3A_338 = vector.broadcast %mul3A_337 : i32 to vector<16xi32>
      %mul3A_339 = arith.muli %get3A_336, %mul3A_338 : vector<16xi32>
      %get3A_340 = arith.constant 224 : index
      %get3A_341 = tpu.vector_load %arg10[%get3A_340] {strides = array<i32>} : memref<1024xi32, #tpu.memory_space<vmem>>, vector<16xi32>,
      %get3A_342 = vector.shape_cast %get3A_341 : vector<16xi32> to vector<16xi32>
      %add3A_343 = arith.addi %mul3A_339, %get3A_342 : vector<16xi32>
      %swap3A_344 = arith.constant 32 : index
      %swap3A_345 = tpu.vector_load %arg16[%swap3A_344] {strides = array<i32>} : memref<64xi32, #tpu.memory_space<vmem>>, vector<16xi32>,
      %swap3A_346 = vector.shape_cast %swap3A_345 : vector<16xi32> to vector<16xi32>
      %swap3A_347 = vector.shape_cast %add3A_343 : vector<16xi32> to vector<16xi32>
      tpu.vector_store %arg16[%swap3A_344], %swap3A_347 {strides = array<i32>} : memref<64xi32, #tpu.memory_space<vmem>>, vector<16xi32>,
      %get3A_348 = arith.constant 224 : index
      %get3A_349 = tpu.vector_load %arg12[%get3A_348] {strides = array<i32>} : memref<1024xi32, #tpu.memory_space<vmem>>, vector<16xi32>,
      %get3A_350 = vector.shape_cast %get3A_349 : vector<16xi32> to vector<16xi32>
      %swap3A_351 = arith.constant 32 : index
      %swap3A_352 = tpu.vector_load %arg20[%swap3A_351] {strides = array<i32>} : memref<64xi32, #tpu.memory_space<vmem>>, vector<16xi32>,
      %swap3A_353 = vector.shape_cast %swap3A_352 : vector<16xi32> to vector<16xi32>
      %swap3A_354 = vector.shape_cast %get3A_350 : vector<16xi32> to vector<16xi32>
      tpu.vector_store %arg20[%swap3A_351], %swap3A_354 {strides = array<i32>} : memref<64xi32, #tpu.memory_space<vmem>>, vector<16xi32>,
      %get3A_355 = arith.constant 240 : index
      %get3A_356 = tpu.vector_load %arg11[%get3A_355] {strides = array<i32>} : memref<1024xi32, #tpu.memory_space<vmem>>, vector<16xi32>,
      %get3A_357 = vector.shape_cast %get3A_356 : vector<16xi32> to vector<16xi32>
      %mul3A_358 = arith.constant 10000 : i32
      %mul3A_359 = vector.broadcast %mul3A_358 : i32 to vector<16xi32>
      %mul3A_360 = arith.muli %get3A_357, %mul3A_359 : vector<16xi32>
      %get3A_361 = arith.constant 240 : index
      %get3A_362 = tpu.vector_load %arg10[%get3A_361] {strides = array<i32>} : memref<1024xi32, #tpu.memory_space<vmem>>, vector<16xi32>,
      %get3A_363 = vector.shape_cast %get3A_362 : vector<16xi32> to vector<16xi32>
      %add3A_364 = arith.addi %mul3A_360, %get3A_363 : vector<16xi32>
      %swap3A_365 = arith.constant 48 : index
      %swap3A_366 = tpu.vector_load %arg16[%swap3A_365] {strides = array<i32>} : memref<64xi32, #tpu.memory_space<vmem>>, vector<16xi32>,
      %swap3A_367 = vector.shape_cast %swap3A_366 : vector<16xi32> to vector<16xi32>
      %swap3A_368 = vector.shape_cast %add3A_364 : vector<16xi32> to vector<16xi32>
      tpu.vector_store %arg16[%swap3A_365], %swap3A_368 {strides = array<i32>} : memref<64xi32, #tpu.memory_space<vmem>>, vector<16xi32>,
      %get3A_369 = arith.constant 240 : index
      %get3A_370 = tpu.vector_load %arg12[%get3A_369] {strides = array<i32>} : memref<1024xi32, #tpu.memory_space<vmem>>, vector<16xi32>,
      %get3A_371 = vector.shape_cast %get3A_370 : vector<16xi32> to vector<16xi32>
      %swap3A_372 = arith.constant 48 : index
      %swap3A_373 = tpu.vector_load %arg20[%swap3A_372] {strides = array<i32>} : memref<64xi32, #tpu.memory_space<vmem>>, vector<16xi32>,
      %swap3A_374 = vector.shape_cast %swap3A_373 : vector<16xi32> to vector<16xi32>
      %swap3A_375 = vector.shape_cast %get3A_371 : vector<16xi32> to vector<16xi32>
      tpu.vector_store %arg20[%swap3A_372], %swap3A_375 {strides = array<i32>} : memref<64xi32, #tpu.memory_space<vmem>>, vector<16xi32>,
      %dma_start3A_376 = arith.constant 0 : i32
      %dma_start3A_377 = arith.constant 0 : i32
      %dma_start3A_378 = tpu.memref_slice %arg2[%dma_start3A_376, %dma_start3A_377] : memref<50000x128xf32, #tpu.memory_space<hbm>> -> memref<50000x128xf32, #tpu.memory_space<hbm>>
      tpu.enqueue_indirect_dma source(%dma_start3A_378 : memref<50000x128xf32, #tpu.memory_space<hbm>>) target(%arg24 : memref<64x128xf32, #tpu.memory_space<vmem>>) offsets(%arg16 : memref<64xi32, #tpu.memory_space<vmem>>) semaphore(%arg31 : memref<!tpu.dma_semaphore, #tpu.memory_space<semaphore_mem>>)
      %dma_wait3A = arith.constant 0 : i32
      %dma_wait3A_379 = arith.constant 0 : i32
      %dma_wait3A_380 = tpu.memref_slice %arg2[%dma_wait3A, %dma_wait3A_379] : memref<50000x128xf32, #tpu.memory_space<hbm>> -> memref<50000x128xf32, #tpu.memory_space<hbm>>
      tpu.wait_indirect_dma semaphore(%arg28 : memref<!tpu.dma_semaphore, #tpu.memory_space<semaphore_mem>>) src(%dma_wait3A_380 : memref<50000x128xf32, #tpu.memory_space<hbm>>) dst(%arg21 : memref<64x128xf32, #tpu.memory_space<vmem>>)
      "tpu.region"() ({
        %run_scoped3A = tpu.sem_alloc : memref<!tpu.dma_semaphore, #tpu.memory_space<semaphore_mem>>
        %dma_start3A_1470 = arith.constant 0 : i32
        %dma_start3A_1471 = arith.constant 0 : i32
        %dma_start3A_1472 = tpu.memref_slice %arg26[%dma_start3A_1470, %dma_start3A_1471] : memref<10240x128xf32, #tpu.memory_space<vmem_shared>> -> memref<10240x128xf32, #tpu.memory_space<vmem_shared>>
        tpu.enqueue_indirect_dma source(%arg21 : memref<64x128xf32, #tpu.memory_space<vmem>>) target(%dma_start3A_1472 : memref<10240x128xf32, #tpu.memory_space<vmem_shared>>) offsets(%arg17 : memref<64xi32, #tpu.memory_space<vmem>>) semaphore(%run_scoped3A : memref<!tpu.dma_semaphore, #tpu.memory_space<semaphore_mem>>) {add = true}
        %dma_wait3A_1473 = arith.constant 0 : i32
        %dma_wait3A_1474 = arith.constant 0 : i32
        %dma_wait3A_1475 = tpu.memref_slice %arg26[%dma_wait3A_1473, %dma_wait3A_1474] : memref<10240x128xf32, #tpu.memory_space<vmem_shared>> -> memref<10240x128xf32, #tpu.memory_space<vmem_shared>>
        tpu.wait_indirect_dma semaphore(%run_scoped3A : memref<!tpu.dma_semaphore, #tpu.memory_space<semaphore_mem>>) src(%arg21 : memref<64x128xf32, #tpu.memory_space<vmem>>) dst(%dma_wait3A_1475 : memref<10240x128xf32, #tpu.memory_space<vmem_shared>>)
        tpu.yield
      }) : () -> ()
      "tpu.region"() ({
        %run_scoped3A = tpu.sem_alloc : memref<!tpu.dma_semaphore, #tpu.memory_space<semaphore_mem>>
        %dma_start3A_1470 = arith.constant 0 : i32
        %dma_start3A_1471 = tpu.memref_slice %arg27[%dma_start3A_1470] : memref<10240xf32, #tpu.memory_space<vmem_shared>> -> memref<10240xf32, #tpu.memory_space<vmem_shared>>
        tpu.enqueue_indirect_dma source(%arg25 : memref<64xf32, #tpu.memory_space<vmem>>) target(%dma_start3A_1471 : memref<10240xf32, #tpu.memory_space<vmem_shared>>) offsets(%arg17 : memref<64xi32, #tpu.memory_space<vmem>>) semaphore(%run_scoped3A : memref<!tpu.dma_semaphore, #tpu.memory_space<semaphore_mem>>) {add = true}
        %dma_wait3A_1472 = arith.constant 0 : i32
        %dma_wait3A_1473 = tpu.memref_slice %arg27[%dma_wait3A_1472] : memref<10240xf32, #tpu.memory_space<vmem_shared>> -> memref<10240xf32, #tpu.memory_space<vmem_shared>>
        tpu.wait_indirect_dma semaphore(%run_scoped3A : memref<!tpu.dma_semaphore, #tpu.memory_space<semaphore_mem>>) src(%arg25 : memref<64xf32, #tpu.memory_space<vmem>>) dst(%dma_wait3A_1473 : memref<10240xf32, #tpu.memory_space<vmem_shared>>)
        tpu.yield
      }) : () -> ()
      %get3A_381 = arith.constant 256 : index
      %get3A_382 = tpu.vector_load %arg11[%get3A_381] {strides = array<i32>} : memref<1024xi32, #tpu.memory_space<vmem>>, vector<16xi32>,
      %get3A_383 = vector.shape_cast %get3A_382 : vector<16xi32> to vector<16xi32>
      %mul3A_384 = arith.constant 10000 : i32
      %mul3A_385 = vector.broadcast %mul3A_384 : i32 to vector<16xi32>
      %mul3A_386 = arith.muli %get3A_383, %mul3A_385 : vector<16xi32>
      %get3A_387 = arith.constant 256 : index
      %get3A_388 = tpu.vector_load %arg10[%get3A_387] {strides = array<i32>} : memref<1024xi32, #tpu.memory_space<vmem>>, vector<16xi32>,
      %get3A_389 = vector.shape_cast %get3A_388 : vector<16xi32> to vector<16xi32>
      %add3A_390 = arith.addi %mul3A_386, %get3A_389 : vector<16xi32>
      %swap3A_391 = arith.constant 0 : index
      %swap3A_392 = tpu.vector_load %arg13[%swap3A_391] {strides = array<i32>} : memref<64xi32, #tpu.memory_space<vmem>>, vector<16xi32>,
      %swap3A_393 = vector.shape_cast %swap3A_392 : vector<16xi32> to vector<16xi32>
      %swap3A_394 = vector.shape_cast %add3A_390 : vector<16xi32> to vector<16xi32>
      tpu.vector_store %arg13[%swap3A_391], %swap3A_394 {strides = array<i32>} : memref<64xi32, #tpu.memory_space<vmem>>, vector<16xi32>,
      %get3A_395 = arith.constant 256 : index
      %get3A_396 = tpu.vector_load %arg12[%get3A_395] {strides = array<i32>} : memref<1024xi32, #tpu.memory_space<vmem>>, vector<16xi32>,
      %get3A_397 = vector.shape_cast %get3A_396 : vector<16xi32> to vector<16xi32>
      %swap3A_398 = arith.constant 0 : index
      %swap3A_399 = tpu.vector_load %arg17[%swap3A_398] {strides = array<i32>} : memref<64xi32, #tpu.memory_space<vmem>>, vector<16xi32>,
      %swap3A_400 = vector.shape_cast %swap3A_399 : vector<16xi32> to vector<16xi32>
      %swap3A_401 = vector.shape_cast %get3A_397 : vector<16xi32> to vector<16xi32>
      tpu.vector_store %arg17[%swap3A_398], %swap3A_401 {strides = array<i32>} : memref<64xi32, #tpu.memory_space<vmem>>, vector<16xi32>,
      %get3A_402 = arith.constant 272 : index
      %get3A_403 = tpu.vector_load %arg11[%get3A_402] {strides = array<i32>} : memref<1024xi32, #tpu.memory_space<vmem>>, vector<16xi32>,
      %get3A_404 = vector.shape_cast %get3A_403 : vector<16xi32> to vector<16xi32>
      %mul3A_405 = arith.constant 10000 : i32
      %mul3A_406 = vector.broadcast %mul3A_405 : i32 to vector<16xi32>
      %mul3A_407 = arith.muli %get3A_404, %mul3A_406 : vector<16xi32>
      %get3A_408 = arith.constant 272 : index
      %get3A_409 = tpu.vector_load %arg10[%get3A_408] {strides = array<i32>} : memref<1024xi32, #tpu.memory_space<vmem>>, vector<16xi32>,
      %get3A_410 = vector.shape_cast %get3A_409 : vector<16xi32> to vector<16xi32>
      %add3A_411 = arith.addi %mul3A_407, %get3A_410 : vector<16xi32>
      %swap3A_412 = arith.constant 16 : index
      %swap3A_413 = tpu.vector_load %arg13[%swap3A_412] {strides = array<i32>} : memref<64xi32, #tpu.memory_space<vmem>>, vector<16xi32>,
      %swap3A_414 = vector.shape_cast %swap3A_413 : vector<16xi32> to vector<16xi32>
      %swap3A_415 = vector.shape_cast %add3A_411 : vector<16xi32> to vector<16xi32>
      tpu.vector_store %arg13[%swap3A_412], %swap3A_415 {strides = array<i32>} : memref<64xi32, #tpu.memory_space<vmem>>, vector<16xi32>,
      %get3A_416 = arith.constant 272 : index
      %get3A_417 = tpu.vector_load %arg12[%get3A_416] {strides = array<i32>} : memref<1024xi32, #tpu.memory_space<vmem>>, vector<16xi32>,
      %get3A_418 = vector.shape_cast %get3A_417 : vector<16xi32> to vector<16xi32>
      %swap3A_419 = arith.constant 16 : index
      %swap3A_420 = tpu.vector_load %arg17[%swap3A_419] {strides = array<i32>} : memref<64xi32, #tpu.memory_space<vmem>>, vector<16xi32>,
      %swap3A_421 = vector.shape_cast %swap3A_420 : vector<16xi32> to vector<16xi32>
      %swap3A_422 = vector.shape_cast %get3A_418 : vector<16xi32> to vector<16xi32>
      tpu.vector_store %arg17[%swap3A_419], %swap3A_422 {strides = array<i32>} : memref<64xi32, #tpu.memory_space<vmem>>, vector<16xi32>,
      %get3A_423 = arith.constant 288 : index
      %get3A_424 = tpu.vector_load %arg11[%get3A_423] {strides = array<i32>} : memref<1024xi32, #tpu.memory_space<vmem>>, vector<16xi32>,
      %get3A_425 = vector.shape_cast %get3A_424 : vector<16xi32> to vector<16xi32>
      %mul3A_426 = arith.constant 10000 : i32
      %mul3A_427 = vector.broadcast %mul3A_426 : i32 to vector<16xi32>
      %mul3A_428 = arith.muli %get3A_425, %mul3A_427 : vector<16xi32>
      %get3A_429 = arith.constant 288 : index
      %get3A_430 = tpu.vector_load %arg10[%get3A_429] {strides = array<i32>} : memref<1024xi32, #tpu.memory_space<vmem>>, vector<16xi32>,
      %get3A_431 = vector.shape_cast %get3A_430 : vector<16xi32> to vector<16xi32>
      %add3A_432 = arith.addi %mul3A_428, %get3A_431 : vector<16xi32>
      %swap3A_433 = arith.constant 32 : index
      %swap3A_434 = tpu.vector_load %arg13[%swap3A_433] {strides = array<i32>} : memref<64xi32, #tpu.memory_space<vmem>>, vector<16xi32>,
      %swap3A_435 = vector.shape_cast %swap3A_434 : vector<16xi32> to vector<16xi32>
      %swap3A_436 = vector.shape_cast %add3A_432 : vector<16xi32> to vector<16xi32>
      tpu.vector_store %arg13[%swap3A_433], %swap3A_436 {strides = array<i32>} : memref<64xi32, #tpu.memory_space<vmem>>, vector<16xi32>,
      %get3A_437 = arith.constant 288 : index
      %get3A_438 = tpu.vector_load %arg12[%get3A_437] {strides = array<i32>} : memref<1024xi32, #tpu.memory_space<vmem>>, vector<16xi32>,
      %get3A_439 = vector.shape_cast %get3A_438 : vector<16xi32> to vector<16xi32>
      %swap3A_440 = arith.constant 32 : index
      %swap3A_441 = tpu.vector_load %arg17[%swap3A_440] {strides = array<i32>} : memref<64xi32, #tpu.memory_space<vmem>>, vector<16xi32>,
      %swap3A_442 = vector.shape_cast %swap3A_441 : vector<16xi32> to vector<16xi32>
      %swap3A_443 = vector.shape_cast %get3A_439 : vector<16xi32> to vector<16xi32>
      tpu.vector_store %arg17[%swap3A_440], %swap3A_443 {strides = array<i32>} : memref<64xi32, #tpu.memory_space<vmem>>, vector<16xi32>,
      %get3A_444 = arith.constant 304 : index
      %get3A_445 = tpu.vector_load %arg11[%get3A_444] {strides = array<i32>} : memref<1024xi32, #tpu.memory_space<vmem>>, vector<16xi32>,
      %get3A_446 = vector.shape_cast %get3A_445 : vector<16xi32> to vector<16xi32>
      %mul3A_447 = arith.constant 10000 : i32
      %mul3A_448 = vector.broadcast %mul3A_447 : i32 to vector<16xi32>
      %mul3A_449 = arith.muli %get3A_446, %mul3A_448 : vector<16xi32>
      %get3A_450 = arith.constant 304 : index
      %get3A_451 = tpu.vector_load %arg10[%get3A_450] {strides = array<i32>} : memref<1024xi32, #tpu.memory_space<vmem>>, vector<16xi32>,
      %get3A_452 = vector.shape_cast %get3A_451 : vector<16xi32> to vector<16xi32>
      %add3A_453 = arith.addi %mul3A_449, %get3A_452 : vector<16xi32>
      %swap3A_454 = arith.constant 48 : index
      %swap3A_455 = tpu.vector_load %arg13[%swap3A_454] {strides = array<i32>} : memref<64xi32, #tpu.memory_space<vmem>>, vector<16xi32>,
      %swap3A_456 = vector.shape_cast %swap3A_455 : vector<16xi32> to vector<16xi32>
      %swap3A_457 = vector.shape_cast %add3A_453 : vector<16xi32> to vector<16xi32>
      tpu.vector_store %arg13[%swap3A_454], %swap3A_457 {strides = array<i32>} : memref<64xi32, #tpu.memory_space<vmem>>, vector<16xi32>,
      %get3A_458 = arith.constant 304 : index
      %get3A_459 = tpu.vector_load %arg12[%get3A_458] {strides = array<i32>} : memref<1024xi32, #tpu.memory_space<vmem>>, vector<16xi32>,
      %get3A_460 = vector.shape_cast %get3A_459 : vector<16xi32> to vector<16xi32>
      %swap3A_461 = arith.constant 48 : index
      %swap3A_462 = tpu.vector_load %arg17[%swap3A_461] {strides = array<i32>} : memref<64xi32, #tpu.memory_space<vmem>>, vector<16xi32>,
      %swap3A_463 = vector.shape_cast %swap3A_462 : vector<16xi32> to vector<16xi32>
      %swap3A_464 = vector.shape_cast %get3A_460 : vector<16xi32> to vector<16xi32>
      tpu.vector_store %arg17[%swap3A_461], %swap3A_464 {strides = array<i32>} : memref<64xi32, #tpu.memory_space<vmem>>, vector<16xi32>,
      %dma_start3A_465 = arith.constant 0 : i32
      %dma_start3A_466 = arith.constant 0 : i32
      %dma_start3A_467 = tpu.memref_slice %arg2[%dma_start3A_465, %dma_start3A_466] : memref<50000x128xf32, #tpu.memory_space<hbm>> -> memref<50000x128xf32, #tpu.memory_space<hbm>>
      tpu.enqueue_indirect_dma source(%dma_start3A_467 : memref<50000x128xf32, #tpu.memory_space<hbm>>) target(%arg21 : memref<64x128xf32, #tpu.memory_space<vmem>>) offsets(%arg13 : memref<64xi32, #tpu.memory_space<vmem>>) semaphore(%arg28 : memref<!tpu.dma_semaphore, #tpu.memory_space<semaphore_mem>>)
      %dma_wait3A_468 = arith.constant 0 : i32
      %dma_wait3A_469 = arith.constant 0 : i32
      %dma_wait3A_470 = tpu.memref_slice %arg2[%dma_wait3A_468, %dma_wait3A_469] : memref<50000x128xf32, #tpu.memory_space<hbm>> -> memref<50000x128xf32, #tpu.memory_space<hbm>>
      tpu.wait_indirect_dma semaphore(%arg29 : memref<!tpu.dma_semaphore, #tpu.memory_space<semaphore_mem>>) src(%dma_wait3A_470 : memref<50000x128xf32, #tpu.memory_space<hbm>>) dst(%arg22 : memref<64x128xf32, #tpu.memory_space<vmem>>)
      "tpu.region"() ({
        %run_scoped3A = tpu.sem_alloc : memref<!tpu.dma_semaphore, #tpu.memory_space<semaphore_mem>>
        %dma_start3A_1470 = arith.constant 0 : i32
        %dma_start3A_1471 = arith.constant 0 : i32
        %dma_start3A_1472 = tpu.memref_slice %arg26[%dma_start3A_1470, %dma_start3A_1471] : memref<10240x128xf32, #tpu.memory_space<vmem_shared>> -> memref<10240x128xf32, #tpu.memory_space<vmem_shared>>
        tpu.enqueue_indirect_dma source(%arg22 : memref<64x128xf32, #tpu.memory_space<vmem>>) target(%dma_start3A_1472 : memref<10240x128xf32, #tpu.memory_space<vmem_shared>>) offsets(%arg18 : memref<64xi32, #tpu.memory_space<vmem>>) semaphore(%run_scoped3A : memref<!tpu.dma_semaphore, #tpu.memory_space<semaphore_mem>>) {add = true}
        %dma_wait3A_1473 = arith.constant 0 : i32
        %dma_wait3A_1474 = arith.constant 0 : i32
        %dma_wait3A_1475 = tpu.memref_slice %arg26[%dma_wait3A_1473, %dma_wait3A_1474] : memref<10240x128xf32, #tpu.memory_space<vmem_shared>> -> memref<10240x128xf32, #tpu.memory_space<vmem_shared>>
        tpu.wait_indirect_dma semaphore(%run_scoped3A : memref<!tpu.dma_semaphore, #tpu.memory_space<semaphore_mem>>) src(%arg22 : memref<64x128xf32, #tpu.memory_space<vmem>>) dst(%dma_wait3A_1475 : memref<10240x128xf32, #tpu.memory_space<vmem_shared>>)
        tpu.yield
      }) : () -> ()
      "tpu.region"() ({
        %run_scoped3A = tpu.sem_alloc : memref<!tpu.dma_semaphore, #tpu.memory_space<semaphore_mem>>
        %dma_start3A_1470 = arith.constant 0 : i32
        %dma_start3A_1471 = tpu.memref_slice %arg27[%dma_start3A_1470] : memref<10240xf32, #tpu.memory_space<vmem_shared>> -> memref<10240xf32, #tpu.memory_space<vmem_shared>>
        tpu.enqueue_indirect_dma source(%arg25 : memref<64xf32, #tpu.memory_space<vmem>>) target(%dma_start3A_1471 : memref<10240xf32, #tpu.memory_space<vmem_shared>>) offsets(%arg18 : memref<64xi32, #tpu.memory_space<vmem>>) semaphore(%run_scoped3A : memref<!tpu.dma_semaphore, #tpu.memory_space<semaphore_mem>>) {add = true}
        %dma_wait3A_1472 = arith.constant 0 : i32
        %dma_wait3A_1473 = tpu.memref_slice %arg27[%dma_wait3A_1472] : memref<10240xf32, #tpu.memory_space<vmem_shared>> -> memref<10240xf32, #tpu.memory_space<vmem_shared>>
        tpu.wait_indirect_dma semaphore(%run_scoped3A : memref<!tpu.dma_semaphore, #tpu.memory_space<semaphore_mem>>) src(%arg25 : memref<64xf32, #tpu.memory_space<vmem>>) dst(%dma_wait3A_1473 : memref<10240xf32, #tpu.memory_space<vmem_shared>>)
        tpu.yield
      }) : () -> ()
      %get3A_471 = arith.constant 320 : index
      %get3A_472 = tpu.vector_load %arg11[%get3A_471] {strides = array<i32>} : memref<1024xi32, #tpu.memory_space<vmem>>, vector<16xi32>,
      %get3A_473 = vector.shape_cast %get3A_472 : vector<16xi32> to vector<16xi32>
      %mul3A_474 = arith.constant 10000 : i32
      %mul3A_475 = vector.broadcast %mul3A_474 : i32 to vector<16xi32>
      %mul3A_476 = arith.muli %get3A_473, %mul3A_475 : vector<16xi32>
      %get3A_477 = arith.constant 320 : index
      %get3A_478 = tpu.vector_load %arg10[%get3A_477] {strides = array<i32>} : memref<1024xi32, #tpu.memory_space<vmem>>, vector<16xi32>,
      %get3A_479 = vector.shape_cast %get3A_478 : vector<16xi32> to vector<16xi32>
      %add3A_480 = arith.addi %mul3A_476, %get3A_479 : vector<16xi32>
      %swap3A_481 = arith.constant 0 : index
      %swap3A_482 = tpu.vector_load %arg14[%swap3A_481] {strides = array<i32>} : memref<64xi32, #tpu.memory_space<vmem>>, vector<16xi32>,
      %swap3A_483 = vector.shape_cast %swap3A_482 : vector<16xi32> to vector<16xi32>
      %swap3A_484 = vector.shape_cast %add3A_480 : vector<16xi32> to vector<16xi32>
      tpu.vector_store %arg14[%swap3A_481], %swap3A_484 {strides = array<i32>} : memref<64xi32, #tpu.memory_space<vmem>>, vector<16xi32>,
      %get3A_485 = arith.constant 320 : index
      %get3A_486 = tpu.vector_load %arg12[%get3A_485] {strides = array<i32>} : memref<1024xi32, #tpu.memory_space<vmem>>, vector<16xi32>,
      %get3A_487 = vector.shape_cast %get3A_486 : vector<16xi32> to vector<16xi32>
      %swap3A_488 = arith.constant 0 : index
      %swap3A_489 = tpu.vector_load %arg18[%swap3A_488] {strides = array<i32>} : memref<64xi32, #tpu.memory_space<vmem>>, vector<16xi32>,
      %swap3A_490 = vector.shape_cast %swap3A_489 : vector<16xi32> to vector<16xi32>
      %swap3A_491 = vector.shape_cast %get3A_487 : vector<16xi32> to vector<16xi32>
      tpu.vector_store %arg18[%swap3A_488], %swap3A_491 {strides = array<i32>} : memref<64xi32, #tpu.memory_space<vmem>>, vector<16xi32>,
      %get3A_492 = arith.constant 336 : index
      %get3A_493 = tpu.vector_load %arg11[%get3A_492] {strides = array<i32>} : memref<1024xi32, #tpu.memory_space<vmem>>, vector<16xi32>,
      %get3A_494 = vector.shape_cast %get3A_493 : vector<16xi32> to vector<16xi32>
      %mul3A_495 = arith.constant 10000 : i32
      %mul3A_496 = vector.broadcast %mul3A_495 : i32 to vector<16xi32>
      %mul3A_497 = arith.muli %get3A_494, %mul3A_496 : vector<16xi32>
      %get3A_498 = arith.constant 336 : index
      %get3A_499 = tpu.vector_load %arg10[%get3A_498] {strides = array<i32>} : memref<1024xi32, #tpu.memory_space<vmem>>, vector<16xi32>,
      %get3A_500 = vector.shape_cast %get3A_499 : vector<16xi32> to vector<16xi32>
      %add3A_501 = arith.addi %mul3A_497, %get3A_500 : vector<16xi32>
      %swap3A_502 = arith.constant 16 : index
      %swap3A_503 = tpu.vector_load %arg14[%swap3A_502] {strides = array<i32>} : memref<64xi32, #tpu.memory_space<vmem>>, vector<16xi32>,
      %swap3A_504 = vector.shape_cast %swap3A_503 : vector<16xi32> to vector<16xi32>
      %swap3A_505 = vector.shape_cast %add3A_501 : vector<16xi32> to vector<16xi32>
      tpu.vector_store %arg14[%swap3A_502], %swap3A_505 {strides = array<i32>} : memref<64xi32, #tpu.memory_space<vmem>>, vector<16xi32>,
      %get3A_506 = arith.constant 336 : index
      %get3A_507 = tpu.vector_load %arg12[%get3A_506] {strides = array<i32>} : memref<1024xi32, #tpu.memory_space<vmem>>, vector<16xi32>,
      %get3A_508 = vector.shape_cast %get3A_507 : vector<16xi32> to vector<16xi32>
      %swap3A_509 = arith.constant 16 : index
      %swap3A_510 = tpu.vector_load %arg18[%swap3A_509] {strides = array<i32>} : memref<64xi32, #tpu.memory_space<vmem>>, vector<16xi32>,
      %swap3A_511 = vector.shape_cast %swap3A_510 : vector<16xi32> to vector<16xi32>
      %swap3A_512 = vector.shape_cast %get3A_508 : vector<16xi32> to vector<16xi32>
      tpu.vector_store %arg18[%swap3A_509], %swap3A_512 {strides = array<i32>} : memref<64xi32, #tpu.memory_space<vmem>>, vector<16xi32>,
      %get3A_513 = arith.constant 352 : index
      %get3A_514 = tpu.vector_load %arg11[%get3A_513] {strides = array<i32>} : memref<1024xi32, #tpu.memory_space<vmem>>, vector<16xi32>,
      %get3A_515 = vector.shape_cast %get3A_514 : vector<16xi32> to vector<16xi32>
      %mul3A_516 = arith.constant 10000 : i32
      %mul3A_517 = vector.broadcast %mul3A_516 : i32 to vector<16xi32>
      %mul3A_518 = arith.muli %get3A_515, %mul3A_517 : vector<16xi32>
      %get3A_519 = arith.constant 352 : index
      %get3A_520 = tpu.vector_load %arg10[%get3A_519] {strides = array<i32>} : memref<1024xi32, #tpu.memory_space<vmem>>, vector<16xi32>,
      %get3A_521 = vector.shape_cast %get3A_520 : vector<16xi32> to vector<16xi32>
      %add3A_522 = arith.addi %mul3A_518, %get3A_521 : vector<16xi32>
      %swap3A_523 = arith.constant 32 : index
      %swap3A_524 = tpu.vector_load %arg14[%swap3A_523] {strides = array<i32>} : memref<64xi32, #tpu.memory_space<vmem>>, vector<16xi32>,
      %swap3A_525 = vector.shape_cast %swap3A_524 : vector<16xi32> to vector<16xi32>
      %swap3A_526 = vector.shape_cast %add3A_522 : vector<16xi32> to vector<16xi32>
      tpu.vector_store %arg14[%swap3A_523], %swap3A_526 {strides = array<i32>} : memref<64xi32, #tpu.memory_space<vmem>>, vector<16xi32>,
      %get3A_527 = arith.constant 352 : index
      %get3A_528 = tpu.vector_load %arg12[%get3A_527] {strides = array<i32>} : memref<1024xi32, #tpu.memory_space<vmem>>, vector<16xi32>,
      %get3A_529 = vector.shape_cast %get3A_528 : vector<16xi32> to vector<16xi32>
      %swap3A_530 = arith.constant 32 : index
      %swap3A_531 = tpu.vector_load %arg18[%swap3A_530] {strides = array<i32>} : memref<64xi32, #tpu.memory_space<vmem>>, vector<16xi32>,
      %swap3A_532 = vector.shape_cast %swap3A_531 : vector<16xi32> to vector<16xi32>
      %swap3A_533 = vector.shape_cast %get3A_529 : vector<16xi32> to vector<16xi32>
      tpu.vector_store %arg18[%swap3A_530], %swap3A_533 {strides = array<i32>} : memref<64xi32, #tpu.memory_space<vmem>>, vector<16xi32>,
      %get3A_534 = arith.constant 368 : index
      %get3A_535 = tpu.vector_load %arg11[%get3A_534] {strides = array<i32>} : memref<1024xi32, #tpu.memory_space<vmem>>, vector<16xi32>,
      %get3A_536 = vector.shape_cast %get3A_535 : vector<16xi32> to vector<16xi32>
      %mul3A_537 = arith.constant 10000 : i32
      %mul3A_538 = vector.broadcast %mul3A_537 : i32 to vector<16xi32>
      %mul3A_539 = arith.muli %get3A_536, %mul3A_538 : vector<16xi32>
      %get3A_540 = arith.constant 368 : index
      %get3A_541 = tpu.vector_load %arg10[%get3A_540] {strides = array<i32>} : memref<1024xi32, #tpu.memory_space<vmem>>, vector<16xi32>,
      %get3A_542 = vector.shape_cast %get3A_541 : vector<16xi32> to vector<16xi32>
      %add3A_543 = arith.addi %mul3A_539, %get3A_542 : vector<16xi32>
      %swap3A_544 = arith.constant 48 : index
      %swap3A_545 = tpu.vector_load %arg14[%swap3A_544] {strides = array<i32>} : memref<64xi32, #tpu.memory_space<vmem>>, vector<16xi32>,
      %swap3A_546 = vector.shape_cast %swap3A_545 : vector<16xi32> to vector<16xi32>
      %swap3A_547 = vector.shape_cast %add3A_543 : vector<16xi32> to vector<16xi32>
      tpu.vector_store %arg14[%swap3A_544], %swap3A_547 {strides = array<i32>} : memref<64xi32, #tpu.memory_space<vmem>>, vector<16xi32>,
      %get3A_548 = arith.constant 368 : index
      %get3A_549 = tpu.vector_load %arg12[%get3A_548] {strides = array<i32>} : memref<1024xi32, #tpu.memory_space<vmem>>, vector<16xi32>,
      %get3A_550 = vector.shape_cast %get3A_549 : vector<16xi32> to vector<16xi32>
      %swap3A_551 = arith.constant 48 : index
      %swap3A_552 = tpu.vector_load %arg18[%swap3A_551] {strides = array<i32>} : memref<64xi32, #tpu.memory_space<vmem>>, vector<16xi32>,
      %swap3A_553 = vector.shape_cast %swap3A_552 : vector<16xi32> to vector<16xi32>
      %swap3A_554 = vector.shape_cast %get3A_550 : vector<16xi32> to vector<16xi32>
      tpu.vector_store %arg18[%swap3A_551], %swap3A_554 {strides = array<i32>} : memref<64xi32, #tpu.memory_space<vmem>>, vector<16xi32>,
      %dma_start3A_555 = arith.constant 0 : i32
      %dma_start3A_556 = arith.constant 0 : i32
      %dma_start3A_557 = tpu.memref_slice %arg2[%dma_start3A_555, %dma_start3A_556] : memref<50000x128xf32, #tpu.memory_space<hbm>> -> memref<50000x128xf32, #tpu.memory_space<hbm>>
      tpu.enqueue_indirect_dma source(%dma_start3A_557 : memref<50000x128xf32, #tpu.memory_space<hbm>>) target(%arg22 : memref<64x128xf32, #tpu.memory_space<vmem>>) offsets(%arg14 : memref<64xi32, #tpu.memory_space<vmem>>) semaphore(%arg29 : memref<!tpu.dma_semaphore, #tpu.memory_space<semaphore_mem>>)
      %dma_wait3A_558 = arith.constant 0 : i32
      %dma_wait3A_559 = arith.constant 0 : i32
      %dma_wait3A_560 = tpu.memref_slice %arg2[%dma_wait3A_558, %dma_wait3A_559] : memref<50000x128xf32, #tpu.memory_space<hbm>> -> memref<50000x128xf32, #tpu.memory_space<hbm>>
      tpu.wait_indirect_dma semaphore(%arg30 : memref<!tpu.dma_semaphore, #tpu.memory_space<semaphore_mem>>) src(%dma_wait3A_560 : memref<50000x128xf32, #tpu.memory_space<hbm>>) dst(%arg23 : memref<64x128xf32, #tpu.memory_space<vmem>>)
      "tpu.region"() ({
        %run_scoped3A = tpu.sem_alloc : memref<!tpu.dma_semaphore, #tpu.memory_space<semaphore_mem>>
        %dma_start3A_1470 = arith.constant 0 : i32
        %dma_start3A_1471 = arith.constant 0 : i32
        %dma_start3A_1472 = tpu.memref_slice %arg26[%dma_start3A_1470, %dma_start3A_1471] : memref<10240x128xf32, #tpu.memory_space<vmem_shared>> -> memref<10240x128xf32, #tpu.memory_space<vmem_shared>>
        tpu.enqueue_indirect_dma source(%arg23 : memref<64x128xf32, #tpu.memory_space<vmem>>) target(%dma_start3A_1472 : memref<10240x128xf32, #tpu.memory_space<vmem_shared>>) offsets(%arg19 : memref<64xi32, #tpu.memory_space<vmem>>) semaphore(%run_scoped3A : memref<!tpu.dma_semaphore, #tpu.memory_space<semaphore_mem>>) {add = true}
        %dma_wait3A_1473 = arith.constant 0 : i32
        %dma_wait3A_1474 = arith.constant 0 : i32
        %dma_wait3A_1475 = tpu.memref_slice %arg26[%dma_wait3A_1473, %dma_wait3A_1474] : memref<10240x128xf32, #tpu.memory_space<vmem_shared>> -> memref<10240x128xf32, #tpu.memory_space<vmem_shared>>
        tpu.wait_indirect_dma semaphore(%run_scoped3A : memref<!tpu.dma_semaphore, #tpu.memory_space<semaphore_mem>>) src(%arg23 : memref<64x128xf32, #tpu.memory_space<vmem>>) dst(%dma_wait3A_1475 : memref<10240x128xf32, #tpu.memory_space<vmem_shared>>)
        tpu.yield
      }) : () -> ()
      "tpu.region"() ({
        %run_scoped3A = tpu.sem_alloc : memref<!tpu.dma_semaphore, #tpu.memory_space<semaphore_mem>>
        %dma_start3A_1470 = arith.constant 0 : i32
        %dma_start3A_1471 = tpu.memref_slice %arg27[%dma_start3A_1470] : memref<10240xf32, #tpu.memory_space<vmem_shared>> -> memref<10240xf32, #tpu.memory_space<vmem_shared>>
        tpu.enqueue_indirect_dma source(%arg25 : memref<64xf32, #tpu.memory_space<vmem>>) target(%dma_start3A_1471 : memref<10240xf32, #tpu.memory_space<vmem_shared>>) offsets(%arg19 : memref<64xi32, #tpu.memory_space<vmem>>) semaphore(%run_scoped3A : memref<!tpu.dma_semaphore, #tpu.memory_space<semaphore_mem>>) {add = true}
        %dma_wait3A_1472 = arith.constant 0 : i32
        %dma_wait3A_1473 = tpu.memref_slice %arg27[%dma_wait3A_1472] : memref<10240xf32, #tpu.memory_space<vmem_shared>> -> memref<10240xf32, #tpu.memory_space<vmem_shared>>
        tpu.wait_indirect_dma semaphore(%run_scoped3A : memref<!tpu.dma_semaphore, #tpu.memory_space<semaphore_mem>>) src(%arg25 : memref<64xf32, #tpu.memory_space<vmem>>) dst(%dma_wait3A_1473 : memref<10240xf32, #tpu.memory_space<vmem_shared>>)
        tpu.yield
      }) : () -> ()
      %get3A_561 = arith.constant 384 : index
      %get3A_562 = tpu.vector_load %arg11[%get3A_561] {strides = array<i32>} : memref<1024xi32, #tpu.memory_space<vmem>>, vector<16xi32>,
      %get3A_563 = vector.shape_cast %get3A_562 : vector<16xi32> to vector<16xi32>
      %mul3A_564 = arith.constant 10000 : i32
      %mul3A_565 = vector.broadcast %mul3A_564 : i32 to vector<16xi32>
      %mul3A_566 = arith.muli %get3A_563, %mul3A_565 : vector<16xi32>
      %get3A_567 = arith.constant 384 : index
      %get3A_568 = tpu.vector_load %arg10[%get3A_567] {strides = array<i32>} : memref<1024xi32, #tpu.memory_space<vmem>>, vector<16xi32>,
      %get3A_569 = vector.shape_cast %get3A_568 : vector<16xi32> to vector<16xi32>
      %add3A_570 = arith.addi %mul3A_566, %get3A_569 : vector<16xi32>
      %swap3A_571 = arith.constant 0 : index
      %swap3A_572 = tpu.vector_load %arg15[%swap3A_571] {strides = array<i32>} : memref<64xi32, #tpu.memory_space<vmem>>, vector<16xi32>,
      %swap3A_573 = vector.shape_cast %swap3A_572 : vector<16xi32> to vector<16xi32>
      %swap3A_574 = vector.shape_cast %add3A_570 : vector<16xi32> to vector<16xi32>
      tpu.vector_store %arg15[%swap3A_571], %swap3A_574 {strides = array<i32>} : memref<64xi32, #tpu.memory_space<vmem>>, vector<16xi32>,
      %get3A_575 = arith.constant 384 : index
      %get3A_576 = tpu.vector_load %arg12[%get3A_575] {strides = array<i32>} : memref<1024xi32, #tpu.memory_space<vmem>>, vector<16xi32>,
      %get3A_577 = vector.shape_cast %get3A_576 : vector<16xi32> to vector<16xi32>
      %swap3A_578 = arith.constant 0 : index
      %swap3A_579 = tpu.vector_load %arg19[%swap3A_578] {strides = array<i32>} : memref<64xi32, #tpu.memory_space<vmem>>, vector<16xi32>,
      %swap3A_580 = vector.shape_cast %swap3A_579 : vector<16xi32> to vector<16xi32>
      %swap3A_581 = vector.shape_cast %get3A_577 : vector<16xi32> to vector<16xi32>
      tpu.vector_store %arg19[%swap3A_578], %swap3A_581 {strides = array<i32>} : memref<64xi32, #tpu.memory_space<vmem>>, vector<16xi32>,
      %get3A_582 = arith.constant 400 : index
      %get3A_583 = tpu.vector_load %arg11[%get3A_582] {strides = array<i32>} : memref<1024xi32, #tpu.memory_space<vmem>>, vector<16xi32>,
      %get3A_584 = vector.shape_cast %get3A_583 : vector<16xi32> to vector<16xi32>
      %mul3A_585 = arith.constant 10000 : i32
      %mul3A_586 = vector.broadcast %mul3A_585 : i32 to vector<16xi32>
      %mul3A_587 = arith.muli %get3A_584, %mul3A_586 : vector<16xi32>
      %get3A_588 = arith.constant 400 : index
      %get3A_589 = tpu.vector_load %arg10[%get3A_588] {strides = array<i32>} : memref<1024xi32, #tpu.memory_space<vmem>>, vector<16xi32>,
      %get3A_590 = vector.shape_cast %get3A_589 : vector<16xi32> to vector<16xi32>
      %add3A_591 = arith.addi %mul3A_587, %get3A_590 : vector<16xi32>
      %swap3A_592 = arith.constant 16 : index
      %swap3A_593 = tpu.vector_load %arg15[%swap3A_592] {strides = array<i32>} : memref<64xi32, #tpu.memory_space<vmem>>, vector<16xi32>,
      %swap3A_594 = vector.shape_cast %swap3A_593 : vector<16xi32> to vector<16xi32>
      %swap3A_595 = vector.shape_cast %add3A_591 : vector<16xi32> to vector<16xi32>
      tpu.vector_store %arg15[%swap3A_592], %swap3A_595 {strides = array<i32>} : memref<64xi32, #tpu.memory_space<vmem>>, vector<16xi32>,
      %get3A_596 = arith.constant 400 : index
      %get3A_597 = tpu.vector_load %arg12[%get3A_596] {strides = array<i32>} : memref<1024xi32, #tpu.memory_space<vmem>>, vector<16xi32>,
      %get3A_598 = vector.shape_cast %get3A_597 : vector<16xi32> to vector<16xi32>
      %swap3A_599 = arith.constant 16 : index
      %swap3A_600 = tpu.vector_load %arg19[%swap3A_599] {strides = array<i32>} : memref<64xi32, #tpu.memory_space<vmem>>, vector<16xi32>,
      %swap3A_601 = vector.shape_cast %swap3A_600 : vector<16xi32> to vector<16xi32>
      %swap3A_602 = vector.shape_cast %get3A_598 : vector<16xi32> to vector<16xi32>
      tpu.vector_store %arg19[%swap3A_599], %swap3A_602 {strides = array<i32>} : memref<64xi32, #tpu.memory_space<vmem>>, vector<16xi32>,
      %get3A_603 = arith.constant 416 : index
      %get3A_604 = tpu.vector_load %arg11[%get3A_603] {strides = array<i32>} : memref<1024xi32, #tpu.memory_space<vmem>>, vector<16xi32>,
      %get3A_605 = vector.shape_cast %get3A_604 : vector<16xi32> to vector<16xi32>
      %mul3A_606 = arith.constant 10000 : i32
      %mul3A_607 = vector.broadcast %mul3A_606 : i32 to vector<16xi32>
      %mul3A_608 = arith.muli %get3A_605, %mul3A_607 : vector<16xi32>
      %get3A_609 = arith.constant 416 : index
      %get3A_610 = tpu.vector_load %arg10[%get3A_609] {strides = array<i32>} : memref<1024xi32, #tpu.memory_space<vmem>>, vector<16xi32>,
      %get3A_611 = vector.shape_cast %get3A_610 : vector<16xi32> to vector<16xi32>
      %add3A_612 = arith.addi %mul3A_608, %get3A_611 : vector<16xi32>
      %swap3A_613 = arith.constant 32 : index
      %swap3A_614 = tpu.vector_load %arg15[%swap3A_613] {strides = array<i32>} : memref<64xi32, #tpu.memory_space<vmem>>, vector<16xi32>,
      %swap3A_615 = vector.shape_cast %swap3A_614 : vector<16xi32> to vector<16xi32>
      %swap3A_616 = vector.shape_cast %add3A_612 : vector<16xi32> to vector<16xi32>
      tpu.vector_store %arg15[%swap3A_613], %swap3A_616 {strides = array<i32>} : memref<64xi32, #tpu.memory_space<vmem>>, vector<16xi32>,
      %get3A_617 = arith.constant 416 : index
      %get3A_618 = tpu.vector_load %arg12[%get3A_617] {strides = array<i32>} : memref<1024xi32, #tpu.memory_space<vmem>>, vector<16xi32>,
      %get3A_619 = vector.shape_cast %get3A_618 : vector<16xi32> to vector<16xi32>
      %swap3A_620 = arith.constant 32 : index
      %swap3A_621 = tpu.vector_load %arg19[%swap3A_620] {strides = array<i32>} : memref<64xi32, #tpu.memory_space<vmem>>, vector<16xi32>,
      %swap3A_622 = vector.shape_cast %swap3A_621 : vector<16xi32> to vector<16xi32>
      %swap3A_623 = vector.shape_cast %get3A_619 : vector<16xi32> to vector<16xi32>
      tpu.vector_store %arg19[%swap3A_620], %swap3A_623 {strides = array<i32>} : memref<64xi32, #tpu.memory_space<vmem>>, vector<16xi32>,
      %get3A_624 = arith.constant 432 : index
      %get3A_625 = tpu.vector_load %arg11[%get3A_624] {strides = array<i32>} : memref<1024xi32, #tpu.memory_space<vmem>>, vector<16xi32>,
      %get3A_626 = vector.shape_cast %get3A_625 : vector<16xi32> to vector<16xi32>
      %mul3A_627 = arith.constant 10000 : i32
      %mul3A_628 = vector.broadcast %mul3A_627 : i32 to vector<16xi32>
      %mul3A_629 = arith.muli %get3A_626, %mul3A_628 : vector<16xi32>
      %get3A_630 = arith.constant 432 : index
      %get3A_631 = tpu.vector_load %arg10[%get3A_630] {strides = array<i32>} : memref<1024xi32, #tpu.memory_space<vmem>>, vector<16xi32>,
      %get3A_632 = vector.shape_cast %get3A_631 : vector<16xi32> to vector<16xi32>
      %add3A_633 = arith.addi %mul3A_629, %get3A_632 : vector<16xi32>
      %swap3A_634 = arith.constant 48 : index
      %swap3A_635 = tpu.vector_load %arg15[%swap3A_634] {strides = array<i32>} : memref<64xi32, #tpu.memory_space<vmem>>, vector<16xi32>,
      %swap3A_636 = vector.shape_cast %swap3A_635 : vector<16xi32> to vector<16xi32>
      %swap3A_637 = vector.shape_cast %add3A_633 : vector<16xi32> to vector<16xi32>
      tpu.vector_store %arg15[%swap3A_634], %swap3A_637 {strides = array<i32>} : memref<64xi32, #tpu.memory_space<vmem>>, vector<16xi32>,
      %get3A_638 = arith.constant 432 : index
      %get3A_639 = tpu.vector_load %arg12[%get3A_638] {strides = array<i32>} : memref<1024xi32, #tpu.memory_space<vmem>>, vector<16xi32>,
      %get3A_640 = vector.shape_cast %get3A_639 : vector<16xi32> to vector<16xi32>
      %swap3A_641 = arith.constant 48 : index
      %swap3A_642 = tpu.vector_load %arg19[%swap3A_641] {strides = array<i32>} : memref<64xi32, #tpu.memory_space<vmem>>, vector<16xi32>,
      %swap3A_643 = vector.shape_cast %swap3A_642 : vector<16xi32> to vector<16xi32>
      %swap3A_644 = vector.shape_cast %get3A_640 : vector<16xi32> to vector<16xi32>
      tpu.vector_store %arg19[%swap3A_641], %swap3A_644 {strides = array<i32>} : memref<64xi32, #tpu.memory_space<vmem>>, vector<16xi32>,
      %dma_start3A_645 = arith.constant 0 : i32
      %dma_start3A_646 = arith.constant 0 : i32
      %dma_start3A_647 = tpu.memref_slice %arg2[%dma_start3A_645, %dma_start3A_646] : memref<50000x128xf32, #tpu.memory_space<hbm>> -> memref<50000x128xf32, #tpu.memory_space<hbm>>
      tpu.enqueue_indirect_dma source(%dma_start3A_647 : memref<50000x128xf32, #tpu.memory_space<hbm>>) target(%arg23 : memref<64x128xf32, #tpu.memory_space<vmem>>) offsets(%arg15 : memref<64xi32, #tpu.memory_space<vmem>>) semaphore(%arg30 : memref<!tpu.dma_semaphore, #tpu.memory_space<semaphore_mem>>)
      %dma_wait3A_648 = arith.constant 0 : i32
      %dma_wait3A_649 = arith.constant 0 : i32
      %dma_wait3A_650 = tpu.memref_slice %arg2[%dma_wait3A_648, %dma_wait3A_649] : memref<50000x128xf32, #tpu.memory_space<hbm>> -> memref<50000x128xf32, #tpu.memory_space<hbm>>
      tpu.wait_indirect_dma semaphore(%arg31 : memref<!tpu.dma_semaphore, #tpu.memory_space<semaphore_mem>>) src(%dma_wait3A_650 : memref<50000x128xf32, #tpu.memory_space<hbm>>) dst(%arg24 : memref<64x128xf32, #tpu.memory_space<vmem>>)
      "tpu.region"() ({
        %run_scoped3A = tpu.sem_alloc : memref<!tpu.dma_semaphore, #tpu.memory_space<semaphore_mem>>
        %dma_start3A_1470 = arith.constant 0 : i32
        %dma_start3A_1471 = arith.constant 0 : i32
        %dma_start3A_1472 = tpu.memref_slice %arg26[%dma_start3A_1470, %dma_start3A_1471] : memref<10240x128xf32, #tpu.memory_space<vmem_shared>> -> memref<10240x128xf32, #tpu.memory_space<vmem_shared>>
        tpu.enqueue_indirect_dma source(%arg24 : memref<64x128xf32, #tpu.memory_space<vmem>>) target(%dma_start3A_1472 : memref<10240x128xf32, #tpu.memory_space<vmem_shared>>) offsets(%arg20 : memref<64xi32, #tpu.memory_space<vmem>>) semaphore(%run_scoped3A : memref<!tpu.dma_semaphore, #tpu.memory_space<semaphore_mem>>) {add = true}
        %dma_wait3A_1473 = arith.constant 0 : i32
        %dma_wait3A_1474 = arith.constant 0 : i32
        %dma_wait3A_1475 = tpu.memref_slice %arg26[%dma_wait3A_1473, %dma_wait3A_1474] : memref<10240x128xf32, #tpu.memory_space<vmem_shared>> -> memref<10240x128xf32, #tpu.memory_space<vmem_shared>>
        tpu.wait_indirect_dma semaphore(%run_scoped3A : memref<!tpu.dma_semaphore, #tpu.memory_space<semaphore_mem>>) src(%arg24 : memref<64x128xf32, #tpu.memory_space<vmem>>) dst(%dma_wait3A_1475 : memref<10240x128xf32, #tpu.memory_space<vmem_shared>>)
        tpu.yield
      }) : () -> ()
      "tpu.region"() ({
        %run_scoped3A = tpu.sem_alloc : memref<!tpu.dma_semaphore, #tpu.memory_space<semaphore_mem>>
        %dma_start3A_1470 = arith.constant 0 : i32
        %dma_start3A_1471 = tpu.memref_slice %arg27[%dma_start3A_1470] : memref<10240xf32, #tpu.memory_space<vmem_shared>> -> memref<10240xf32, #tpu.memory_space<vmem_shared>>
        tpu.enqueue_indirect_dma source(%arg25 : memref<64xf32, #tpu.memory_space<vmem>>) target(%dma_start3A_1471 : memref<10240xf32, #tpu.memory_space<vmem_shared>>) offsets(%arg20 : memref<64xi32, #tpu.memory_space<vmem>>) semaphore(%run_scoped3A : memref<!tpu.dma_semaphore, #tpu.memory_space<semaphore_mem>>) {add = true}
        %dma_wait3A_1472 = arith.constant 0 : i32
        %dma_wait3A_1473 = tpu.memref_slice %arg27[%dma_wait3A_1472] : memref<10240xf32, #tpu.memory_space<vmem_shared>> -> memref<10240xf32, #tpu.memory_space<vmem_shared>>
        tpu.wait_indirect_dma semaphore(%run_scoped3A : memref<!tpu.dma_semaphore, #tpu.memory_space<semaphore_mem>>) src(%arg25 : memref<64xf32, #tpu.memory_space<vmem>>) dst(%dma_wait3A_1473 : memref<10240xf32, #tpu.memory_space<vmem_shared>>)
        tpu.yield
      }) : () -> ()
      %get3A_651 = arith.constant 448 : index
      %get3A_652 = tpu.vector_load %arg11[%get3A_651] {strides = array<i32>} : memref<1024xi32, #tpu.memory_space<vmem>>, vector<16xi32>,
      %get3A_653 = vector.shape_cast %get3A_652 : vector<16xi32> to vector<16xi32>
      %mul3A_654 = arith.constant 10000 : i32
      %mul3A_655 = vector.broadcast %mul3A_654 : i32 to vector<16xi32>
      %mul3A_656 = arith.muli %get3A_653, %mul3A_655 : vector<16xi32>
      %get3A_657 = arith.constant 448 : index
      %get3A_658 = tpu.vector_load %arg10[%get3A_657] {strides = array<i32>} : memref<1024xi32, #tpu.memory_space<vmem>>, vector<16xi32>,
      %get3A_659 = vector.shape_cast %get3A_658 : vector<16xi32> to vector<16xi32>
      %add3A_660 = arith.addi %mul3A_656, %get3A_659 : vector<16xi32>
      %swap3A_661 = arith.constant 0 : index
      %swap3A_662 = tpu.vector_load %arg16[%swap3A_661] {strides = array<i32>} : memref<64xi32, #tpu.memory_space<vmem>>, vector<16xi32>,
      %swap3A_663 = vector.shape_cast %swap3A_662 : vector<16xi32> to vector<16xi32>
      %swap3A_664 = vector.shape_cast %add3A_660 : vector<16xi32> to vector<16xi32>
      tpu.vector_store %arg16[%swap3A_661], %swap3A_664 {strides = array<i32>} : memref<64xi32, #tpu.memory_space<vmem>>, vector<16xi32>,
      %get3A_665 = arith.constant 448 : index
      %get3A_666 = tpu.vector_load %arg12[%get3A_665] {strides = array<i32>} : memref<1024xi32, #tpu.memory_space<vmem>>, vector<16xi32>,
      %get3A_667 = vector.shape_cast %get3A_666 : vector<16xi32> to vector<16xi32>
      %swap3A_668 = arith.constant 0 : index
      %swap3A_669 = tpu.vector_load %arg20[%swap3A_668] {strides = array<i32>} : memref<64xi32, #tpu.memory_space<vmem>>, vector<16xi32>,
      %swap3A_670 = vector.shape_cast %swap3A_669 : vector<16xi32> to vector<16xi32>
      %swap3A_671 = vector.shape_cast %get3A_667 : vector<16xi32> to vector<16xi32>
      tpu.vector_store %arg20[%swap3A_668], %swap3A_671 {strides = array<i32>} : memref<64xi32, #tpu.memory_space<vmem>>, vector<16xi32>,
      %get3A_672 = arith.constant 464 : index
      %get3A_673 = tpu.vector_load %arg11[%get3A_672] {strides = array<i32>} : memref<1024xi32, #tpu.memory_space<vmem>>, vector<16xi32>,
      %get3A_674 = vector.shape_cast %get3A_673 : vector<16xi32> to vector<16xi32>
      %mul3A_675 = arith.constant 10000 : i32
      %mul3A_676 = vector.broadcast %mul3A_675 : i32 to vector<16xi32>
      %mul3A_677 = arith.muli %get3A_674, %mul3A_676 : vector<16xi32>
      %get3A_678 = arith.constant 464 : index
      %get3A_679 = tpu.vector_load %arg10[%get3A_678] {strides = array<i32>} : memref<1024xi32, #tpu.memory_space<vmem>>, vector<16xi32>,
      %get3A_680 = vector.shape_cast %get3A_679 : vector<16xi32> to vector<16xi32>
      %add3A_681 = arith.addi %mul3A_677, %get3A_680 : vector<16xi32>
      %swap3A_682 = arith.constant 16 : index
      %swap3A_683 = tpu.vector_load %arg16[%swap3A_682] {strides = array<i32>} : memref<64xi32, #tpu.memory_space<vmem>>, vector<16xi32>,
      %swap3A_684 = vector.shape_cast %swap3A_683 : vector<16xi32> to vector<16xi32>
      %swap3A_685 = vector.shape_cast %add3A_681 : vector<16xi32> to vector<16xi32>
      tpu.vector_store %arg16[%swap3A_682], %swap3A_685 {strides = array<i32>} : memref<64xi32, #tpu.memory_space<vmem>>, vector<16xi32>,
      %get3A_686 = arith.constant 464 : index
      %get3A_687 = tpu.vector_load %arg12[%get3A_686] {strides = array<i32>} : memref<1024xi32, #tpu.memory_space<vmem>>, vector<16xi32>,
      %get3A_688 = vector.shape_cast %get3A_687 : vector<16xi32> to vector<16xi32>
      %swap3A_689 = arith.constant 16 : index
      %swap3A_690 = tpu.vector_load %arg20[%swap3A_689] {strides = array<i32>} : memref<64xi32, #tpu.memory_space<vmem>>, vector<16xi32>,
      %swap3A_691 = vector.shape_cast %swap3A_690 : vector<16xi32> to vector<16xi32>
      %swap3A_692 = vector.shape_cast %get3A_688 : vector<16xi32> to vector<16xi32>
      tpu.vector_store %arg20[%swap3A_689], %swap3A_692 {strides = array<i32>} : memref<64xi32, #tpu.memory_space<vmem>>, vector<16xi32>,
      %get3A_693 = arith.constant 480 : index
      %get3A_694 = tpu.vector_load %arg11[%get3A_693] {strides = array<i32>} : memref<1024xi32, #tpu.memory_space<vmem>>, vector<16xi32>,
      %get3A_695 = vector.shape_cast %get3A_694 : vector<16xi32> to vector<16xi32>
      %mul3A_696 = arith.constant 10000 : i32
      %mul3A_697 = vector.broadcast %mul3A_696 : i32 to vector<16xi32>
      %mul3A_698 = arith.muli %get3A_695, %mul3A_697 : vector<16xi32>
      %get3A_699 = arith.constant 480 : index
      %get3A_700 = tpu.vector_load %arg10[%get3A_699] {strides = array<i32>} : memref<1024xi32, #tpu.memory_space<vmem>>, vector<16xi32>,
      %get3A_701 = vector.shape_cast %get3A_700 : vector<16xi32> to vector<16xi32>
      %add3A_702 = arith.addi %mul3A_698, %get3A_701 : vector<16xi32>
      %swap3A_703 = arith.constant 32 : index
      %swap3A_704 = tpu.vector_load %arg16[%swap3A_703] {strides = array<i32>} : memref<64xi32, #tpu.memory_space<vmem>>, vector<16xi32>,
      %swap3A_705 = vector.shape_cast %swap3A_704 : vector<16xi32> to vector<16xi32>
      %swap3A_706 = vector.shape_cast %add3A_702 : vector<16xi32> to vector<16xi32>
      tpu.vector_store %arg16[%swap3A_703], %swap3A_706 {strides = array<i32>} : memref<64xi32, #tpu.memory_space<vmem>>, vector<16xi32>,
      %get3A_707 = arith.constant 480 : index
      %get3A_708 = tpu.vector_load %arg12[%get3A_707] {strides = array<i32>} : memref<1024xi32, #tpu.memory_space<vmem>>, vector<16xi32>,
      %get3A_709 = vector.shape_cast %get3A_708 : vector<16xi32> to vector<16xi32>
      %swap3A_710 = arith.constant 32 : index
      %swap3A_711 = tpu.vector_load %arg20[%swap3A_710] {strides = array<i32>} : memref<64xi32, #tpu.memory_space<vmem>>, vector<16xi32>,
      %swap3A_712 = vector.shape_cast %swap3A_711 : vector<16xi32> to vector<16xi32>
      %swap3A_713 = vector.shape_cast %get3A_709 : vector<16xi32> to vector<16xi32>
      tpu.vector_store %arg20[%swap3A_710], %swap3A_713 {strides = array<i32>} : memref<64xi32, #tpu.memory_space<vmem>>, vector<16xi32>,
      %get3A_714 = arith.constant 496 : index
      %get3A_715 = tpu.vector_load %arg11[%get3A_714] {strides = array<i32>} : memref<1024xi32, #tpu.memory_space<vmem>>, vector<16xi32>,
      %get3A_716 = vector.shape_cast %get3A_715 : vector<16xi32> to vector<16xi32>
      %mul3A_717 = arith.constant 10000 : i32
      %mul3A_718 = vector.broadcast %mul3A_717 : i32 to vector<16xi32>
      %mul3A_719 = arith.muli %get3A_716, %mul3A_718 : vector<16xi32>
      %get3A_720 = arith.constant 496 : index
      %get3A_721 = tpu.vector_load %arg10[%get3A_720] {strides = array<i32>} : memref<1024xi32, #tpu.memory_space<vmem>>, vector<16xi32>,
      %get3A_722 = vector.shape_cast %get3A_721 : vector<16xi32> to vector<16xi32>
      %add3A_723 = arith.addi %mul3A_719, %get3A_722 : vector<16xi32>
      %swap3A_724 = arith.constant 48 : index
      %swap3A_725 = tpu.vector_load %arg16[%swap3A_724] {strides = array<i32>} : memref<64xi32, #tpu.memory_space<vmem>>, vector<16xi32>,
      %swap3A_726 = vector.shape_cast %swap3A_725 : vector<16xi32> to vector<16xi32>
      %swap3A_727 = vector.shape_cast %add3A_723 : vector<16xi32> to vector<16xi32>
      tpu.vector_store %arg16[%swap3A_724], %swap3A_727 {strides = array<i32>} : memref<64xi32, #tpu.memory_space<vmem>>, vector<16xi32>,
      %get3A_728 = arith.constant 496 : index
      %get3A_729 = tpu.vector_load %arg12[%get3A_728] {strides = array<i32>} : memref<1024xi32, #tpu.memory_space<vmem>>, vector<16xi32>,
      %get3A_730 = vector.shape_cast %get3A_729 : vector<16xi32> to vector<16xi32>
      %swap3A_731 = arith.constant 48 : index
      %swap3A_732 = tpu.vector_load %arg20[%swap3A_731] {strides = array<i32>} : memref<64xi32, #tpu.memory_space<vmem>>, vector<16xi32>,
      %swap3A_733 = vector.shape_cast %swap3A_732 : vector<16xi32> to vector<16xi32>
      %swap3A_734 = vector.shape_cast %get3A_730 : vector<16xi32> to vector<16xi32>
      tpu.vector_store %arg20[%swap3A_731], %swap3A_734 {strides = array<i32>} : memref<64xi32, #tpu.memory_space<vmem>>, vector<16xi32>,
      %dma_start3A_735 = arith.constant 0 : i32
      %dma_start3A_736 = arith.constant 0 : i32
      %dma_start3A_737 = tpu.memref_slice %arg2[%dma_start3A_735, %dma_start3A_736] : memref<50000x128xf32, #tpu.memory_space<hbm>> -> memref<50000x128xf32, #tpu.memory_space<hbm>>
      tpu.enqueue_indirect_dma source(%dma_start3A_737 : memref<50000x128xf32, #tpu.memory_space<hbm>>) target(%arg24 : memref<64x128xf32, #tpu.memory_space<vmem>>) offsets(%arg16 : memref<64xi32, #tpu.memory_space<vmem>>) semaphore(%arg31 : memref<!tpu.dma_semaphore, #tpu.memory_space<semaphore_mem>>)
      %dma_wait3A_738 = arith.constant 0 : i32
      %dma_wait3A_739 = arith.constant 0 : i32
      %dma_wait3A_740 = tpu.memref_slice %arg2[%dma_wait3A_738, %dma_wait3A_739] : memref<50000x128xf32, #tpu.memory_space<hbm>> -> memref<50000x128xf32, #tpu.memory_space<hbm>>
      tpu.wait_indirect_dma semaphore(%arg28 : memref<!tpu.dma_semaphore, #tpu.memory_space<semaphore_mem>>) src(%dma_wait3A_740 : memref<50000x128xf32, #tpu.memory_space<hbm>>) dst(%arg21 : memref<64x128xf32, #tpu.memory_space<vmem>>)
      "tpu.region"() ({
        %run_scoped3A = tpu.sem_alloc : memref<!tpu.dma_semaphore, #tpu.memory_space<semaphore_mem>>
        %dma_start3A_1470 = arith.constant 0 : i32
        %dma_start3A_1471 = arith.constant 0 : i32
        %dma_start3A_1472 = tpu.memref_slice %arg26[%dma_start3A_1470, %dma_start3A_1471] : memref<10240x128xf32, #tpu.memory_space<vmem_shared>> -> memref<10240x128xf32, #tpu.memory_space<vmem_shared>>
        tpu.enqueue_indirect_dma source(%arg21 : memref<64x128xf32, #tpu.memory_space<vmem>>) target(%dma_start3A_1472 : memref<10240x128xf32, #tpu.memory_space<vmem_shared>>) offsets(%arg17 : memref<64xi32, #tpu.memory_space<vmem>>) semaphore(%run_scoped3A : memref<!tpu.dma_semaphore, #tpu.memory_space<semaphore_mem>>) {add = true}
        %dma_wait3A_1473 = arith.constant 0 : i32
        %dma_wait3A_1474 = arith.constant 0 : i32
        %dma_wait3A_1475 = tpu.memref_slice %arg26[%dma_wait3A_1473, %dma_wait3A_1474] : memref<10240x128xf32, #tpu.memory_space<vmem_shared>> -> memref<10240x128xf32, #tpu.memory_space<vmem_shared>>
        tpu.wait_indirect_dma semaphore(%run_scoped3A : memref<!tpu.dma_semaphore, #tpu.memory_space<semaphore_mem>>) src(%arg21 : memref<64x128xf32, #tpu.memory_space<vmem>>) dst(%dma_wait3A_1475 : memref<10240x128xf32, #tpu.memory_space<vmem_shared>>)
        tpu.yield
      }) : () -> ()
      "tpu.region"() ({
        %run_scoped3A = tpu.sem_alloc : memref<!tpu.dma_semaphore, #tpu.memory_space<semaphore_mem>>
        %dma_start3A_1470 = arith.constant 0 : i32
        %dma_start3A_1471 = tpu.memref_slice %arg27[%dma_start3A_1470] : memref<10240xf32, #tpu.memory_space<vmem_shared>> -> memref<10240xf32, #tpu.memory_space<vmem_shared>>
        tpu.enqueue_indirect_dma source(%arg25 : memref<64xf32, #tpu.memory_space<vmem>>) target(%dma_start3A_1471 : memref<10240xf32, #tpu.memory_space<vmem_shared>>) offsets(%arg17 : memref<64xi32, #tpu.memory_space<vmem>>) semaphore(%run_scoped3A : memref<!tpu.dma_semaphore, #tpu.memory_space<semaphore_mem>>) {add = true}
        %dma_wait3A_1472 = arith.constant 0 : i32
        %dma_wait3A_1473 = tpu.memref_slice %arg27[%dma_wait3A_1472] : memref<10240xf32, #tpu.memory_space<vmem_shared>> -> memref<10240xf32, #tpu.memory_space<vmem_shared>>
        tpu.wait_indirect_dma semaphore(%run_scoped3A : memref<!tpu.dma_semaphore, #tpu.memory_space<semaphore_mem>>) src(%arg25 : memref<64xf32, #tpu.memory_space<vmem>>) dst(%dma_wait3A_1473 : memref<10240xf32, #tpu.memory_space<vmem_shared>>)
        tpu.yield
      }) : () -> ()
      %get3A_741 = arith.constant 512 : index
      %get3A_742 = tpu.vector_load %arg11[%get3A_741] {strides = array<i32>} : memref<1024xi32, #tpu.memory_space<vmem>>, vector<16xi32>,
      %get3A_743 = vector.shape_cast %get3A_742 : vector<16xi32> to vector<16xi32>
      %mul3A_744 = arith.constant 10000 : i32
      %mul3A_745 = vector.broadcast %mul3A_744 : i32 to vector<16xi32>
      %mul3A_746 = arith.muli %get3A_743, %mul3A_745 : vector<16xi32>
      %get3A_747 = arith.constant 512 : index
      %get3A_748 = tpu.vector_load %arg10[%get3A_747] {strides = array<i32>} : memref<1024xi32, #tpu.memory_space<vmem>>, vector<16xi32>,
      %get3A_749 = vector.shape_cast %get3A_748 : vector<16xi32> to vector<16xi32>
      %add3A_750 = arith.addi %mul3A_746, %get3A_749 : vector<16xi32>
      %swap3A_751 = arith.constant 0 : index
      %swap3A_752 = tpu.vector_load %arg13[%swap3A_751] {strides = array<i32>} : memref<64xi32, #tpu.memory_space<vmem>>, vector<16xi32>,
      %swap3A_753 = vector.shape_cast %swap3A_752 : vector<16xi32> to vector<16xi32>
      %swap3A_754 = vector.shape_cast %add3A_750 : vector<16xi32> to vector<16xi32>
      tpu.vector_store %arg13[%swap3A_751], %swap3A_754 {strides = array<i32>} : memref<64xi32, #tpu.memory_space<vmem>>, vector<16xi32>,
      %get3A_755 = arith.constant 512 : index
      %get3A_756 = tpu.vector_load %arg12[%get3A_755] {strides = array<i32>} : memref<1024xi32, #tpu.memory_space<vmem>>, vector<16xi32>,
      %get3A_757 = vector.shape_cast %get3A_756 : vector<16xi32> to vector<16xi32>
      %swap3A_758 = arith.constant 0 : index
      %swap3A_759 = tpu.vector_load %arg17[%swap3A_758] {strides = array<i32>} : memref<64xi32, #tpu.memory_space<vmem>>, vector<16xi32>,
      %swap3A_760 = vector.shape_cast %swap3A_759 : vector<16xi32> to vector<16xi32>
      %swap3A_761 = vector.shape_cast %get3A_757 : vector<16xi32> to vector<16xi32>
      tpu.vector_store %arg17[%swap3A_758], %swap3A_761 {strides = array<i32>} : memref<64xi32, #tpu.memory_space<vmem>>, vector<16xi32>,
      %get3A_762 = arith.constant 528 : index
      %get3A_763 = tpu.vector_load %arg11[%get3A_762] {strides = array<i32>} : memref<1024xi32, #tpu.memory_space<vmem>>, vector<16xi32>,
      %get3A_764 = vector.shape_cast %get3A_763 : vector<16xi32> to vector<16xi32>
      %mul3A_765 = arith.constant 10000 : i32
      %mul3A_766 = vector.broadcast %mul3A_765 : i32 to vector<16xi32>
      %mul3A_767 = arith.muli %get3A_764, %mul3A_766 : vector<16xi32>
      %get3A_768 = arith.constant 528 : index
      %get3A_769 = tpu.vector_load %arg10[%get3A_768] {strides = array<i32>} : memref<1024xi32, #tpu.memory_space<vmem>>, vector<16xi32>,
      %get3A_770 = vector.shape_cast %get3A_769 : vector<16xi32> to vector<16xi32>
      %add3A_771 = arith.addi %mul3A_767, %get3A_770 : vector<16xi32>
      %swap3A_772 = arith.constant 16 : index
      %swap3A_773 = tpu.vector_load %arg13[%swap3A_772] {strides = array<i32>} : memref<64xi32, #tpu.memory_space<vmem>>, vector<16xi32>,
      %swap3A_774 = vector.shape_cast %swap3A_773 : vector<16xi32> to vector<16xi32>
      %swap3A_775 = vector.shape_cast %add3A_771 : vector<16xi32> to vector<16xi32>
      tpu.vector_store %arg13[%swap3A_772], %swap3A_775 {strides = array<i32>} : memref<64xi32, #tpu.memory_space<vmem>>, vector<16xi32>,
      %get3A_776 = arith.constant 528 : index
      %get3A_777 = tpu.vector_load %arg12[%get3A_776] {strides = array<i32>} : memref<1024xi32, #tpu.memory_space<vmem>>, vector<16xi32>,
      %get3A_778 = vector.shape_cast %get3A_777 : vector<16xi32> to vector<16xi32>
      %swap3A_779 = arith.constant 16 : index
      %swap3A_780 = tpu.vector_load %arg17[%swap3A_779] {strides = array<i32>} : memref<64xi32, #tpu.memory_space<vmem>>, vector<16xi32>,
      %swap3A_781 = vector.shape_cast %swap3A_780 : vector<16xi32> to vector<16xi32>
      %swap3A_782 = vector.shape_cast %get3A_778 : vector<16xi32> to vector<16xi32>
      tpu.vector_store %arg17[%swap3A_779], %swap3A_782 {strides = array<i32>} : memref<64xi32, #tpu.memory_space<vmem>>, vector<16xi32>,
      %get3A_783 = arith.constant 544 : index
      %get3A_784 = tpu.vector_load %arg11[%get3A_783] {strides = array<i32>} : memref<1024xi32, #tpu.memory_space<vmem>>, vector<16xi32>,
      %get3A_785 = vector.shape_cast %get3A_784 : vector<16xi32> to vector<16xi32>
      %mul3A_786 = arith.constant 10000 : i32
      %mul3A_787 = vector.broadcast %mul3A_786 : i32 to vector<16xi32>
      %mul3A_788 = arith.muli %get3A_785, %mul3A_787 : vector<16xi32>
      %get3A_789 = arith.constant 544 : index
      %get3A_790 = tpu.vector_load %arg10[%get3A_789] {strides = array<i32>} : memref<1024xi32, #tpu.memory_space<vmem>>, vector<16xi32>,
      %get3A_791 = vector.shape_cast %get3A_790 : vector<16xi32> to vector<16xi32>
      %add3A_792 = arith.addi %mul3A_788, %get3A_791 : vector<16xi32>
      %swap3A_793 = arith.constant 32 : index
      %swap3A_794 = tpu.vector_load %arg13[%swap3A_793] {strides = array<i32>} : memref<64xi32, #tpu.memory_space<vmem>>, vector<16xi32>,
      %swap3A_795 = vector.shape_cast %swap3A_794 : vector<16xi32> to vector<16xi32>
      %swap3A_796 = vector.shape_cast %add3A_792 : vector<16xi32> to vector<16xi32>
      tpu.vector_store %arg13[%swap3A_793], %swap3A_796 {strides = array<i32>} : memref<64xi32, #tpu.memory_space<vmem>>, vector<16xi32>,
      %get3A_797 = arith.constant 544 : index
      %get3A_798 = tpu.vector_load %arg12[%get3A_797] {strides = array<i32>} : memref<1024xi32, #tpu.memory_space<vmem>>, vector<16xi32>,
      %get3A_799 = vector.shape_cast %get3A_798 : vector<16xi32> to vector<16xi32>
      %swap3A_800 = arith.constant 32 : index
      %swap3A_801 = tpu.vector_load %arg17[%swap3A_800] {strides = array<i32>} : memref<64xi32, #tpu.memory_space<vmem>>, vector<16xi32>,
      %swap3A_802 = vector.shape_cast %swap3A_801 : vector<16xi32> to vector<16xi32>
      %swap3A_803 = vector.shape_cast %get3A_799 : vector<16xi32> to vector<16xi32>
      tpu.vector_store %arg17[%swap3A_800], %swap3A_803 {strides = array<i32>} : memref<64xi32, #tpu.memory_space<vmem>>, vector<16xi32>,
      %get3A_804 = arith.constant 560 : index
      %get3A_805 = tpu.vector_load %arg11[%get3A_804] {strides = array<i32>} : memref<1024xi32, #tpu.memory_space<vmem>>, vector<16xi32>,
      %get3A_806 = vector.shape_cast %get3A_805 : vector<16xi32> to vector<16xi32>
      %mul3A_807 = arith.constant 10000 : i32
      %mul3A_808 = vector.broadcast %mul3A_807 : i32 to vector<16xi32>
      %mul3A_809 = arith.muli %get3A_806, %mul3A_808 : vector<16xi32>
      %get3A_810 = arith.constant 560 : index
      %get3A_811 = tpu.vector_load %arg10[%get3A_810] {strides = array<i32>} : memref<1024xi32, #tpu.memory_space<vmem>>, vector<16xi32>,
      %get3A_812 = vector.shape_cast %get3A_811 : vector<16xi32> to vector<16xi32>
      %add3A_813 = arith.addi %mul3A_809, %get3A_812 : vector<16xi32>
      %swap3A_814 = arith.constant 48 : index
      %swap3A_815 = tpu.vector_load %arg13[%swap3A_814] {strides = array<i32>} : memref<64xi32, #tpu.memory_space<vmem>>, vector<16xi32>,
      %swap3A_816 = vector.shape_cast %swap3A_815 : vector<16xi32> to vector<16xi32>
      %swap3A_817 = vector.shape_cast %add3A_813 : vector<16xi32> to vector<16xi32>
      tpu.vector_store %arg13[%swap3A_814], %swap3A_817 {strides = array<i32>} : memref<64xi32, #tpu.memory_space<vmem>>, vector<16xi32>,
      %get3A_818 = arith.constant 560 : index
      %get3A_819 = tpu.vector_load %arg12[%get3A_818] {strides = array<i32>} : memref<1024xi32, #tpu.memory_space<vmem>>, vector<16xi32>,
      %get3A_820 = vector.shape_cast %get3A_819 : vector<16xi32> to vector<16xi32>
      %swap3A_821 = arith.constant 48 : index
      %swap3A_822 = tpu.vector_load %arg17[%swap3A_821] {strides = array<i32>} : memref<64xi32, #tpu.memory_space<vmem>>, vector<16xi32>,
      %swap3A_823 = vector.shape_cast %swap3A_822 : vector<16xi32> to vector<16xi32>
      %swap3A_824 = vector.shape_cast %get3A_820 : vector<16xi32> to vector<16xi32>
      tpu.vector_store %arg17[%swap3A_821], %swap3A_824 {strides = array<i32>} : memref<64xi32, #tpu.memory_space<vmem>>, vector<16xi32>,
      %dma_start3A_825 = arith.constant 0 : i32
      %dma_start3A_826 = arith.constant 0 : i32
      %dma_start3A_827 = tpu.memref_slice %arg2[%dma_start3A_825, %dma_start3A_826] : memref<50000x128xf32, #tpu.memory_space<hbm>> -> memref<50000x128xf32, #tpu.memory_space<hbm>>
      tpu.enqueue_indirect_dma source(%dma_start3A_827 : memref<50000x128xf32, #tpu.memory_space<hbm>>) target(%arg21 : memref<64x128xf32, #tpu.memory_space<vmem>>) offsets(%arg13 : memref<64xi32, #tpu.memory_space<vmem>>) semaphore(%arg28 : memref<!tpu.dma_semaphore, #tpu.memory_space<semaphore_mem>>)
      %dma_wait3A_828 = arith.constant 0 : i32
      %dma_wait3A_829 = arith.constant 0 : i32
      %dma_wait3A_830 = tpu.memref_slice %arg2[%dma_wait3A_828, %dma_wait3A_829] : memref<50000x128xf32, #tpu.memory_space<hbm>> -> memref<50000x128xf32, #tpu.memory_space<hbm>>
      tpu.wait_indirect_dma semaphore(%arg29 : memref<!tpu.dma_semaphore, #tpu.memory_space<semaphore_mem>>) src(%dma_wait3A_830 : memref<50000x128xf32, #tpu.memory_space<hbm>>) dst(%arg22 : memref<64x128xf32, #tpu.memory_space<vmem>>)
      "tpu.region"() ({
        %run_scoped3A = tpu.sem_alloc : memref<!tpu.dma_semaphore, #tpu.memory_space<semaphore_mem>>
        %dma_start3A_1470 = arith.constant 0 : i32
        %dma_start3A_1471 = arith.constant 0 : i32
        %dma_start3A_1472 = tpu.memref_slice %arg26[%dma_start3A_1470, %dma_start3A_1471] : memref<10240x128xf32, #tpu.memory_space<vmem_shared>> -> memref<10240x128xf32, #tpu.memory_space<vmem_shared>>
        tpu.enqueue_indirect_dma source(%arg22 : memref<64x128xf32, #tpu.memory_space<vmem>>) target(%dma_start3A_1472 : memref<10240x128xf32, #tpu.memory_space<vmem_shared>>) offsets(%arg18 : memref<64xi32, #tpu.memory_space<vmem>>) semaphore(%run_scoped3A : memref<!tpu.dma_semaphore, #tpu.memory_space<semaphore_mem>>) {add = true}
        %dma_wait3A_1473 = arith.constant 0 : i32
        %dma_wait3A_1474 = arith.constant 0 : i32
        %dma_wait3A_1475 = tpu.memref_slice %arg26[%dma_wait3A_1473, %dma_wait3A_1474] : memref<10240x128xf32, #tpu.memory_space<vmem_shared>> -> memref<10240x128xf32, #tpu.memory_space<vmem_shared>>
        tpu.wait_indirect_dma semaphore(%run_scoped3A : memref<!tpu.dma_semaphore, #tpu.memory_space<semaphore_mem>>) src(%arg22 : memref<64x128xf32, #tpu.memory_space<vmem>>) dst(%dma_wait3A_1475 : memref<10240x128xf32, #tpu.memory_space<vmem_shared>>)
        tpu.yield
      }) : () -> ()
      "tpu.region"() ({
        %run_scoped3A = tpu.sem_alloc : memref<!tpu.dma_semaphore, #tpu.memory_space<semaphore_mem>>
        %dma_start3A_1470 = arith.constant 0 : i32
        %dma_start3A_1471 = tpu.memref_slice %arg27[%dma_start3A_1470] : memref<10240xf32, #tpu.memory_space<vmem_shared>> -> memref<10240xf32, #tpu.memory_space<vmem_shared>>
        tpu.enqueue_indirect_dma source(%arg25 : memref<64xf32, #tpu.memory_space<vmem>>) target(%dma_start3A_1471 : memref<10240xf32, #tpu.memory_space<vmem_shared>>) offsets(%arg18 : memref<64xi32, #tpu.memory_space<vmem>>) semaphore(%run_scoped3A : memref<!tpu.dma_semaphore, #tpu.memory_space<semaphore_mem>>) {add = true}
        %dma_wait3A_1472 = arith.constant 0 : i32
        %dma_wait3A_1473 = tpu.memref_slice %arg27[%dma_wait3A_1472] : memref<10240xf32, #tpu.memory_space<vmem_shared>> -> memref<10240xf32, #tpu.memory_space<vmem_shared>>
        tpu.wait_indirect_dma semaphore(%run_scoped3A : memref<!tpu.dma_semaphore, #tpu.memory_space<semaphore_mem>>) src(%arg25 : memref<64xf32, #tpu.memory_space<vmem>>) dst(%dma_wait3A_1473 : memref<10240xf32, #tpu.memory_space<vmem_shared>>)
        tpu.yield
      }) : () -> ()
      %get3A_831 = arith.constant 576 : index
      %get3A_832 = tpu.vector_load %arg11[%get3A_831] {strides = array<i32>} : memref<1024xi32, #tpu.memory_space<vmem>>, vector<16xi32>,
      %get3A_833 = vector.shape_cast %get3A_832 : vector<16xi32> to vector<16xi32>
      %mul3A_834 = arith.constant 10000 : i32
      %mul3A_835 = vector.broadcast %mul3A_834 : i32 to vector<16xi32>
      %mul3A_836 = arith.muli %get3A_833, %mul3A_835 : vector<16xi32>
      %get3A_837 = arith.constant 576 : index
      %get3A_838 = tpu.vector_load %arg10[%get3A_837] {strides = array<i32>} : memref<1024xi32, #tpu.memory_space<vmem>>, vector<16xi32>,
      %get3A_839 = vector.shape_cast %get3A_838 : vector<16xi32> to vector<16xi32>
      %add3A_840 = arith.addi %mul3A_836, %get3A_839 : vector<16xi32>
      %swap3A_841 = arith.constant 0 : index
      %swap3A_842 = tpu.vector_load %arg14[%swap3A_841] {strides = array<i32>} : memref<64xi32, #tpu.memory_space<vmem>>, vector<16xi32>,
      %swap3A_843 = vector.shape_cast %swap3A_842 : vector<16xi32> to vector<16xi32>
      %swap3A_844 = vector.shape_cast %add3A_840 : vector<16xi32> to vector<16xi32>
      tpu.vector_store %arg14[%swap3A_841], %swap3A_844 {strides = array<i32>} : memref<64xi32, #tpu.memory_space<vmem>>, vector<16xi32>,
      %get3A_845 = arith.constant 576 : index
      %get3A_846 = tpu.vector_load %arg12[%get3A_845] {strides = array<i32>} : memref<1024xi32, #tpu.memory_space<vmem>>, vector<16xi32>,
      %get3A_847 = vector.shape_cast %get3A_846 : vector<16xi32> to vector<16xi32>
      %swap3A_848 = arith.constant 0 : index
      %swap3A_849 = tpu.vector_load %arg18[%swap3A_848] {strides = array<i32>} : memref<64xi32, #tpu.memory_space<vmem>>, vector<16xi32>,
      %swap3A_850 = vector.shape_cast %swap3A_849 : vector<16xi32> to vector<16xi32>
      %swap3A_851 = vector.shape_cast %get3A_847 : vector<16xi32> to vector<16xi32>
      tpu.vector_store %arg18[%swap3A_848], %swap3A_851 {strides = array<i32>} : memref<64xi32, #tpu.memory_space<vmem>>, vector<16xi32>,
      %get3A_852 = arith.constant 592 : index
      %get3A_853 = tpu.vector_load %arg11[%get3A_852] {strides = array<i32>} : memref<1024xi32, #tpu.memory_space<vmem>>, vector<16xi32>,
      %get3A_854 = vector.shape_cast %get3A_853 : vector<16xi32> to vector<16xi32>
      %mul3A_855 = arith.constant 10000 : i32
      %mul3A_856 = vector.broadcast %mul3A_855 : i32 to vector<16xi32>
      %mul3A_857 = arith.muli %get3A_854, %mul3A_856 : vector<16xi32>
      %get3A_858 = arith.constant 592 : index
      %get3A_859 = tpu.vector_load %arg10[%get3A_858] {strides = array<i32>} : memref<1024xi32, #tpu.memory_space<vmem>>, vector<16xi32>,
      %get3A_860 = vector.shape_cast %get3A_859 : vector<16xi32> to vector<16xi32>
      %add3A_861 = arith.addi %mul3A_857, %get3A_860 : vector<16xi32>
      %swap3A_862 = arith.constant 16 : index
      %swap3A_863 = tpu.vector_load %arg14[%swap3A_862] {strides = array<i32>} : memref<64xi32, #tpu.memory_space<vmem>>, vector<16xi32>,
      %swap3A_864 = vector.shape_cast %swap3A_863 : vector<16xi32> to vector<16xi32>
      %swap3A_865 = vector.shape_cast %add3A_861 : vector<16xi32> to vector<16xi32>
      tpu.vector_store %arg14[%swap3A_862], %swap3A_865 {strides = array<i32>} : memref<64xi32, #tpu.memory_space<vmem>>, vector<16xi32>,
      %get3A_866 = arith.constant 592 : index
      %get3A_867 = tpu.vector_load %arg12[%get3A_866] {strides = array<i32>} : memref<1024xi32, #tpu.memory_space<vmem>>, vector<16xi32>,
      %get3A_868 = vector.shape_cast %get3A_867 : vector<16xi32> to vector<16xi32>
      %swap3A_869 = arith.constant 16 : index
      %swap3A_870 = tpu.vector_load %arg18[%swap3A_869] {strides = array<i32>} : memref<64xi32, #tpu.memory_space<vmem>>, vector<16xi32>,
      %swap3A_871 = vector.shape_cast %swap3A_870 : vector<16xi32> to vector<16xi32>
      %swap3A_872 = vector.shape_cast %get3A_868 : vector<16xi32> to vector<16xi32>
      tpu.vector_store %arg18[%swap3A_869], %swap3A_872 {strides = array<i32>} : memref<64xi32, #tpu.memory_space<vmem>>, vector<16xi32>,
      %get3A_873 = arith.constant 608 : index
      %get3A_874 = tpu.vector_load %arg11[%get3A_873] {strides = array<i32>} : memref<1024xi32, #tpu.memory_space<vmem>>, vector<16xi32>,
      %get3A_875 = vector.shape_cast %get3A_874 : vector<16xi32> to vector<16xi32>
      %mul3A_876 = arith.constant 10000 : i32
      %mul3A_877 = vector.broadcast %mul3A_876 : i32 to vector<16xi32>
      %mul3A_878 = arith.muli %get3A_875, %mul3A_877 : vector<16xi32>
      %get3A_879 = arith.constant 608 : index
      %get3A_880 = tpu.vector_load %arg10[%get3A_879] {strides = array<i32>} : memref<1024xi32, #tpu.memory_space<vmem>>, vector<16xi32>,
      %get3A_881 = vector.shape_cast %get3A_880 : vector<16xi32> to vector<16xi32>
      %add3A_882 = arith.addi %mul3A_878, %get3A_881 : vector<16xi32>
      %swap3A_883 = arith.constant 32 : index
      %swap3A_884 = tpu.vector_load %arg14[%swap3A_883] {strides = array<i32>} : memref<64xi32, #tpu.memory_space<vmem>>, vector<16xi32>,
      %swap3A_885 = vector.shape_cast %swap3A_884 : vector<16xi32> to vector<16xi32>
      %swap3A_886 = vector.shape_cast %add3A_882 : vector<16xi32> to vector<16xi32>
      tpu.vector_store %arg14[%swap3A_883], %swap3A_886 {strides = array<i32>} : memref<64xi32, #tpu.memory_space<vmem>>, vector<16xi32>,
      %get3A_887 = arith.constant 608 : index
      %get3A_888 = tpu.vector_load %arg12[%get3A_887] {strides = array<i32>} : memref<1024xi32, #tpu.memory_space<vmem>>, vector<16xi32>,
      %get3A_889 = vector.shape_cast %get3A_888 : vector<16xi32> to vector<16xi32>
      %swap3A_890 = arith.constant 32 : index
      %swap3A_891 = tpu.vector_load %arg18[%swap3A_890] {strides = array<i32>} : memref<64xi32, #tpu.memory_space<vmem>>, vector<16xi32>,
      %swap3A_892 = vector.shape_cast %swap3A_891 : vector<16xi32> to vector<16xi32>
      %swap3A_893 = vector.shape_cast %get3A_889 : vector<16xi32> to vector<16xi32>
      tpu.vector_store %arg18[%swap3A_890], %swap3A_893 {strides = array<i32>} : memref<64xi32, #tpu.memory_space<vmem>>, vector<16xi32>,
      %get3A_894 = arith.constant 624 : index
      %get3A_895 = tpu.vector_load %arg11[%get3A_894] {strides = array<i32>} : memref<1024xi32, #tpu.memory_space<vmem>>, vector<16xi32>,
      %get3A_896 = vector.shape_cast %get3A_895 : vector<16xi32> to vector<16xi32>
      %mul3A_897 = arith.constant 10000 : i32
      %mul3A_898 = vector.broadcast %mul3A_897 : i32 to vector<16xi32>
      %mul3A_899 = arith.muli %get3A_896, %mul3A_898 : vector<16xi32>
      %get3A_900 = arith.constant 624 : index
      %get3A_901 = tpu.vector_load %arg10[%get3A_900] {strides = array<i32>} : memref<1024xi32, #tpu.memory_space<vmem>>, vector<16xi32>,
      %get3A_902 = vector.shape_cast %get3A_901 : vector<16xi32> to vector<16xi32>
      %add3A_903 = arith.addi %mul3A_899, %get3A_902 : vector<16xi32>
      %swap3A_904 = arith.constant 48 : index
      %swap3A_905 = tpu.vector_load %arg14[%swap3A_904] {strides = array<i32>} : memref<64xi32, #tpu.memory_space<vmem>>, vector<16xi32>,
      %swap3A_906 = vector.shape_cast %swap3A_905 : vector<16xi32> to vector<16xi32>
      %swap3A_907 = vector.shape_cast %add3A_903 : vector<16xi32> to vector<16xi32>
      tpu.vector_store %arg14[%swap3A_904], %swap3A_907 {strides = array<i32>} : memref<64xi32, #tpu.memory_space<vmem>>, vector<16xi32>,
      %get3A_908 = arith.constant 624 : index
      %get3A_909 = tpu.vector_load %arg12[%get3A_908] {strides = array<i32>} : memref<1024xi32, #tpu.memory_space<vmem>>, vector<16xi32>,
      %get3A_910 = vector.shape_cast %get3A_909 : vector<16xi32> to vector<16xi32>
      %swap3A_911 = arith.constant 48 : index
      %swap3A_912 = tpu.vector_load %arg18[%swap3A_911] {strides = array<i32>} : memref<64xi32, #tpu.memory_space<vmem>>, vector<16xi32>,
      %swap3A_913 = vector.shape_cast %swap3A_912 : vector<16xi32> to vector<16xi32>
      %swap3A_914 = vector.shape_cast %get3A_910 : vector<16xi32> to vector<16xi32>
      tpu.vector_store %arg18[%swap3A_911], %swap3A_914 {strides = array<i32>} : memref<64xi32, #tpu.memory_space<vmem>>, vector<16xi32>,
      %dma_start3A_915 = arith.constant 0 : i32
      %dma_start3A_916 = arith.constant 0 : i32
      %dma_start3A_917 = tpu.memref_slice %arg2[%dma_start3A_915, %dma_start3A_916] : memref<50000x128xf32, #tpu.memory_space<hbm>> -> memref<50000x128xf32, #tpu.memory_space<hbm>>
      tpu.enqueue_indirect_dma source(%dma_start3A_917 : memref<50000x128xf32, #tpu.memory_space<hbm>>) target(%arg22 : memref<64x128xf32, #tpu.memory_space<vmem>>) offsets(%arg14 : memref<64xi32, #tpu.memory_space<vmem>>) semaphore(%arg29 : memref<!tpu.dma_semaphore, #tpu.memory_space<semaphore_mem>>)
      %dma_wait3A_918 = arith.constant 0 : i32
      %dma_wait3A_919 = arith.constant 0 : i32
      %dma_wait3A_920 = tpu.memref_slice %arg2[%dma_wait3A_918, %dma_wait3A_919] : memref<50000x128xf32, #tpu.memory_space<hbm>> -> memref<50000x128xf32, #tpu.memory_space<hbm>>
      tpu.wait_indirect_dma semaphore(%arg30 : memref<!tpu.dma_semaphore, #tpu.memory_space<semaphore_mem>>) src(%dma_wait3A_920 : memref<50000x128xf32, #tpu.memory_space<hbm>>) dst(%arg23 : memref<64x128xf32, #tpu.memory_space<vmem>>)
      "tpu.region"() ({
        %run_scoped3A = tpu.sem_alloc : memref<!tpu.dma_semaphore, #tpu.memory_space<semaphore_mem>>
        %dma_start3A_1470 = arith.constant 0 : i32
        %dma_start3A_1471 = arith.constant 0 : i32
        %dma_start3A_1472 = tpu.memref_slice %arg26[%dma_start3A_1470, %dma_start3A_1471] : memref<10240x128xf32, #tpu.memory_space<vmem_shared>> -> memref<10240x128xf32, #tpu.memory_space<vmem_shared>>
        tpu.enqueue_indirect_dma source(%arg23 : memref<64x128xf32, #tpu.memory_space<vmem>>) target(%dma_start3A_1472 : memref<10240x128xf32, #tpu.memory_space<vmem_shared>>) offsets(%arg19 : memref<64xi32, #tpu.memory_space<vmem>>) semaphore(%run_scoped3A : memref<!tpu.dma_semaphore, #tpu.memory_space<semaphore_mem>>) {add = true}
        %dma_wait3A_1473 = arith.constant 0 : i32
        %dma_wait3A_1474 = arith.constant 0 : i32
        %dma_wait3A_1475 = tpu.memref_slice %arg26[%dma_wait3A_1473, %dma_wait3A_1474] : memref<10240x128xf32, #tpu.memory_space<vmem_shared>> -> memref<10240x128xf32, #tpu.memory_space<vmem_shared>>
        tpu.wait_indirect_dma semaphore(%run_scoped3A : memref<!tpu.dma_semaphore, #tpu.memory_space<semaphore_mem>>) src(%arg23 : memref<64x128xf32, #tpu.memory_space<vmem>>) dst(%dma_wait3A_1475 : memref<10240x128xf32, #tpu.memory_space<vmem_shared>>)
        tpu.yield
      }) : () -> ()
      "tpu.region"() ({
        %run_scoped3A = tpu.sem_alloc : memref<!tpu.dma_semaphore, #tpu.memory_space<semaphore_mem>>
        %dma_start3A_1470 = arith.constant 0 : i32
        %dma_start3A_1471 = tpu.memref_slice %arg27[%dma_start3A_1470] : memref<10240xf32, #tpu.memory_space<vmem_shared>> -> memref<10240xf32, #tpu.memory_space<vmem_shared>>
        tpu.enqueue_indirect_dma source(%arg25 : memref<64xf32, #tpu.memory_space<vmem>>) target(%dma_start3A_1471 : memref<10240xf32, #tpu.memory_space<vmem_shared>>) offsets(%arg19 : memref<64xi32, #tpu.memory_space<vmem>>) semaphore(%run_scoped3A : memref<!tpu.dma_semaphore, #tpu.memory_space<semaphore_mem>>) {add = true}
        %dma_wait3A_1472 = arith.constant 0 : i32
        %dma_wait3A_1473 = tpu.memref_slice %arg27[%dma_wait3A_1472] : memref<10240xf32, #tpu.memory_space<vmem_shared>> -> memref<10240xf32, #tpu.memory_space<vmem_shared>>
        tpu.wait_indirect_dma semaphore(%run_scoped3A : memref<!tpu.dma_semaphore, #tpu.memory_space<semaphore_mem>>) src(%arg25 : memref<64xf32, #tpu.memory_space<vmem>>) dst(%dma_wait3A_1473 : memref<10240xf32, #tpu.memory_space<vmem_shared>>)
        tpu.yield
      }) : () -> ()
      %get3A_921 = arith.constant 640 : index
      %get3A_922 = tpu.vector_load %arg11[%get3A_921] {strides = array<i32>} : memref<1024xi32, #tpu.memory_space<vmem>>, vector<16xi32>,
      %get3A_923 = vector.shape_cast %get3A_922 : vector<16xi32> to vector<16xi32>
      %mul3A_924 = arith.constant 10000 : i32
      %mul3A_925 = vector.broadcast %mul3A_924 : i32 to vector<16xi32>
      %mul3A_926 = arith.muli %get3A_923, %mul3A_925 : vector<16xi32>
      %get3A_927 = arith.constant 640 : index
      %get3A_928 = tpu.vector_load %arg10[%get3A_927] {strides = array<i32>} : memref<1024xi32, #tpu.memory_space<vmem>>, vector<16xi32>,
      %get3A_929 = vector.shape_cast %get3A_928 : vector<16xi32> to vector<16xi32>
      %add3A_930 = arith.addi %mul3A_926, %get3A_929 : vector<16xi32>
      %swap3A_931 = arith.constant 0 : index
      %swap3A_932 = tpu.vector_load %arg15[%swap3A_931] {strides = array<i32>} : memref<64xi32, #tpu.memory_space<vmem>>, vector<16xi32>,
      %swap3A_933 = vector.shape_cast %swap3A_932 : vector<16xi32> to vector<16xi32>
      %swap3A_934 = vector.shape_cast %add3A_930 : vector<16xi32> to vector<16xi32>
      tpu.vector_store %arg15[%swap3A_931], %swap3A_934 {strides = array<i32>} : memref<64xi32, #tpu.memory_space<vmem>>, vector<16xi32>,
      %get3A_935 = arith.constant 640 : index
      %get3A_936 = tpu.vector_load %arg12[%get3A_935] {strides = array<i32>} : memref<1024xi32, #tpu.memory_space<vmem>>, vector<16xi32>,
      %get3A_937 = vector.shape_cast %get3A_936 : vector<16xi32> to vector<16xi32>
      %swap3A_938 = arith.constant 0 : index
      %swap3A_939 = tpu.vector_load %arg19[%swap3A_938] {strides = array<i32>} : memref<64xi32, #tpu.memory_space<vmem>>, vector<16xi32>,
      %swap3A_940 = vector.shape_cast %swap3A_939 : vector<16xi32> to vector<16xi32>
      %swap3A_941 = vector.shape_cast %get3A_937 : vector<16xi32> to vector<16xi32>
      tpu.vector_store %arg19[%swap3A_938], %swap3A_941 {strides = array<i32>} : memref<64xi32, #tpu.memory_space<vmem>>, vector<16xi32>,
      %get3A_942 = arith.constant 656 : index
      %get3A_943 = tpu.vector_load %arg11[%get3A_942] {strides = array<i32>} : memref<1024xi32, #tpu.memory_space<vmem>>, vector<16xi32>,
      %get3A_944 = vector.shape_cast %get3A_943 : vector<16xi32> to vector<16xi32>
      %mul3A_945 = arith.constant 10000 : i32
      %mul3A_946 = vector.broadcast %mul3A_945 : i32 to vector<16xi32>
      %mul3A_947 = arith.muli %get3A_944, %mul3A_946 : vector<16xi32>
      %get3A_948 = arith.constant 656 : index
      %get3A_949 = tpu.vector_load %arg10[%get3A_948] {strides = array<i32>} : memref<1024xi32, #tpu.memory_space<vmem>>, vector<16xi32>,
      %get3A_950 = vector.shape_cast %get3A_949 : vector<16xi32> to vector<16xi32>
      %add3A_951 = arith.addi %mul3A_947, %get3A_950 : vector<16xi32>
      %swap3A_952 = arith.constant 16 : index
      %swap3A_953 = tpu.vector_load %arg15[%swap3A_952] {strides = array<i32>} : memref<64xi32, #tpu.memory_space<vmem>>, vector<16xi32>,
      %swap3A_954 = vector.shape_cast %swap3A_953 : vector<16xi32> to vector<16xi32>
      %swap3A_955 = vector.shape_cast %add3A_951 : vector<16xi32> to vector<16xi32>
      tpu.vector_store %arg15[%swap3A_952], %swap3A_955 {strides = array<i32>} : memref<64xi32, #tpu.memory_space<vmem>>, vector<16xi32>,
      %get3A_956 = arith.constant 656 : index
      %get3A_957 = tpu.vector_load %arg12[%get3A_956] {strides = array<i32>} : memref<1024xi32, #tpu.memory_space<vmem>>, vector<16xi32>,
      %get3A_958 = vector.shape_cast %get3A_957 : vector<16xi32> to vector<16xi32>
      %swap3A_959 = arith.constant 16 : index
      %swap3A_960 = tpu.vector_load %arg19[%swap3A_959] {strides = array<i32>} : memref<64xi32, #tpu.memory_space<vmem>>, vector<16xi32>,
      %swap3A_961 = vector.shape_cast %swap3A_960 : vector<16xi32> to vector<16xi32>
      %swap3A_962 = vector.shape_cast %get3A_958 : vector<16xi32> to vector<16xi32>
      tpu.vector_store %arg19[%swap3A_959], %swap3A_962 {strides = array<i32>} : memref<64xi32, #tpu.memory_space<vmem>>, vector<16xi32>,
      %get3A_963 = arith.constant 672 : index
      %get3A_964 = tpu.vector_load %arg11[%get3A_963] {strides = array<i32>} : memref<1024xi32, #tpu.memory_space<vmem>>, vector<16xi32>,
      %get3A_965 = vector.shape_cast %get3A_964 : vector<16xi32> to vector<16xi32>
      %mul3A_966 = arith.constant 10000 : i32
      %mul3A_967 = vector.broadcast %mul3A_966 : i32 to vector<16xi32>
      %mul3A_968 = arith.muli %get3A_965, %mul3A_967 : vector<16xi32>
      %get3A_969 = arith.constant 672 : index
      %get3A_970 = tpu.vector_load %arg10[%get3A_969] {strides = array<i32>} : memref<1024xi32, #tpu.memory_space<vmem>>, vector<16xi32>,
      %get3A_971 = vector.shape_cast %get3A_970 : vector<16xi32> to vector<16xi32>
      %add3A_972 = arith.addi %mul3A_968, %get3A_971 : vector<16xi32>
      %swap3A_973 = arith.constant 32 : index
      %swap3A_974 = tpu.vector_load %arg15[%swap3A_973] {strides = array<i32>} : memref<64xi32, #tpu.memory_space<vmem>>, vector<16xi32>,
      %swap3A_975 = vector.shape_cast %swap3A_974 : vector<16xi32> to vector<16xi32>
      %swap3A_976 = vector.shape_cast %add3A_972 : vector<16xi32> to vector<16xi32>
      tpu.vector_store %arg15[%swap3A_973], %swap3A_976 {strides = array<i32>} : memref<64xi32, #tpu.memory_space<vmem>>, vector<16xi32>,
      %get3A_977 = arith.constant 672 : index
      %get3A_978 = tpu.vector_load %arg12[%get3A_977] {strides = array<i32>} : memref<1024xi32, #tpu.memory_space<vmem>>, vector<16xi32>,
      %get3A_979 = vector.shape_cast %get3A_978 : vector<16xi32> to vector<16xi32>
      %swap3A_980 = arith.constant 32 : index
      %swap3A_981 = tpu.vector_load %arg19[%swap3A_980] {strides = array<i32>} : memref<64xi32, #tpu.memory_space<vmem>>, vector<16xi32>,
      %swap3A_982 = vector.shape_cast %swap3A_981 : vector<16xi32> to vector<16xi32>
      %swap3A_983 = vector.shape_cast %get3A_979 : vector<16xi32> to vector<16xi32>
      tpu.vector_store %arg19[%swap3A_980], %swap3A_983 {strides = array<i32>} : memref<64xi32, #tpu.memory_space<vmem>>, vector<16xi32>,
      %get3A_984 = arith.constant 688 : index
      %get3A_985 = tpu.vector_load %arg11[%get3A_984] {strides = array<i32>} : memref<1024xi32, #tpu.memory_space<vmem>>, vector<16xi32>,
      %get3A_986 = vector.shape_cast %get3A_985 : vector<16xi32> to vector<16xi32>
      %mul3A_987 = arith.constant 10000 : i32
      %mul3A_988 = vector.broadcast %mul3A_987 : i32 to vector<16xi32>
      %mul3A_989 = arith.muli %get3A_986, %mul3A_988 : vector<16xi32>
      %get3A_990 = arith.constant 688 : index
      %get3A_991 = tpu.vector_load %arg10[%get3A_990] {strides = array<i32>} : memref<1024xi32, #tpu.memory_space<vmem>>, vector<16xi32>,
      %get3A_992 = vector.shape_cast %get3A_991 : vector<16xi32> to vector<16xi32>
      %add3A_993 = arith.addi %mul3A_989, %get3A_992 : vector<16xi32>
      %swap3A_994 = arith.constant 48 : index
      %swap3A_995 = tpu.vector_load %arg15[%swap3A_994] {strides = array<i32>} : memref<64xi32, #tpu.memory_space<vmem>>, vector<16xi32>,
      %swap3A_996 = vector.shape_cast %swap3A_995 : vector<16xi32> to vector<16xi32>
      %swap3A_997 = vector.shape_cast %add3A_993 : vector<16xi32> to vector<16xi32>
      tpu.vector_store %arg15[%swap3A_994], %swap3A_997 {strides = array<i32>} : memref<64xi32, #tpu.memory_space<vmem>>, vector<16xi32>,
      %get3A_998 = arith.constant 688 : index
      %get3A_999 = tpu.vector_load %arg12[%get3A_998] {strides = array<i32>} : memref<1024xi32, #tpu.memory_space<vmem>>, vector<16xi32>,
      %get3A_1000 = vector.shape_cast %get3A_999 : vector<16xi32> to vector<16xi32>
      %swap3A_1001 = arith.constant 48 : index
      %swap3A_1002 = tpu.vector_load %arg19[%swap3A_1001] {strides = array<i32>} : memref<64xi32, #tpu.memory_space<vmem>>, vector<16xi32>,
      %swap3A_1003 = vector.shape_cast %swap3A_1002 : vector<16xi32> to vector<16xi32>
      %swap3A_1004 = vector.shape_cast %get3A_1000 : vector<16xi32> to vector<16xi32>
      tpu.vector_store %arg19[%swap3A_1001], %swap3A_1004 {strides = array<i32>} : memref<64xi32, #tpu.memory_space<vmem>>, vector<16xi32>,
      %dma_start3A_1005 = arith.constant 0 : i32
      %dma_start3A_1006 = arith.constant 0 : i32
      %dma_start3A_1007 = tpu.memref_slice %arg2[%dma_start3A_1005, %dma_start3A_1006] : memref<50000x128xf32, #tpu.memory_space<hbm>> -> memref<50000x128xf32, #tpu.memory_space<hbm>>
      tpu.enqueue_indirect_dma source(%dma_start3A_1007 : memref<50000x128xf32, #tpu.memory_space<hbm>>) target(%arg23 : memref<64x128xf32, #tpu.memory_space<vmem>>) offsets(%arg15 : memref<64xi32, #tpu.memory_space<vmem>>) semaphore(%arg30 : memref<!tpu.dma_semaphore, #tpu.memory_space<semaphore_mem>>)
      %dma_wait3A_1008 = arith.constant 0 : i32
      %dma_wait3A_1009 = arith.constant 0 : i32
      %dma_wait3A_1010 = tpu.memref_slice %arg2[%dma_wait3A_1008, %dma_wait3A_1009] : memref<50000x128xf32, #tpu.memory_space<hbm>> -> memref<50000x128xf32, #tpu.memory_space<hbm>>
      tpu.wait_indirect_dma semaphore(%arg31 : memref<!tpu.dma_semaphore, #tpu.memory_space<semaphore_mem>>) src(%dma_wait3A_1010 : memref<50000x128xf32, #tpu.memory_space<hbm>>) dst(%arg24 : memref<64x128xf32, #tpu.memory_space<vmem>>)
      "tpu.region"() ({
        %run_scoped3A = tpu.sem_alloc : memref<!tpu.dma_semaphore, #tpu.memory_space<semaphore_mem>>
        %dma_start3A_1470 = arith.constant 0 : i32
        %dma_start3A_1471 = arith.constant 0 : i32
        %dma_start3A_1472 = tpu.memref_slice %arg26[%dma_start3A_1470, %dma_start3A_1471] : memref<10240x128xf32, #tpu.memory_space<vmem_shared>> -> memref<10240x128xf32, #tpu.memory_space<vmem_shared>>
        tpu.enqueue_indirect_dma source(%arg24 : memref<64x128xf32, #tpu.memory_space<vmem>>) target(%dma_start3A_1472 : memref<10240x128xf32, #tpu.memory_space<vmem_shared>>) offsets(%arg20 : memref<64xi32, #tpu.memory_space<vmem>>) semaphore(%run_scoped3A : memref<!tpu.dma_semaphore, #tpu.memory_space<semaphore_mem>>) {add = true}
        %dma_wait3A_1473 = arith.constant 0 : i32
        %dma_wait3A_1474 = arith.constant 0 : i32
        %dma_wait3A_1475 = tpu.memref_slice %arg26[%dma_wait3A_1473, %dma_wait3A_1474] : memref<10240x128xf32, #tpu.memory_space<vmem_shared>> -> memref<10240x128xf32, #tpu.memory_space<vmem_shared>>
        tpu.wait_indirect_dma semaphore(%run_scoped3A : memref<!tpu.dma_semaphore, #tpu.memory_space<semaphore_mem>>) src(%arg24 : memref<64x128xf32, #tpu.memory_space<vmem>>) dst(%dma_wait3A_1475 : memref<10240x128xf32, #tpu.memory_space<vmem_shared>>)
        tpu.yield
      }) : () -> ()
      "tpu.region"() ({
        %run_scoped3A = tpu.sem_alloc : memref<!tpu.dma_semaphore, #tpu.memory_space<semaphore_mem>>
        %dma_start3A_1470 = arith.constant 0 : i32
        %dma_start3A_1471 = tpu.memref_slice %arg27[%dma_start3A_1470] : memref<10240xf32, #tpu.memory_space<vmem_shared>> -> memref<10240xf32, #tpu.memory_space<vmem_shared>>
        tpu.enqueue_indirect_dma source(%arg25 : memref<64xf32, #tpu.memory_space<vmem>>) target(%dma_start3A_1471 : memref<10240xf32, #tpu.memory_space<vmem_shared>>) offsets(%arg20 : memref<64xi32, #tpu.memory_space<vmem>>) semaphore(%run_scoped3A : memref<!tpu.dma_semaphore, #tpu.memory_space<semaphore_mem>>) {add = true}
        %dma_wait3A_1472 = arith.constant 0 : i32
        %dma_wait3A_1473 = tpu.memref_slice %arg27[%dma_wait3A_1472] : memref<10240xf32, #tpu.memory_space<vmem_shared>> -> memref<10240xf32, #tpu.memory_space<vmem_shared>>
        tpu.wait_indirect_dma semaphore(%run_scoped3A : memref<!tpu.dma_semaphore, #tpu.memory_space<semaphore_mem>>) src(%arg25 : memref<64xf32, #tpu.memory_space<vmem>>) dst(%dma_wait3A_1473 : memref<10240xf32, #tpu.memory_space<vmem_shared>>)
        tpu.yield
      }) : () -> ()
      %get3A_1011 = arith.constant 704 : index
      %get3A_1012 = tpu.vector_load %arg11[%get3A_1011] {strides = array<i32>} : memref<1024xi32, #tpu.memory_space<vmem>>, vector<16xi32>,
      %get3A_1013 = vector.shape_cast %get3A_1012 : vector<16xi32> to vector<16xi32>
      %mul3A_1014 = arith.constant 10000 : i32
      %mul3A_1015 = vector.broadcast %mul3A_1014 : i32 to vector<16xi32>
      %mul3A_1016 = arith.muli %get3A_1013, %mul3A_1015 : vector<16xi32>
      %get3A_1017 = arith.constant 704 : index
      %get3A_1018 = tpu.vector_load %arg10[%get3A_1017] {strides = array<i32>} : memref<1024xi32, #tpu.memory_space<vmem>>, vector<16xi32>,
      %get3A_1019 = vector.shape_cast %get3A_1018 : vector<16xi32> to vector<16xi32>
      %add3A_1020 = arith.addi %mul3A_1016, %get3A_1019 : vector<16xi32>
      %swap3A_1021 = arith.constant 0 : index
      %swap3A_1022 = tpu.vector_load %arg16[%swap3A_1021] {strides = array<i32>} : memref<64xi32, #tpu.memory_space<vmem>>, vector<16xi32>,
      %swap3A_1023 = vector.shape_cast %swap3A_1022 : vector<16xi32> to vector<16xi32>
      %swap3A_1024 = vector.shape_cast %add3A_1020 : vector<16xi32> to vector<16xi32>
      tpu.vector_store %arg16[%swap3A_1021], %swap3A_1024 {strides = array<i32>} : memref<64xi32, #tpu.memory_space<vmem>>, vector<16xi32>,
      %get3A_1025 = arith.constant 704 : index
      %get3A_1026 = tpu.vector_load %arg12[%get3A_1025] {strides = array<i32>} : memref<1024xi32, #tpu.memory_space<vmem>>, vector<16xi32>,
      %get3A_1027 = vector.shape_cast %get3A_1026 : vector<16xi32> to vector<16xi32>
      %swap3A_1028 = arith.constant 0 : index
      %swap3A_1029 = tpu.vector_load %arg20[%swap3A_1028] {strides = array<i32>} : memref<64xi32, #tpu.memory_space<vmem>>, vector<16xi32>,
      %swap3A_1030 = vector.shape_cast %swap3A_1029 : vector<16xi32> to vector<16xi32>
      %swap3A_1031 = vector.shape_cast %get3A_1027 : vector<16xi32> to vector<16xi32>
      tpu.vector_store %arg20[%swap3A_1028], %swap3A_1031 {strides = array<i32>} : memref<64xi32, #tpu.memory_space<vmem>>, vector<16xi32>,
      %get3A_1032 = arith.constant 720 : index
      %get3A_1033 = tpu.vector_load %arg11[%get3A_1032] {strides = array<i32>} : memref<1024xi32, #tpu.memory_space<vmem>>, vector<16xi32>,
      %get3A_1034 = vector.shape_cast %get3A_1033 : vector<16xi32> to vector<16xi32>
      %mul3A_1035 = arith.constant 10000 : i32
      %mul3A_1036 = vector.broadcast %mul3A_1035 : i32 to vector<16xi32>
      %mul3A_1037 = arith.muli %get3A_1034, %mul3A_1036 : vector<16xi32>
      %get3A_1038 = arith.constant 720 : index
      %get3A_1039 = tpu.vector_load %arg10[%get3A_1038] {strides = array<i32>} : memref<1024xi32, #tpu.memory_space<vmem>>, vector<16xi32>,
      %get3A_1040 = vector.shape_cast %get3A_1039 : vector<16xi32> to vector<16xi32>
      %add3A_1041 = arith.addi %mul3A_1037, %get3A_1040 : vector<16xi32>
      %swap3A_1042 = arith.constant 16 : index
      %swap3A_1043 = tpu.vector_load %arg16[%swap3A_1042] {strides = array<i32>} : memref<64xi32, #tpu.memory_space<vmem>>, vector<16xi32>,
      %swap3A_1044 = vector.shape_cast %swap3A_1043 : vector<16xi32> to vector<16xi32>
      %swap3A_1045 = vector.shape_cast %add3A_1041 : vector<16xi32> to vector<16xi32>
      tpu.vector_store %arg16[%swap3A_1042], %swap3A_1045 {strides = array<i32>} : memref<64xi32, #tpu.memory_space<vmem>>, vector<16xi32>,
      %get3A_1046 = arith.constant 720 : index
      %get3A_1047 = tpu.vector_load %arg12[%get3A_1046] {strides = array<i32>} : memref<1024xi32, #tpu.memory_space<vmem>>, vector<16xi32>,
      %get3A_1048 = vector.shape_cast %get3A_1047 : vector<16xi32> to vector<16xi32>
      %swap3A_1049 = arith.constant 16 : index
      %swap3A_1050 = tpu.vector_load %arg20[%swap3A_1049] {strides = array<i32>} : memref<64xi32, #tpu.memory_space<vmem>>, vector<16xi32>,
      %swap3A_1051 = vector.shape_cast %swap3A_1050 : vector<16xi32> to vector<16xi32>
      %swap3A_1052 = vector.shape_cast %get3A_1048 : vector<16xi32> to vector<16xi32>
      tpu.vector_store %arg20[%swap3A_1049], %swap3A_1052 {strides = array<i32>} : memref<64xi32, #tpu.memory_space<vmem>>, vector<16xi32>,
      %get3A_1053 = arith.constant 736 : index
      %get3A_1054 = tpu.vector_load %arg11[%get3A_1053] {strides = array<i32>} : memref<1024xi32, #tpu.memory_space<vmem>>, vector<16xi32>,
      %get3A_1055 = vector.shape_cast %get3A_1054 : vector<16xi32> to vector<16xi32>
      %mul3A_1056 = arith.constant 10000 : i32
      %mul3A_1057 = vector.broadcast %mul3A_1056 : i32 to vector<16xi32>
      %mul3A_1058 = arith.muli %get3A_1055, %mul3A_1057 : vector<16xi32>
      %get3A_1059 = arith.constant 736 : index
      %get3A_1060 = tpu.vector_load %arg10[%get3A_1059] {strides = array<i32>} : memref<1024xi32, #tpu.memory_space<vmem>>, vector<16xi32>,
      %get3A_1061 = vector.shape_cast %get3A_1060 : vector<16xi32> to vector<16xi32>
      %add3A_1062 = arith.addi %mul3A_1058, %get3A_1061 : vector<16xi32>
      %swap3A_1063 = arith.constant 32 : index
      %swap3A_1064 = tpu.vector_load %arg16[%swap3A_1063] {strides = array<i32>} : memref<64xi32, #tpu.memory_space<vmem>>, vector<16xi32>,
      %swap3A_1065 = vector.shape_cast %swap3A_1064 : vector<16xi32> to vector<16xi32>
      %swap3A_1066 = vector.shape_cast %add3A_1062 : vector<16xi32> to vector<16xi32>
      tpu.vector_store %arg16[%swap3A_1063], %swap3A_1066 {strides = array<i32>} : memref<64xi32, #tpu.memory_space<vmem>>, vector<16xi32>,
      %get3A_1067 = arith.constant 736 : index
      %get3A_1068 = tpu.vector_load %arg12[%get3A_1067] {strides = array<i32>} : memref<1024xi32, #tpu.memory_space<vmem>>, vector<16xi32>,
      %get3A_1069 = vector.shape_cast %get3A_1068 : vector<16xi32> to vector<16xi32>
      %swap3A_1070 = arith.constant 32 : index
      %swap3A_1071 = tpu.vector_load %arg20[%swap3A_1070] {strides = array<i32>} : memref<64xi32, #tpu.memory_space<vmem>>, vector<16xi32>,
      %swap3A_1072 = vector.shape_cast %swap3A_1071 : vector<16xi32> to vector<16xi32>
      %swap3A_1073 = vector.shape_cast %get3A_1069 : vector<16xi32> to vector<16xi32>
      tpu.vector_store %arg20[%swap3A_1070], %swap3A_1073 {strides = array<i32>} : memref<64xi32, #tpu.memory_space<vmem>>, vector<16xi32>,
      %get3A_1074 = arith.constant 752 : index
      %get3A_1075 = tpu.vector_load %arg11[%get3A_1074] {strides = array<i32>} : memref<1024xi32, #tpu.memory_space<vmem>>, vector<16xi32>,
      %get3A_1076 = vector.shape_cast %get3A_1075 : vector<16xi32> to vector<16xi32>
      %mul3A_1077 = arith.constant 10000 : i32
      %mul3A_1078 = vector.broadcast %mul3A_1077 : i32 to vector<16xi32>
      %mul3A_1079 = arith.muli %get3A_1076, %mul3A_1078 : vector<16xi32>
      %get3A_1080 = arith.constant 752 : index
      %get3A_1081 = tpu.vector_load %arg10[%get3A_1080] {strides = array<i32>} : memref<1024xi32, #tpu.memory_space<vmem>>, vector<16xi32>,
      %get3A_1082 = vector.shape_cast %get3A_1081 : vector<16xi32> to vector<16xi32>
      %add3A_1083 = arith.addi %mul3A_1079, %get3A_1082 : vector<16xi32>
      %swap3A_1084 = arith.constant 48 : index
      %swap3A_1085 = tpu.vector_load %arg16[%swap3A_1084] {strides = array<i32>} : memref<64xi32, #tpu.memory_space<vmem>>, vector<16xi32>,
      %swap3A_1086 = vector.shape_cast %swap3A_1085 : vector<16xi32> to vector<16xi32>
      %swap3A_1087 = vector.shape_cast %add3A_1083 : vector<16xi32> to vector<16xi32>
      tpu.vector_store %arg16[%swap3A_1084], %swap3A_1087 {strides = array<i32>} : memref<64xi32, #tpu.memory_space<vmem>>, vector<16xi32>,
      %get3A_1088 = arith.constant 752 : index
      %get3A_1089 = tpu.vector_load %arg12[%get3A_1088] {strides = array<i32>} : memref<1024xi32, #tpu.memory_space<vmem>>, vector<16xi32>,
      %get3A_1090 = vector.shape_cast %get3A_1089 : vector<16xi32> to vector<16xi32>
      %swap3A_1091 = arith.constant 48 : index
      %swap3A_1092 = tpu.vector_load %arg20[%swap3A_1091] {strides = array<i32>} : memref<64xi32, #tpu.memory_space<vmem>>, vector<16xi32>,
      %swap3A_1093 = vector.shape_cast %swap3A_1092 : vector<16xi32> to vector<16xi32>
      %swap3A_1094 = vector.shape_cast %get3A_1090 : vector<16xi32> to vector<16xi32>
      tpu.vector_store %arg20[%swap3A_1091], %swap3A_1094 {strides = array<i32>} : memref<64xi32, #tpu.memory_space<vmem>>, vector<16xi32>,
      %dma_start3A_1095 = arith.constant 0 : i32
      %dma_start3A_1096 = arith.constant 0 : i32
      %dma_start3A_1097 = tpu.memref_slice %arg2[%dma_start3A_1095, %dma_start3A_1096] : memref<50000x128xf32, #tpu.memory_space<hbm>> -> memref<50000x128xf32, #tpu.memory_space<hbm>>
      tpu.enqueue_indirect_dma source(%dma_start3A_1097 : memref<50000x128xf32, #tpu.memory_space<hbm>>) target(%arg24 : memref<64x128xf32, #tpu.memory_space<vmem>>) offsets(%arg16 : memref<64xi32, #tpu.memory_space<vmem>>) semaphore(%arg31 : memref<!tpu.dma_semaphore, #tpu.memory_space<semaphore_mem>>)
      %dma_wait3A_1098 = arith.constant 0 : i32
      %dma_wait3A_1099 = arith.constant 0 : i32
      %dma_wait3A_1100 = tpu.memref_slice %arg2[%dma_wait3A_1098, %dma_wait3A_1099] : memref<50000x128xf32, #tpu.memory_space<hbm>> -> memref<50000x128xf32, #tpu.memory_space<hbm>>
      tpu.wait_indirect_dma semaphore(%arg28 : memref<!tpu.dma_semaphore, #tpu.memory_space<semaphore_mem>>) src(%dma_wait3A_1100 : memref<50000x128xf32, #tpu.memory_space<hbm>>) dst(%arg21 : memref<64x128xf32, #tpu.memory_space<vmem>>)
      "tpu.region"() ({
        %run_scoped3A = tpu.sem_alloc : memref<!tpu.dma_semaphore, #tpu.memory_space<semaphore_mem>>
        %dma_start3A_1470 = arith.constant 0 : i32
        %dma_start3A_1471 = arith.constant 0 : i32
        %dma_start3A_1472 = tpu.memref_slice %arg26[%dma_start3A_1470, %dma_start3A_1471] : memref<10240x128xf32, #tpu.memory_space<vmem_shared>> -> memref<10240x128xf32, #tpu.memory_space<vmem_shared>>
        tpu.enqueue_indirect_dma source(%arg21 : memref<64x128xf32, #tpu.memory_space<vmem>>) target(%dma_start3A_1472 : memref<10240x128xf32, #tpu.memory_space<vmem_shared>>) offsets(%arg17 : memref<64xi32, #tpu.memory_space<vmem>>) semaphore(%run_scoped3A : memref<!tpu.dma_semaphore, #tpu.memory_space<semaphore_mem>>) {add = true}
        %dma_wait3A_1473 = arith.constant 0 : i32
        %dma_wait3A_1474 = arith.constant 0 : i32
        %dma_wait3A_1475 = tpu.memref_slice %arg26[%dma_wait3A_1473, %dma_wait3A_1474] : memref<10240x128xf32, #tpu.memory_space<vmem_shared>> -> memref<10240x128xf32, #tpu.memory_space<vmem_shared>>
        tpu.wait_indirect_dma semaphore(%run_scoped3A : memref<!tpu.dma_semaphore, #tpu.memory_space<semaphore_mem>>) src(%arg21 : memref<64x128xf32, #tpu.memory_space<vmem>>) dst(%dma_wait3A_1475 : memref<10240x128xf32, #tpu.memory_space<vmem_shared>>)
        tpu.yield
      }) : () -> ()
      "tpu.region"() ({
        %run_scoped3A = tpu.sem_alloc : memref<!tpu.dma_semaphore, #tpu.memory_space<semaphore_mem>>
        %dma_start3A_1470 = arith.constant 0 : i32
        %dma_start3A_1471 = tpu.memref_slice %arg27[%dma_start3A_1470] : memref<10240xf32, #tpu.memory_space<vmem_shared>> -> memref<10240xf32, #tpu.memory_space<vmem_shared>>
        tpu.enqueue_indirect_dma source(%arg25 : memref<64xf32, #tpu.memory_space<vmem>>) target(%dma_start3A_1471 : memref<10240xf32, #tpu.memory_space<vmem_shared>>) offsets(%arg17 : memref<64xi32, #tpu.memory_space<vmem>>) semaphore(%run_scoped3A : memref<!tpu.dma_semaphore, #tpu.memory_space<semaphore_mem>>) {add = true}
        %dma_wait3A_1472 = arith.constant 0 : i32
        %dma_wait3A_1473 = tpu.memref_slice %arg27[%dma_wait3A_1472] : memref<10240xf32, #tpu.memory_space<vmem_shared>> -> memref<10240xf32, #tpu.memory_space<vmem_shared>>
        tpu.wait_indirect_dma semaphore(%run_scoped3A : memref<!tpu.dma_semaphore, #tpu.memory_space<semaphore_mem>>) src(%arg25 : memref<64xf32, #tpu.memory_space<vmem>>) dst(%dma_wait3A_1473 : memref<10240xf32, #tpu.memory_space<vmem_shared>>)
        tpu.yield
      }) : () -> ()
      %get3A_1101 = arith.constant 768 : index
      %get3A_1102 = tpu.vector_load %arg11[%get3A_1101] {strides = array<i32>} : memref<1024xi32, #tpu.memory_space<vmem>>, vector<16xi32>,
      %get3A_1103 = vector.shape_cast %get3A_1102 : vector<16xi32> to vector<16xi32>
      %mul3A_1104 = arith.constant 10000 : i32
      %mul3A_1105 = vector.broadcast %mul3A_1104 : i32 to vector<16xi32>
      %mul3A_1106 = arith.muli %get3A_1103, %mul3A_1105 : vector<16xi32>
      %get3A_1107 = arith.constant 768 : index
      %get3A_1108 = tpu.vector_load %arg10[%get3A_1107] {strides = array<i32>} : memref<1024xi32, #tpu.memory_space<vmem>>, vector<16xi32>,
      %get3A_1109 = vector.shape_cast %get3A_1108 : vector<16xi32> to vector<16xi32>
      %add3A_1110 = arith.addi %mul3A_1106, %get3A_1109 : vector<16xi32>
      %swap3A_1111 = arith.constant 0 : index
      %swap3A_1112 = tpu.vector_load %arg13[%swap3A_1111] {strides = array<i32>} : memref<64xi32, #tpu.memory_space<vmem>>, vector<16xi32>,
      %swap3A_1113 = vector.shape_cast %swap3A_1112 : vector<16xi32> to vector<16xi32>
      %swap3A_1114 = vector.shape_cast %add3A_1110 : vector<16xi32> to vector<16xi32>
      tpu.vector_store %arg13[%swap3A_1111], %swap3A_1114 {strides = array<i32>} : memref<64xi32, #tpu.memory_space<vmem>>, vector<16xi32>,
      %get3A_1115 = arith.constant 768 : index
      %get3A_1116 = tpu.vector_load %arg12[%get3A_1115] {strides = array<i32>} : memref<1024xi32, #tpu.memory_space<vmem>>, vector<16xi32>,
      %get3A_1117 = vector.shape_cast %get3A_1116 : vector<16xi32> to vector<16xi32>
      %swap3A_1118 = arith.constant 0 : index
      %swap3A_1119 = tpu.vector_load %arg17[%swap3A_1118] {strides = array<i32>} : memref<64xi32, #tpu.memory_space<vmem>>, vector<16xi32>,
      %swap3A_1120 = vector.shape_cast %swap3A_1119 : vector<16xi32> to vector<16xi32>
      %swap3A_1121 = vector.shape_cast %get3A_1117 : vector<16xi32> to vector<16xi32>
      tpu.vector_store %arg17[%swap3A_1118], %swap3A_1121 {strides = array<i32>} : memref<64xi32, #tpu.memory_space<vmem>>, vector<16xi32>,
      %get3A_1122 = arith.constant 784 : index
      %get3A_1123 = tpu.vector_load %arg11[%get3A_1122] {strides = array<i32>} : memref<1024xi32, #tpu.memory_space<vmem>>, vector<16xi32>,
      %get3A_1124 = vector.shape_cast %get3A_1123 : vector<16xi32> to vector<16xi32>
      %mul3A_1125 = arith.constant 10000 : i32
      %mul3A_1126 = vector.broadcast %mul3A_1125 : i32 to vector<16xi32>
      %mul3A_1127 = arith.muli %get3A_1124, %mul3A_1126 : vector<16xi32>
      %get3A_1128 = arith.constant 784 : index
      %get3A_1129 = tpu.vector_load %arg10[%get3A_1128] {strides = array<i32>} : memref<1024xi32, #tpu.memory_space<vmem>>, vector<16xi32>,
      %get3A_1130 = vector.shape_cast %get3A_1129 : vector<16xi32> to vector<16xi32>
      %add3A_1131 = arith.addi %mul3A_1127, %get3A_1130 : vector<16xi32>
      %swap3A_1132 = arith.constant 16 : index
      %swap3A_1133 = tpu.vector_load %arg13[%swap3A_1132] {strides = array<i32>} : memref<64xi32, #tpu.memory_space<vmem>>, vector<16xi32>,
      %swap3A_1134 = vector.shape_cast %swap3A_1133 : vector<16xi32> to vector<16xi32>
      %swap3A_1135 = vector.shape_cast %add3A_1131 : vector<16xi32> to vector<16xi32>
      tpu.vector_store %arg13[%swap3A_1132], %swap3A_1135 {strides = array<i32>} : memref<64xi32, #tpu.memory_space<vmem>>, vector<16xi32>,
      %get3A_1136 = arith.constant 784 : index
      %get3A_1137 = tpu.vector_load %arg12[%get3A_1136] {strides = array<i32>} : memref<1024xi32, #tpu.memory_space<vmem>>, vector<16xi32>,
      %get3A_1138 = vector.shape_cast %get3A_1137 : vector<16xi32> to vector<16xi32>
      %swap3A_1139 = arith.constant 16 : index
      %swap3A_1140 = tpu.vector_load %arg17[%swap3A_1139] {strides = array<i32>} : memref<64xi32, #tpu.memory_space<vmem>>, vector<16xi32>,
      %swap3A_1141 = vector.shape_cast %swap3A_1140 : vector<16xi32> to vector<16xi32>
      %swap3A_1142 = vector.shape_cast %get3A_1138 : vector<16xi32> to vector<16xi32>
      tpu.vector_store %arg17[%swap3A_1139], %swap3A_1142 {strides = array<i32>} : memref<64xi32, #tpu.memory_space<vmem>>, vector<16xi32>,
      %get3A_1143 = arith.constant 800 : index
      %get3A_1144 = tpu.vector_load %arg11[%get3A_1143] {strides = array<i32>} : memref<1024xi32, #tpu.memory_space<vmem>>, vector<16xi32>,
      %get3A_1145 = vector.shape_cast %get3A_1144 : vector<16xi32> to vector<16xi32>
      %mul3A_1146 = arith.constant 10000 : i32
      %mul3A_1147 = vector.broadcast %mul3A_1146 : i32 to vector<16xi32>
      %mul3A_1148 = arith.muli %get3A_1145, %mul3A_1147 : vector<16xi32>
      %get3A_1149 = arith.constant 800 : index
      %get3A_1150 = tpu.vector_load %arg10[%get3A_1149] {strides = array<i32>} : memref<1024xi32, #tpu.memory_space<vmem>>, vector<16xi32>,
      %get3A_1151 = vector.shape_cast %get3A_1150 : vector<16xi32> to vector<16xi32>
      %add3A_1152 = arith.addi %mul3A_1148, %get3A_1151 : vector<16xi32>
      %swap3A_1153 = arith.constant 32 : index
      %swap3A_1154 = tpu.vector_load %arg13[%swap3A_1153] {strides = array<i32>} : memref<64xi32, #tpu.memory_space<vmem>>, vector<16xi32>,
      %swap3A_1155 = vector.shape_cast %swap3A_1154 : vector<16xi32> to vector<16xi32>
      %swap3A_1156 = vector.shape_cast %add3A_1152 : vector<16xi32> to vector<16xi32>
      tpu.vector_store %arg13[%swap3A_1153], %swap3A_1156 {strides = array<i32>} : memref<64xi32, #tpu.memory_space<vmem>>, vector<16xi32>,
      %get3A_1157 = arith.constant 800 : index
      %get3A_1158 = tpu.vector_load %arg12[%get3A_1157] {strides = array<i32>} : memref<1024xi32, #tpu.memory_space<vmem>>, vector<16xi32>,
      %get3A_1159 = vector.shape_cast %get3A_1158 : vector<16xi32> to vector<16xi32>
      %swap3A_1160 = arith.constant 32 : index
      %swap3A_1161 = tpu.vector_load %arg17[%swap3A_1160] {strides = array<i32>} : memref<64xi32, #tpu.memory_space<vmem>>, vector<16xi32>,
      %swap3A_1162 = vector.shape_cast %swap3A_1161 : vector<16xi32> to vector<16xi32>
      %swap3A_1163 = vector.shape_cast %get3A_1159 : vector<16xi32> to vector<16xi32>
      tpu.vector_store %arg17[%swap3A_1160], %swap3A_1163 {strides = array<i32>} : memref<64xi32, #tpu.memory_space<vmem>>, vector<16xi32>,
      %get3A_1164 = arith.constant 816 : index
      %get3A_1165 = tpu.vector_load %arg11[%get3A_1164] {strides = array<i32>} : memref<1024xi32, #tpu.memory_space<vmem>>, vector<16xi32>,
      %get3A_1166 = vector.shape_cast %get3A_1165 : vector<16xi32> to vector<16xi32>
      %mul3A_1167 = arith.constant 10000 : i32
      %mul3A_1168 = vector.broadcast %mul3A_1167 : i32 to vector<16xi32>
      %mul3A_1169 = arith.muli %get3A_1166, %mul3A_1168 : vector<16xi32>
      %get3A_1170 = arith.constant 816 : index
      %get3A_1171 = tpu.vector_load %arg10[%get3A_1170] {strides = array<i32>} : memref<1024xi32, #tpu.memory_space<vmem>>, vector<16xi32>,
      %get3A_1172 = vector.shape_cast %get3A_1171 : vector<16xi32> to vector<16xi32>
      %add3A_1173 = arith.addi %mul3A_1169, %get3A_1172 : vector<16xi32>
      %swap3A_1174 = arith.constant 48 : index
      %swap3A_1175 = tpu.vector_load %arg13[%swap3A_1174] {strides = array<i32>} : memref<64xi32, #tpu.memory_space<vmem>>, vector<16xi32>,
      %swap3A_1176 = vector.shape_cast %swap3A_1175 : vector<16xi32> to vector<16xi32>
      %swap3A_1177 = vector.shape_cast %add3A_1173 : vector<16xi32> to vector<16xi32>
      tpu.vector_store %arg13[%swap3A_1174], %swap3A_1177 {strides = array<i32>} : memref<64xi32, #tpu.memory_space<vmem>>, vector<16xi32>,
      %get3A_1178 = arith.constant 816 : index
      %get3A_1179 = tpu.vector_load %arg12[%get3A_1178] {strides = array<i32>} : memref<1024xi32, #tpu.memory_space<vmem>>, vector<16xi32>,
      %get3A_1180 = vector.shape_cast %get3A_1179 : vector<16xi32> to vector<16xi32>
      %swap3A_1181 = arith.constant 48 : index
      %swap3A_1182 = tpu.vector_load %arg17[%swap3A_1181] {strides = array<i32>} : memref<64xi32, #tpu.memory_space<vmem>>, vector<16xi32>,
      %swap3A_1183 = vector.shape_cast %swap3A_1182 : vector<16xi32> to vector<16xi32>
      %swap3A_1184 = vector.shape_cast %get3A_1180 : vector<16xi32> to vector<16xi32>
      tpu.vector_store %arg17[%swap3A_1181], %swap3A_1184 {strides = array<i32>} : memref<64xi32, #tpu.memory_space<vmem>>, vector<16xi32>,
      %dma_start3A_1185 = arith.constant 0 : i32
      %dma_start3A_1186 = arith.constant 0 : i32
      %dma_start3A_1187 = tpu.memref_slice %arg2[%dma_start3A_1185, %dma_start3A_1186] : memref<50000x128xf32, #tpu.memory_space<hbm>> -> memref<50000x128xf32, #tpu.memory_space<hbm>>
      tpu.enqueue_indirect_dma source(%dma_start3A_1187 : memref<50000x128xf32, #tpu.memory_space<hbm>>) target(%arg21 : memref<64x128xf32, #tpu.memory_space<vmem>>) offsets(%arg13 : memref<64xi32, #tpu.memory_space<vmem>>) semaphore(%arg28 : memref<!tpu.dma_semaphore, #tpu.memory_space<semaphore_mem>>)
      %dma_wait3A_1188 = arith.constant 0 : i32
      %dma_wait3A_1189 = arith.constant 0 : i32
      %dma_wait3A_1190 = tpu.memref_slice %arg2[%dma_wait3A_1188, %dma_wait3A_1189] : memref<50000x128xf32, #tpu.memory_space<hbm>> -> memref<50000x128xf32, #tpu.memory_space<hbm>>
      tpu.wait_indirect_dma semaphore(%arg29 : memref<!tpu.dma_semaphore, #tpu.memory_space<semaphore_mem>>) src(%dma_wait3A_1190 : memref<50000x128xf32, #tpu.memory_space<hbm>>) dst(%arg22 : memref<64x128xf32, #tpu.memory_space<vmem>>)
      "tpu.region"() ({
        %run_scoped3A = tpu.sem_alloc : memref<!tpu.dma_semaphore, #tpu.memory_space<semaphore_mem>>
        %dma_start3A_1470 = arith.constant 0 : i32
        %dma_start3A_1471 = arith.constant 0 : i32
        %dma_start3A_1472 = tpu.memref_slice %arg26[%dma_start3A_1470, %dma_start3A_1471] : memref<10240x128xf32, #tpu.memory_space<vmem_shared>> -> memref<10240x128xf32, #tpu.memory_space<vmem_shared>>
        tpu.enqueue_indirect_dma source(%arg22 : memref<64x128xf32, #tpu.memory_space<vmem>>) target(%dma_start3A_1472 : memref<10240x128xf32, #tpu.memory_space<vmem_shared>>) offsets(%arg18 : memref<64xi32, #tpu.memory_space<vmem>>) semaphore(%run_scoped3A : memref<!tpu.dma_semaphore, #tpu.memory_space<semaphore_mem>>) {add = true}
        %dma_wait3A_1473 = arith.constant 0 : i32
        %dma_wait3A_1474 = arith.constant 0 : i32
        %dma_wait3A_1475 = tpu.memref_slice %arg26[%dma_wait3A_1473, %dma_wait3A_1474] : memref<10240x128xf32, #tpu.memory_space<vmem_shared>> -> memref<10240x128xf32, #tpu.memory_space<vmem_shared>>
        tpu.wait_indirect_dma semaphore(%run_scoped3A : memref<!tpu.dma_semaphore, #tpu.memory_space<semaphore_mem>>) src(%arg22 : memref<64x128xf32, #tpu.memory_space<vmem>>) dst(%dma_wait3A_1475 : memref<10240x128xf32, #tpu.memory_space<vmem_shared>>)
        tpu.yield
      }) : () -> ()
      "tpu.region"() ({
        %run_scoped3A = tpu.sem_alloc : memref<!tpu.dma_semaphore, #tpu.memory_space<semaphore_mem>>
        %dma_start3A_1470 = arith.constant 0 : i32
        %dma_start3A_1471 = tpu.memref_slice %arg27[%dma_start3A_1470] : memref<10240xf32, #tpu.memory_space<vmem_shared>> -> memref<10240xf32, #tpu.memory_space<vmem_shared>>
        tpu.enqueue_indirect_dma source(%arg25 : memref<64xf32, #tpu.memory_space<vmem>>) target(%dma_start3A_1471 : memref<10240xf32, #tpu.memory_space<vmem_shared>>) offsets(%arg18 : memref<64xi32, #tpu.memory_space<vmem>>) semaphore(%run_scoped3A : memref<!tpu.dma_semaphore, #tpu.memory_space<semaphore_mem>>) {add = true}
        %dma_wait3A_1472 = arith.constant 0 : i32
        %dma_wait3A_1473 = tpu.memref_slice %arg27[%dma_wait3A_1472] : memref<10240xf32, #tpu.memory_space<vmem_shared>> -> memref<10240xf32, #tpu.memory_space<vmem_shared>>
        tpu.wait_indirect_dma semaphore(%run_scoped3A : memref<!tpu.dma_semaphore, #tpu.memory_space<semaphore_mem>>) src(%arg25 : memref<64xf32, #tpu.memory_space<vmem>>) dst(%dma_wait3A_1473 : memref<10240xf32, #tpu.memory_space<vmem_shared>>)
        tpu.yield
      }) : () -> ()
      %get3A_1191 = arith.constant 832 : index
      %get3A_1192 = tpu.vector_load %arg11[%get3A_1191] {strides = array<i32>} : memref<1024xi32, #tpu.memory_space<vmem>>, vector<16xi32>,
      %get3A_1193 = vector.shape_cast %get3A_1192 : vector<16xi32> to vector<16xi32>
      %mul3A_1194 = arith.constant 10000 : i32
      %mul3A_1195 = vector.broadcast %mul3A_1194 : i32 to vector<16xi32>
      %mul3A_1196 = arith.muli %get3A_1193, %mul3A_1195 : vector<16xi32>
      %get3A_1197 = arith.constant 832 : index
      %get3A_1198 = tpu.vector_load %arg10[%get3A_1197] {strides = array<i32>} : memref<1024xi32, #tpu.memory_space<vmem>>, vector<16xi32>,
      %get3A_1199 = vector.shape_cast %get3A_1198 : vector<16xi32> to vector<16xi32>
      %add3A_1200 = arith.addi %mul3A_1196, %get3A_1199 : vector<16xi32>
      %swap3A_1201 = arith.constant 0 : index
      %swap3A_1202 = tpu.vector_load %arg14[%swap3A_1201] {strides = array<i32>} : memref<64xi32, #tpu.memory_space<vmem>>, vector<16xi32>,
      %swap3A_1203 = vector.shape_cast %swap3A_1202 : vector<16xi32> to vector<16xi32>
      %swap3A_1204 = vector.shape_cast %add3A_1200 : vector<16xi32> to vector<16xi32>
      tpu.vector_store %arg14[%swap3A_1201], %swap3A_1204 {strides = array<i32>} : memref<64xi32, #tpu.memory_space<vmem>>, vector<16xi32>,
      %get3A_1205 = arith.constant 832 : index
      %get3A_1206 = tpu.vector_load %arg12[%get3A_1205] {strides = array<i32>} : memref<1024xi32, #tpu.memory_space<vmem>>, vector<16xi32>,
      %get3A_1207 = vector.shape_cast %get3A_1206 : vector<16xi32> to vector<16xi32>
      %swap3A_1208 = arith.constant 0 : index
      %swap3A_1209 = tpu.vector_load %arg18[%swap3A_1208] {strides = array<i32>} : memref<64xi32, #tpu.memory_space<vmem>>, vector<16xi32>,
      %swap3A_1210 = vector.shape_cast %swap3A_1209 : vector<16xi32> to vector<16xi32>
      %swap3A_1211 = vector.shape_cast %get3A_1207 : vector<16xi32> to vector<16xi32>
      tpu.vector_store %arg18[%swap3A_1208], %swap3A_1211 {strides = array<i32>} : memref<64xi32, #tpu.memory_space<vmem>>, vector<16xi32>,
      %get3A_1212 = arith.constant 848 : index
      %get3A_1213 = tpu.vector_load %arg11[%get3A_1212] {strides = array<i32>} : memref<1024xi32, #tpu.memory_space<vmem>>, vector<16xi32>,
      %get3A_1214 = vector.shape_cast %get3A_1213 : vector<16xi32> to vector<16xi32>
      %mul3A_1215 = arith.constant 10000 : i32
      %mul3A_1216 = vector.broadcast %mul3A_1215 : i32 to vector<16xi32>
      %mul3A_1217 = arith.muli %get3A_1214, %mul3A_1216 : vector<16xi32>
      %get3A_1218 = arith.constant 848 : index
      %get3A_1219 = tpu.vector_load %arg10[%get3A_1218] {strides = array<i32>} : memref<1024xi32, #tpu.memory_space<vmem>>, vector<16xi32>,
      %get3A_1220 = vector.shape_cast %get3A_1219 : vector<16xi32> to vector<16xi32>
      %add3A_1221 = arith.addi %mul3A_1217, %get3A_1220 : vector<16xi32>
      %swap3A_1222 = arith.constant 16 : index
      %swap3A_1223 = tpu.vector_load %arg14[%swap3A_1222] {strides = array<i32>} : memref<64xi32, #tpu.memory_space<vmem>>, vector<16xi32>,
      %swap3A_1224 = vector.shape_cast %swap3A_1223 : vector<16xi32> to vector<16xi32>
      %swap3A_1225 = vector.shape_cast %add3A_1221 : vector<16xi32> to vector<16xi32>
      tpu.vector_store %arg14[%swap3A_1222], %swap3A_1225 {strides = array<i32>} : memref<64xi32, #tpu.memory_space<vmem>>, vector<16xi32>,
      %get3A_1226 = arith.constant 848 : index
      %get3A_1227 = tpu.vector_load %arg12[%get3A_1226] {strides = array<i32>} : memref<1024xi32, #tpu.memory_space<vmem>>, vector<16xi32>,
      %get3A_1228 = vector.shape_cast %get3A_1227 : vector<16xi32> to vector<16xi32>
      %swap3A_1229 = arith.constant 16 : index
      %swap3A_1230 = tpu.vector_load %arg18[%swap3A_1229] {strides = array<i32>} : memref<64xi32, #tpu.memory_space<vmem>>, vector<16xi32>,
      %swap3A_1231 = vector.shape_cast %swap3A_1230 : vector<16xi32> to vector<16xi32>
      %swap3A_1232 = vector.shape_cast %get3A_1228 : vector<16xi32> to vector<16xi32>
      tpu.vector_store %arg18[%swap3A_1229], %swap3A_1232 {strides = array<i32>} : memref<64xi32, #tpu.memory_space<vmem>>, vector<16xi32>,
      %get3A_1233 = arith.constant 864 : index
      %get3A_1234 = tpu.vector_load %arg11[%get3A_1233] {strides = array<i32>} : memref<1024xi32, #tpu.memory_space<vmem>>, vector<16xi32>,
      %get3A_1235 = vector.shape_cast %get3A_1234 : vector<16xi32> to vector<16xi32>
      %mul3A_1236 = arith.constant 10000 : i32
      %mul3A_1237 = vector.broadcast %mul3A_1236 : i32 to vector<16xi32>
      %mul3A_1238 = arith.muli %get3A_1235, %mul3A_1237 : vector<16xi32>
      %get3A_1239 = arith.constant 864 : index
      %get3A_1240 = tpu.vector_load %arg10[%get3A_1239] {strides = array<i32>} : memref<1024xi32, #tpu.memory_space<vmem>>, vector<16xi32>,
      %get3A_1241 = vector.shape_cast %get3A_1240 : vector<16xi32> to vector<16xi32>
      %add3A_1242 = arith.addi %mul3A_1238, %get3A_1241 : vector<16xi32>
      %swap3A_1243 = arith.constant 32 : index
      %swap3A_1244 = tpu.vector_load %arg14[%swap3A_1243] {strides = array<i32>} : memref<64xi32, #tpu.memory_space<vmem>>, vector<16xi32>,
      %swap3A_1245 = vector.shape_cast %swap3A_1244 : vector<16xi32> to vector<16xi32>
      %swap3A_1246 = vector.shape_cast %add3A_1242 : vector<16xi32> to vector<16xi32>
      tpu.vector_store %arg14[%swap3A_1243], %swap3A_1246 {strides = array<i32>} : memref<64xi32, #tpu.memory_space<vmem>>, vector<16xi32>,
      %get3A_1247 = arith.constant 864 : index
      %get3A_1248 = tpu.vector_load %arg12[%get3A_1247] {strides = array<i32>} : memref<1024xi32, #tpu.memory_space<vmem>>, vector<16xi32>,
      %get3A_1249 = vector.shape_cast %get3A_1248 : vector<16xi32> to vector<16xi32>
      %swap3A_1250 = arith.constant 32 : index
      %swap3A_1251 = tpu.vector_load %arg18[%swap3A_1250] {strides = array<i32>} : memref<64xi32, #tpu.memory_space<vmem>>, vector<16xi32>,
      %swap3A_1252 = vector.shape_cast %swap3A_1251 : vector<16xi32> to vector<16xi32>
      %swap3A_1253 = vector.shape_cast %get3A_1249 : vector<16xi32> to vector<16xi32>
      tpu.vector_store %arg18[%swap3A_1250], %swap3A_1253 {strides = array<i32>} : memref<64xi32, #tpu.memory_space<vmem>>, vector<16xi32>,
      %get3A_1254 = arith.constant 880 : index
      %get3A_1255 = tpu.vector_load %arg11[%get3A_1254] {strides = array<i32>} : memref<1024xi32, #tpu.memory_space<vmem>>, vector<16xi32>,
      %get3A_1256 = vector.shape_cast %get3A_1255 : vector<16xi32> to vector<16xi32>
      %mul3A_1257 = arith.constant 10000 : i32
      %mul3A_1258 = vector.broadcast %mul3A_1257 : i32 to vector<16xi32>
      %mul3A_1259 = arith.muli %get3A_1256, %mul3A_1258 : vector<16xi32>
      %get3A_1260 = arith.constant 880 : index
      %get3A_1261 = tpu.vector_load %arg10[%get3A_1260] {strides = array<i32>} : memref<1024xi32, #tpu.memory_space<vmem>>, vector<16xi32>,
      %get3A_1262 = vector.shape_cast %get3A_1261 : vector<16xi32> to vector<16xi32>
      %add3A_1263 = arith.addi %mul3A_1259, %get3A_1262 : vector<16xi32>
      %swap3A_1264 = arith.constant 48 : index
      %swap3A_1265 = tpu.vector_load %arg14[%swap3A_1264] {strides = array<i32>} : memref<64xi32, #tpu.memory_space<vmem>>, vector<16xi32>,
      %swap3A_1266 = vector.shape_cast %swap3A_1265 : vector<16xi32> to vector<16xi32>
      %swap3A_1267 = vector.shape_cast %add3A_1263 : vector<16xi32> to vector<16xi32>
      tpu.vector_store %arg14[%swap3A_1264], %swap3A_1267 {strides = array<i32>} : memref<64xi32, #tpu.memory_space<vmem>>, vector<16xi32>,
      %get3A_1268 = arith.constant 880 : index
      %get3A_1269 = tpu.vector_load %arg12[%get3A_1268] {strides = array<i32>} : memref<1024xi32, #tpu.memory_space<vmem>>, vector<16xi32>,
      %get3A_1270 = vector.shape_cast %get3A_1269 : vector<16xi32> to vector<16xi32>
      %swap3A_1271 = arith.constant 48 : index
      %swap3A_1272 = tpu.vector_load %arg18[%swap3A_1271] {strides = array<i32>} : memref<64xi32, #tpu.memory_space<vmem>>, vector<16xi32>,
      %swap3A_1273 = vector.shape_cast %swap3A_1272 : vector<16xi32> to vector<16xi32>
      %swap3A_1274 = vector.shape_cast %get3A_1270 : vector<16xi32> to vector<16xi32>
      tpu.vector_store %arg18[%swap3A_1271], %swap3A_1274 {strides = array<i32>} : memref<64xi32, #tpu.memory_space<vmem>>, vector<16xi32>,
      %dma_start3A_1275 = arith.constant 0 : i32
      %dma_start3A_1276 = arith.constant 0 : i32
      %dma_start3A_1277 = tpu.memref_slice %arg2[%dma_start3A_1275, %dma_start3A_1276] : memref<50000x128xf32, #tpu.memory_space<hbm>> -> memref<50000x128xf32, #tpu.memory_space<hbm>>
      tpu.enqueue_indirect_dma source(%dma_start3A_1277 : memref<50000x128xf32, #tpu.memory_space<hbm>>) target(%arg22 : memref<64x128xf32, #tpu.memory_space<vmem>>) offsets(%arg14 : memref<64xi32, #tpu.memory_space<vmem>>) semaphore(%arg29 : memref<!tpu.dma_semaphore, #tpu.memory_space<semaphore_mem>>)
      %dma_wait3A_1278 = arith.constant 0 : i32
      %dma_wait3A_1279 = arith.constant 0 : i32
      %dma_wait3A_1280 = tpu.memref_slice %arg2[%dma_wait3A_1278, %dma_wait3A_1279] : memref<50000x128xf32, #tpu.memory_space<hbm>> -> memref<50000x128xf32, #tpu.memory_space<hbm>>
      tpu.wait_indirect_dma semaphore(%arg30 : memref<!tpu.dma_semaphore, #tpu.memory_space<semaphore_mem>>) src(%dma_wait3A_1280 : memref<50000x128xf32, #tpu.memory_space<hbm>>) dst(%arg23 : memref<64x128xf32, #tpu.memory_space<vmem>>)
      "tpu.region"() ({
        %run_scoped3A = tpu.sem_alloc : memref<!tpu.dma_semaphore, #tpu.memory_space<semaphore_mem>>
        %dma_start3A_1470 = arith.constant 0 : i32
        %dma_start3A_1471 = arith.constant 0 : i32
        %dma_start3A_1472 = tpu.memref_slice %arg26[%dma_start3A_1470, %dma_start3A_1471] : memref<10240x128xf32, #tpu.memory_space<vmem_shared>> -> memref<10240x128xf32, #tpu.memory_space<vmem_shared>>
        tpu.enqueue_indirect_dma source(%arg23 : memref<64x128xf32, #tpu.memory_space<vmem>>) target(%dma_start3A_1472 : memref<10240x128xf32, #tpu.memory_space<vmem_shared>>) offsets(%arg19 : memref<64xi32, #tpu.memory_space<vmem>>) semaphore(%run_scoped3A : memref<!tpu.dma_semaphore, #tpu.memory_space<semaphore_mem>>) {add = true}
        %dma_wait3A_1473 = arith.constant 0 : i32
        %dma_wait3A_1474 = arith.constant 0 : i32
        %dma_wait3A_1475 = tpu.memref_slice %arg26[%dma_wait3A_1473, %dma_wait3A_1474] : memref<10240x128xf32, #tpu.memory_space<vmem_shared>> -> memref<10240x128xf32, #tpu.memory_space<vmem_shared>>
        tpu.wait_indirect_dma semaphore(%run_scoped3A : memref<!tpu.dma_semaphore, #tpu.memory_space<semaphore_mem>>) src(%arg23 : memref<64x128xf32, #tpu.memory_space<vmem>>) dst(%dma_wait3A_1475 : memref<10240x128xf32, #tpu.memory_space<vmem_shared>>)
        tpu.yield
      }) : () -> ()
      "tpu.region"() ({
        %run_scoped3A = tpu.sem_alloc : memref<!tpu.dma_semaphore, #tpu.memory_space<semaphore_mem>>
        %dma_start3A_1470 = arith.constant 0 : i32
        %dma_start3A_1471 = tpu.memref_slice %arg27[%dma_start3A_1470] : memref<10240xf32, #tpu.memory_space<vmem_shared>> -> memref<10240xf32, #tpu.memory_space<vmem_shared>>
        tpu.enqueue_indirect_dma source(%arg25 : memref<64xf32, #tpu.memory_space<vmem>>) target(%dma_start3A_1471 : memref<10240xf32, #tpu.memory_space<vmem_shared>>) offsets(%arg19 : memref<64xi32, #tpu.memory_space<vmem>>) semaphore(%run_scoped3A : memref<!tpu.dma_semaphore, #tpu.memory_space<semaphore_mem>>) {add = true}
        %dma_wait3A_1472 = arith.constant 0 : i32
        %dma_wait3A_1473 = tpu.memref_slice %arg27[%dma_wait3A_1472] : memref<10240xf32, #tpu.memory_space<vmem_shared>> -> memref<10240xf32, #tpu.memory_space<vmem_shared>>
        tpu.wait_indirect_dma semaphore(%run_scoped3A : memref<!tpu.dma_semaphore, #tpu.memory_space<semaphore_mem>>) src(%arg25 : memref<64xf32, #tpu.memory_space<vmem>>) dst(%dma_wait3A_1473 : memref<10240xf32, #tpu.memory_space<vmem_shared>>)
        tpu.yield
      }) : () -> ()
      %get3A_1281 = arith.constant 896 : index
      %get3A_1282 = tpu.vector_load %arg11[%get3A_1281] {strides = array<i32>} : memref<1024xi32, #tpu.memory_space<vmem>>, vector<16xi32>,
      %get3A_1283 = vector.shape_cast %get3A_1282 : vector<16xi32> to vector<16xi32>
      %mul3A_1284 = arith.constant 10000 : i32
      %mul3A_1285 = vector.broadcast %mul3A_1284 : i32 to vector<16xi32>
      %mul3A_1286 = arith.muli %get3A_1283, %mul3A_1285 : vector<16xi32>
      %get3A_1287 = arith.constant 896 : index
      %get3A_1288 = tpu.vector_load %arg10[%get3A_1287] {strides = array<i32>} : memref<1024xi32, #tpu.memory_space<vmem>>, vector<16xi32>,
      %get3A_1289 = vector.shape_cast %get3A_1288 : vector<16xi32> to vector<16xi32>
      %add3A_1290 = arith.addi %mul3A_1286, %get3A_1289 : vector<16xi32>
      %swap3A_1291 = arith.constant 0 : index
      %swap3A_1292 = tpu.vector_load %arg15[%swap3A_1291] {strides = array<i32>} : memref<64xi32, #tpu.memory_space<vmem>>, vector<16xi32>,
      %swap3A_1293 = vector.shape_cast %swap3A_1292 : vector<16xi32> to vector<16xi32>
      %swap3A_1294 = vector.shape_cast %add3A_1290 : vector<16xi32> to vector<16xi32>
      tpu.vector_store %arg15[%swap3A_1291], %swap3A_1294 {strides = array<i32>} : memref<64xi32, #tpu.memory_space<vmem>>, vector<16xi32>,
      %get3A_1295 = arith.constant 896 : index
      %get3A_1296 = tpu.vector_load %arg12[%get3A_1295] {strides = array<i32>} : memref<1024xi32, #tpu.memory_space<vmem>>, vector<16xi32>,
      %get3A_1297 = vector.shape_cast %get3A_1296 : vector<16xi32> to vector<16xi32>
      %swap3A_1298 = arith.constant 0 : index
      %swap3A_1299 = tpu.vector_load %arg19[%swap3A_1298] {strides = array<i32>} : memref<64xi32, #tpu.memory_space<vmem>>, vector<16xi32>,
      %swap3A_1300 = vector.shape_cast %swap3A_1299 : vector<16xi32> to vector<16xi32>
      %swap3A_1301 = vector.shape_cast %get3A_1297 : vector<16xi32> to vector<16xi32>
      tpu.vector_store %arg19[%swap3A_1298], %swap3A_1301 {strides = array<i32>} : memref<64xi32, #tpu.memory_space<vmem>>, vector<16xi32>,
      %get3A_1302 = arith.constant 912 : index
      %get3A_1303 = tpu.vector_load %arg11[%get3A_1302] {strides = array<i32>} : memref<1024xi32, #tpu.memory_space<vmem>>, vector<16xi32>,
      %get3A_1304 = vector.shape_cast %get3A_1303 : vector<16xi32> to vector<16xi32>
      %mul3A_1305 = arith.constant 10000 : i32
      %mul3A_1306 = vector.broadcast %mul3A_1305 : i32 to vector<16xi32>
      %mul3A_1307 = arith.muli %get3A_1304, %mul3A_1306 : vector<16xi32>
      %get3A_1308 = arith.constant 912 : index
      %get3A_1309 = tpu.vector_load %arg10[%get3A_1308] {strides = array<i32>} : memref<1024xi32, #tpu.memory_space<vmem>>, vector<16xi32>,
      %get3A_1310 = vector.shape_cast %get3A_1309 : vector<16xi32> to vector<16xi32>
      %add3A_1311 = arith.addi %mul3A_1307, %get3A_1310 : vector<16xi32>
      %swap3A_1312 = arith.constant 16 : index
      %swap3A_1313 = tpu.vector_load %arg15[%swap3A_1312] {strides = array<i32>} : memref<64xi32, #tpu.memory_space<vmem>>, vector<16xi32>,
      %swap3A_1314 = vector.shape_cast %swap3A_1313 : vector<16xi32> to vector<16xi32>
      %swap3A_1315 = vector.shape_cast %add3A_1311 : vector<16xi32> to vector<16xi32>
      tpu.vector_store %arg15[%swap3A_1312], %swap3A_1315 {strides = array<i32>} : memref<64xi32, #tpu.memory_space<vmem>>, vector<16xi32>,
      %get3A_1316 = arith.constant 912 : index
      %get3A_1317 = tpu.vector_load %arg12[%get3A_1316] {strides = array<i32>} : memref<1024xi32, #tpu.memory_space<vmem>>, vector<16xi32>,
      %get3A_1318 = vector.shape_cast %get3A_1317 : vector<16xi32> to vector<16xi32>
      %swap3A_1319 = arith.constant 16 : index
      %swap3A_1320 = tpu.vector_load %arg19[%swap3A_1319] {strides = array<i32>} : memref<64xi32, #tpu.memory_space<vmem>>, vector<16xi32>,
      %swap3A_1321 = vector.shape_cast %swap3A_1320 : vector<16xi32> to vector<16xi32>
      %swap3A_1322 = vector.shape_cast %get3A_1318 : vector<16xi32> to vector<16xi32>
      tpu.vector_store %arg19[%swap3A_1319], %swap3A_1322 {strides = array<i32>} : memref<64xi32, #tpu.memory_space<vmem>>, vector<16xi32>,
      %get3A_1323 = arith.constant 928 : index
      %get3A_1324 = tpu.vector_load %arg11[%get3A_1323] {strides = array<i32>} : memref<1024xi32, #tpu.memory_space<vmem>>, vector<16xi32>,
      %get3A_1325 = vector.shape_cast %get3A_1324 : vector<16xi32> to vector<16xi32>
      %mul3A_1326 = arith.constant 10000 : i32
      %mul3A_1327 = vector.broadcast %mul3A_1326 : i32 to vector<16xi32>
      %mul3A_1328 = arith.muli %get3A_1325, %mul3A_1327 : vector<16xi32>
      %get3A_1329 = arith.constant 928 : index
      %get3A_1330 = tpu.vector_load %arg10[%get3A_1329] {strides = array<i32>} : memref<1024xi32, #tpu.memory_space<vmem>>, vector<16xi32>,
      %get3A_1331 = vector.shape_cast %get3A_1330 : vector<16xi32> to vector<16xi32>
      %add3A_1332 = arith.addi %mul3A_1328, %get3A_1331 : vector<16xi32>
      %swap3A_1333 = arith.constant 32 : index
      %swap3A_1334 = tpu.vector_load %arg15[%swap3A_1333] {strides = array<i32>} : memref<64xi32, #tpu.memory_space<vmem>>, vector<16xi32>,
      %swap3A_1335 = vector.shape_cast %swap3A_1334 : vector<16xi32> to vector<16xi32>
      %swap3A_1336 = vector.shape_cast %add3A_1332 : vector<16xi32> to vector<16xi32>
      tpu.vector_store %arg15[%swap3A_1333], %swap3A_1336 {strides = array<i32>} : memref<64xi32, #tpu.memory_space<vmem>>, vector<16xi32>,
      %get3A_1337 = arith.constant 928 : index
      %get3A_1338 = tpu.vector_load %arg12[%get3A_1337] {strides = array<i32>} : memref<1024xi32, #tpu.memory_space<vmem>>, vector<16xi32>,
      %get3A_1339 = vector.shape_cast %get3A_1338 : vector<16xi32> to vector<16xi32>
      %swap3A_1340 = arith.constant 32 : index
      %swap3A_1341 = tpu.vector_load %arg19[%swap3A_1340] {strides = array<i32>} : memref<64xi32, #tpu.memory_space<vmem>>, vector<16xi32>,
      %swap3A_1342 = vector.shape_cast %swap3A_1341 : vector<16xi32> to vector<16xi32>
      %swap3A_1343 = vector.shape_cast %get3A_1339 : vector<16xi32> to vector<16xi32>
      tpu.vector_store %arg19[%swap3A_1340], %swap3A_1343 {strides = array<i32>} : memref<64xi32, #tpu.memory_space<vmem>>, vector<16xi32>,
      %get3A_1344 = arith.constant 944 : index
      %get3A_1345 = tpu.vector_load %arg11[%get3A_1344] {strides = array<i32>} : memref<1024xi32, #tpu.memory_space<vmem>>, vector<16xi32>,
      %get3A_1346 = vector.shape_cast %get3A_1345 : vector<16xi32> to vector<16xi32>
      %mul3A_1347 = arith.constant 10000 : i32
      %mul3A_1348 = vector.broadcast %mul3A_1347 : i32 to vector<16xi32>
      %mul3A_1349 = arith.muli %get3A_1346, %mul3A_1348 : vector<16xi32>
      %get3A_1350 = arith.constant 944 : index
      %get3A_1351 = tpu.vector_load %arg10[%get3A_1350] {strides = array<i32>} : memref<1024xi32, #tpu.memory_space<vmem>>, vector<16xi32>,
      %get3A_1352 = vector.shape_cast %get3A_1351 : vector<16xi32> to vector<16xi32>
      %add3A_1353 = arith.addi %mul3A_1349, %get3A_1352 : vector<16xi32>
      %swap3A_1354 = arith.constant 48 : index
      %swap3A_1355 = tpu.vector_load %arg15[%swap3A_1354] {strides = array<i32>} : memref<64xi32, #tpu.memory_space<vmem>>, vector<16xi32>,
      %swap3A_1356 = vector.shape_cast %swap3A_1355 : vector<16xi32> to vector<16xi32>
      %swap3A_1357 = vector.shape_cast %add3A_1353 : vector<16xi32> to vector<16xi32>
      tpu.vector_store %arg15[%swap3A_1354], %swap3A_1357 {strides = array<i32>} : memref<64xi32, #tpu.memory_space<vmem>>, vector<16xi32>,
      %get3A_1358 = arith.constant 944 : index
      %get3A_1359 = tpu.vector_load %arg12[%get3A_1358] {strides = array<i32>} : memref<1024xi32, #tpu.memory_space<vmem>>, vector<16xi32>,
      %get3A_1360 = vector.shape_cast %get3A_1359 : vector<16xi32> to vector<16xi32>
      %swap3A_1361 = arith.constant 48 : index
      %swap3A_1362 = tpu.vector_load %arg19[%swap3A_1361] {strides = array<i32>} : memref<64xi32, #tpu.memory_space<vmem>>, vector<16xi32>,
      %swap3A_1363 = vector.shape_cast %swap3A_1362 : vector<16xi32> to vector<16xi32>
      %swap3A_1364 = vector.shape_cast %get3A_1360 : vector<16xi32> to vector<16xi32>
      tpu.vector_store %arg19[%swap3A_1361], %swap3A_1364 {strides = array<i32>} : memref<64xi32, #tpu.memory_space<vmem>>, vector<16xi32>,
      %dma_start3A_1365 = arith.constant 0 : i32
      %dma_start3A_1366 = arith.constant 0 : i32
      %dma_start3A_1367 = tpu.memref_slice %arg2[%dma_start3A_1365, %dma_start3A_1366] : memref<50000x128xf32, #tpu.memory_space<hbm>> -> memref<50000x128xf32, #tpu.memory_space<hbm>>
      tpu.enqueue_indirect_dma source(%dma_start3A_1367 : memref<50000x128xf32, #tpu.memory_space<hbm>>) target(%arg23 : memref<64x128xf32, #tpu.memory_space<vmem>>) offsets(%arg15 : memref<64xi32, #tpu.memory_space<vmem>>) semaphore(%arg30 : memref<!tpu.dma_semaphore, #tpu.memory_space<semaphore_mem>>)
      %dma_wait3A_1368 = arith.constant 0 : i32
      %dma_wait3A_1369 = arith.constant 0 : i32
      %dma_wait3A_1370 = tpu.memref_slice %arg2[%dma_wait3A_1368, %dma_wait3A_1369] : memref<50000x128xf32, #tpu.memory_space<hbm>> -> memref<50000x128xf32, #tpu.memory_space<hbm>>
      tpu.wait_indirect_dma semaphore(%arg31 : memref<!tpu.dma_semaphore, #tpu.memory_space<semaphore_mem>>) src(%dma_wait3A_1370 : memref<50000x128xf32, #tpu.memory_space<hbm>>) dst(%arg24 : memref<64x128xf32, #tpu.memory_space<vmem>>)
      "tpu.region"() ({
        %run_scoped3A = tpu.sem_alloc : memref<!tpu.dma_semaphore, #tpu.memory_space<semaphore_mem>>
        %dma_start3A_1470 = arith.constant 0 : i32
        %dma_start3A_1471 = arith.constant 0 : i32
        %dma_start3A_1472 = tpu.memref_slice %arg26[%dma_start3A_1470, %dma_start3A_1471] : memref<10240x128xf32, #tpu.memory_space<vmem_shared>> -> memref<10240x128xf32, #tpu.memory_space<vmem_shared>>
        tpu.enqueue_indirect_dma source(%arg24 : memref<64x128xf32, #tpu.memory_space<vmem>>) target(%dma_start3A_1472 : memref<10240x128xf32, #tpu.memory_space<vmem_shared>>) offsets(%arg20 : memref<64xi32, #tpu.memory_space<vmem>>) semaphore(%run_scoped3A : memref<!tpu.dma_semaphore, #tpu.memory_space<semaphore_mem>>) {add = true}
        %dma_wait3A_1473 = arith.constant 0 : i32
        %dma_wait3A_1474 = arith.constant 0 : i32
        %dma_wait3A_1475 = tpu.memref_slice %arg26[%dma_wait3A_1473, %dma_wait3A_1474] : memref<10240x128xf32, #tpu.memory_space<vmem_shared>> -> memref<10240x128xf32, #tpu.memory_space<vmem_shared>>
        tpu.wait_indirect_dma semaphore(%run_scoped3A : memref<!tpu.dma_semaphore, #tpu.memory_space<semaphore_mem>>) src(%arg24 : memref<64x128xf32, #tpu.memory_space<vmem>>) dst(%dma_wait3A_1475 : memref<10240x128xf32, #tpu.memory_space<vmem_shared>>)
        tpu.yield
      }) : () -> ()
      "tpu.region"() ({
        %run_scoped3A = tpu.sem_alloc : memref<!tpu.dma_semaphore, #tpu.memory_space<semaphore_mem>>
        %dma_start3A_1470 = arith.constant 0 : i32
        %dma_start3A_1471 = tpu.memref_slice %arg27[%dma_start3A_1470] : memref<10240xf32, #tpu.memory_space<vmem_shared>> -> memref<10240xf32, #tpu.memory_space<vmem_shared>>
        tpu.enqueue_indirect_dma source(%arg25 : memref<64xf32, #tpu.memory_space<vmem>>) target(%dma_start3A_1471 : memref<10240xf32, #tpu.memory_space<vmem_shared>>) offsets(%arg20 : memref<64xi32, #tpu.memory_space<vmem>>) semaphore(%run_scoped3A : memref<!tpu.dma_semaphore, #tpu.memory_space<semaphore_mem>>) {add = true}
        %dma_wait3A_1472 = arith.constant 0 : i32
        %dma_wait3A_1473 = tpu.memref_slice %arg27[%dma_wait3A_1472] : memref<10240xf32, #tpu.memory_space<vmem_shared>> -> memref<10240xf32, #tpu.memory_space<vmem_shared>>
        tpu.wait_indirect_dma semaphore(%run_scoped3A : memref<!tpu.dma_semaphore, #tpu.memory_space<semaphore_mem>>) src(%arg25 : memref<64xf32, #tpu.memory_space<vmem>>) dst(%dma_wait3A_1473 : memref<10240xf32, #tpu.memory_space<vmem_shared>>)
        tpu.yield
      }) : () -> ()
      %get3A_1371 = arith.constant 960 : index
      %get3A_1372 = tpu.vector_load %arg11[%get3A_1371] {strides = array<i32>} : memref<1024xi32, #tpu.memory_space<vmem>>, vector<16xi32>,
      %get3A_1373 = vector.shape_cast %get3A_1372 : vector<16xi32> to vector<16xi32>
      %mul3A_1374 = arith.constant 10000 : i32
      %mul3A_1375 = vector.broadcast %mul3A_1374 : i32 to vector<16xi32>
      %mul3A_1376 = arith.muli %get3A_1373, %mul3A_1375 : vector<16xi32>
      %get3A_1377 = arith.constant 960 : index
      %get3A_1378 = tpu.vector_load %arg10[%get3A_1377] {strides = array<i32>} : memref<1024xi32, #tpu.memory_space<vmem>>, vector<16xi32>,
      %get3A_1379 = vector.shape_cast %get3A_1378 : vector<16xi32> to vector<16xi32>
      %add3A_1380 = arith.addi %mul3A_1376, %get3A_1379 : vector<16xi32>
      %swap3A_1381 = arith.constant 0 : index
      %swap3A_1382 = tpu.vector_load %arg16[%swap3A_1381] {strides = array<i32>} : memref<64xi32, #tpu.memory_space<vmem>>, vector<16xi32>,
      %swap3A_1383 = vector.shape_cast %swap3A_1382 : vector<16xi32> to vector<16xi32>
      %swap3A_1384 = vector.shape_cast %add3A_1380 : vector<16xi32> to vector<16xi32>
      tpu.vector_store %arg16[%swap3A_1381], %swap3A_1384 {strides = array<i32>} : memref<64xi32, #tpu.memory_space<vmem>>, vector<16xi32>,
      %get3A_1385 = arith.constant 960 : index
      %get3A_1386 = tpu.vector_load %arg12[%get3A_1385] {strides = array<i32>} : memref<1024xi32, #tpu.memory_space<vmem>>, vector<16xi32>,
      %get3A_1387 = vector.shape_cast %get3A_1386 : vector<16xi32> to vector<16xi32>
      %swap3A_1388 = arith.constant 0 : index
      %swap3A_1389 = tpu.vector_load %arg20[%swap3A_1388] {strides = array<i32>} : memref<64xi32, #tpu.memory_space<vmem>>, vector<16xi32>,
      %swap3A_1390 = vector.shape_cast %swap3A_1389 : vector<16xi32> to vector<16xi32>
      %swap3A_1391 = vector.shape_cast %get3A_1387 : vector<16xi32> to vector<16xi32>
      tpu.vector_store %arg20[%swap3A_1388], %swap3A_1391 {strides = array<i32>} : memref<64xi32, #tpu.memory_space<vmem>>, vector<16xi32>,
      %get3A_1392 = arith.constant 976 : index
      %get3A_1393 = tpu.vector_load %arg11[%get3A_1392] {strides = array<i32>} : memref<1024xi32, #tpu.memory_space<vmem>>, vector<16xi32>,
      %get3A_1394 = vector.shape_cast %get3A_1393 : vector<16xi32> to vector<16xi32>
      %mul3A_1395 = arith.constant 10000 : i32
      %mul3A_1396 = vector.broadcast %mul3A_1395 : i32 to vector<16xi32>
      %mul3A_1397 = arith.muli %get3A_1394, %mul3A_1396 : vector<16xi32>
      %get3A_1398 = arith.constant 976 : index
      %get3A_1399 = tpu.vector_load %arg10[%get3A_1398] {strides = array<i32>} : memref<1024xi32, #tpu.memory_space<vmem>>, vector<16xi32>,
      %get3A_1400 = vector.shape_cast %get3A_1399 : vector<16xi32> to vector<16xi32>
      %add3A_1401 = arith.addi %mul3A_1397, %get3A_1400 : vector<16xi32>
      %swap3A_1402 = arith.constant 16 : index
      %swap3A_1403 = tpu.vector_load %arg16[%swap3A_1402] {strides = array<i32>} : memref<64xi32, #tpu.memory_space<vmem>>, vector<16xi32>,
      %swap3A_1404 = vector.shape_cast %swap3A_1403 : vector<16xi32> to vector<16xi32>
      %swap3A_1405 = vector.shape_cast %add3A_1401 : vector<16xi32> to vector<16xi32>
      tpu.vector_store %arg16[%swap3A_1402], %swap3A_1405 {strides = array<i32>} : memref<64xi32, #tpu.memory_space<vmem>>, vector<16xi32>,
      %get3A_1406 = arith.constant 976 : index
      %get3A_1407 = tpu.vector_load %arg12[%get3A_1406] {strides = array<i32>} : memref<1024xi32, #tpu.memory_space<vmem>>, vector<16xi32>,
      %get3A_1408 = vector.shape_cast %get3A_1407 : vector<16xi32> to vector<16xi32>
      %swap3A_1409 = arith.constant 16 : index
      %swap3A_1410 = tpu.vector_load %arg20[%swap3A_1409] {strides = array<i32>} : memref<64xi32, #tpu.memory_space<vmem>>, vector<16xi32>,
      %swap3A_1411 = vector.shape_cast %swap3A_1410 : vector<16xi32> to vector<16xi32>
      %swap3A_1412 = vector.shape_cast %get3A_1408 : vector<16xi32> to vector<16xi32>
      tpu.vector_store %arg20[%swap3A_1409], %swap3A_1412 {strides = array<i32>} : memref<64xi32, #tpu.memory_space<vmem>>, vector<16xi32>,
      %get3A_1413 = arith.constant 992 : index
      %get3A_1414 = tpu.vector_load %arg11[%get3A_1413] {strides = array<i32>} : memref<1024xi32, #tpu.memory_space<vmem>>, vector<16xi32>,
      %get3A_1415 = vector.shape_cast %get3A_1414 : vector<16xi32> to vector<16xi32>
      %mul3A_1416 = arith.constant 10000 : i32
      %mul3A_1417 = vector.broadcast %mul3A_1416 : i32 to vector<16xi32>
      %mul3A_1418 = arith.muli %get3A_1415, %mul3A_1417 : vector<16xi32>
      %get3A_1419 = arith.constant 992 : index
      %get3A_1420 = tpu.vector_load %arg10[%get3A_1419] {strides = array<i32>} : memref<1024xi32, #tpu.memory_space<vmem>>, vector<16xi32>,
      %get3A_1421 = vector.shape_cast %get3A_1420 : vector<16xi32> to vector<16xi32>
      %add3A_1422 = arith.addi %mul3A_1418, %get3A_1421 : vector<16xi32>
      %swap3A_1423 = arith.constant 32 : index
      %swap3A_1424 = tpu.vector_load %arg16[%swap3A_1423] {strides = array<i32>} : memref<64xi32, #tpu.memory_space<vmem>>, vector<16xi32>,
      %swap3A_1425 = vector.shape_cast %swap3A_1424 : vector<16xi32> to vector<16xi32>
      %swap3A_1426 = vector.shape_cast %add3A_1422 : vector<16xi32> to vector<16xi32>
      tpu.vector_store %arg16[%swap3A_1423], %swap3A_1426 {strides = array<i32>} : memref<64xi32, #tpu.memory_space<vmem>>, vector<16xi32>,
      %get3A_1427 = arith.constant 992 : index
      %get3A_1428 = tpu.vector_load %arg12[%get3A_1427] {strides = array<i32>} : memref<1024xi32, #tpu.memory_space<vmem>>, vector<16xi32>,
      %get3A_1429 = vector.shape_cast %get3A_1428 : vector<16xi32> to vector<16xi32>
      %swap3A_1430 = arith.constant 32 : index
      %swap3A_1431 = tpu.vector_load %arg20[%swap3A_1430] {strides = array<i32>} : memref<64xi32, #tpu.memory_space<vmem>>, vector<16xi32>,
      %swap3A_1432 = vector.shape_cast %swap3A_1431 : vector<16xi32> to vector<16xi32>
      %swap3A_1433 = vector.shape_cast %get3A_1429 : vector<16xi32> to vector<16xi32>
      tpu.vector_store %arg20[%swap3A_1430], %swap3A_1433 {strides = array<i32>} : memref<64xi32, #tpu.memory_space<vmem>>, vector<16xi32>,
      %get3A_1434 = arith.constant 1008 : index
      %get3A_1435 = tpu.vector_load %arg11[%get3A_1434] {strides = array<i32>} : memref<1024xi32, #tpu.memory_space<vmem>>, vector<16xi32>,
      %get3A_1436 = vector.shape_cast %get3A_1435 : vector<16xi32> to vector<16xi32>
      %mul3A_1437 = arith.constant 10000 : i32
      %mul3A_1438 = vector.broadcast %mul3A_1437 : i32 to vector<16xi32>
      %mul3A_1439 = arith.muli %get3A_1436, %mul3A_1438 : vector<16xi32>
      %get3A_1440 = arith.constant 1008 : index
      %get3A_1441 = tpu.vector_load %arg10[%get3A_1440] {strides = array<i32>} : memref<1024xi32, #tpu.memory_space<vmem>>, vector<16xi32>,
      %get3A_1442 = vector.shape_cast %get3A_1441 : vector<16xi32> to vector<16xi32>
      %add3A_1443 = arith.addi %mul3A_1439, %get3A_1442 : vector<16xi32>
      %swap3A_1444 = arith.constant 48 : index
      %swap3A_1445 = tpu.vector_load %arg16[%swap3A_1444] {strides = array<i32>} : memref<64xi32, #tpu.memory_space<vmem>>, vector<16xi32>,
      %swap3A_1446 = vector.shape_cast %swap3A_1445 : vector<16xi32> to vector<16xi32>
      %swap3A_1447 = vector.shape_cast %add3A_1443 : vector<16xi32> to vector<16xi32>
      tpu.vector_store %arg16[%swap3A_1444], %swap3A_1447 {strides = array<i32>} : memref<64xi32, #tpu.memory_space<vmem>>, vector<16xi32>,
      %get3A_1448 = arith.constant 1008 : index
      %get3A_1449 = tpu.vector_load %arg12[%get3A_1448] {strides = array<i32>} : memref<1024xi32, #tpu.memory_space<vmem>>, vector<16xi32>,
      %get3A_1450 = vector.shape_cast %get3A_1449 : vector<16xi32> to vector<16xi32>
      %swap3A_1451 = arith.constant 48 : index
      %swap3A_1452 = tpu.vector_load %arg20[%swap3A_1451] {strides = array<i32>} : memref<64xi32, #tpu.memory_space<vmem>>, vector<16xi32>,
      %swap3A_1453 = vector.shape_cast %swap3A_1452 : vector<16xi32> to vector<16xi32>
      %swap3A_1454 = vector.shape_cast %get3A_1450 : vector<16xi32> to vector<16xi32>
      tpu.vector_store %arg20[%swap3A_1451], %swap3A_1454 {strides = array<i32>} : memref<64xi32, #tpu.memory_space<vmem>>, vector<16xi32>,
      %dma_start3A_1455 = arith.constant 0 : i32
      %dma_start3A_1456 = arith.constant 0 : i32
      %dma_start3A_1457 = tpu.memref_slice %arg2[%dma_start3A_1455, %dma_start3A_1456] : memref<50000x128xf32, #tpu.memory_space<hbm>> -> memref<50000x128xf32, #tpu.memory_space<hbm>>
      tpu.enqueue_indirect_dma source(%dma_start3A_1457 : memref<50000x128xf32, #tpu.memory_space<hbm>>) target(%arg24 : memref<64x128xf32, #tpu.memory_space<vmem>>) offsets(%arg16 : memref<64xi32, #tpu.memory_space<vmem>>) semaphore(%arg31 : memref<!tpu.dma_semaphore, #tpu.memory_space<semaphore_mem>>)
      %dma_wait3A_1458 = arith.constant 0 : i32
      %dma_wait3A_1459 = arith.constant 0 : i32
      %dma_wait3A_1460 = tpu.memref_slice %arg2[%dma_wait3A_1458, %dma_wait3A_1459] : memref<50000x128xf32, #tpu.memory_space<hbm>> -> memref<50000x128xf32, #tpu.memory_space<hbm>>
      tpu.wait_indirect_dma semaphore(%arg28 : memref<!tpu.dma_semaphore, #tpu.memory_space<semaphore_mem>>) src(%dma_wait3A_1460 : memref<50000x128xf32, #tpu.memory_space<hbm>>) dst(%arg21 : memref<64x128xf32, #tpu.memory_space<vmem>>)
      "tpu.region"() ({
        %run_scoped3A = tpu.sem_alloc : memref<!tpu.dma_semaphore, #tpu.memory_space<semaphore_mem>>
        %dma_start3A_1470 = arith.constant 0 : i32
        %dma_start3A_1471 = arith.constant 0 : i32
        %dma_start3A_1472 = tpu.memref_slice %arg26[%dma_start3A_1470, %dma_start3A_1471] : memref<10240x128xf32, #tpu.memory_space<vmem_shared>> -> memref<10240x128xf32, #tpu.memory_space<vmem_shared>>
        tpu.enqueue_indirect_dma source(%arg21 : memref<64x128xf32, #tpu.memory_space<vmem>>) target(%dma_start3A_1472 : memref<10240x128xf32, #tpu.memory_space<vmem_shared>>) offsets(%arg17 : memref<64xi32, #tpu.memory_space<vmem>>) semaphore(%run_scoped3A : memref<!tpu.dma_semaphore, #tpu.memory_space<semaphore_mem>>) {add = true}
        %dma_wait3A_1473 = arith.constant 0 : i32
        %dma_wait3A_1474 = arith.constant 0 : i32
        %dma_wait3A_1475 = tpu.memref_slice %arg26[%dma_wait3A_1473, %dma_wait3A_1474] : memref<10240x128xf32, #tpu.memory_space<vmem_shared>> -> memref<10240x128xf32, #tpu.memory_space<vmem_shared>>
        tpu.wait_indirect_dma semaphore(%run_scoped3A : memref<!tpu.dma_semaphore, #tpu.memory_space<semaphore_mem>>) src(%arg21 : memref<64x128xf32, #tpu.memory_space<vmem>>) dst(%dma_wait3A_1475 : memref<10240x128xf32, #tpu.memory_space<vmem_shared>>)
        tpu.yield
      }) : () -> ()
      "tpu.region"() ({
        %run_scoped3A = tpu.sem_alloc : memref<!tpu.dma_semaphore, #tpu.memory_space<semaphore_mem>>
        %dma_start3A_1470 = arith.constant 0 : i32
        %dma_start3A_1471 = tpu.memref_slice %arg27[%dma_start3A_1470] : memref<10240xf32, #tpu.memory_space<vmem_shared>> -> memref<10240xf32, #tpu.memory_space<vmem_shared>>
        tpu.enqueue_indirect_dma source(%arg25 : memref<64xf32, #tpu.memory_space<vmem>>) target(%dma_start3A_1471 : memref<10240xf32, #tpu.memory_space<vmem_shared>>) offsets(%arg17 : memref<64xi32, #tpu.memory_space<vmem>>) semaphore(%run_scoped3A : memref<!tpu.dma_semaphore, #tpu.memory_space<semaphore_mem>>) {add = true}
        %dma_wait3A_1472 = arith.constant 0 : i32
        %dma_wait3A_1473 = tpu.memref_slice %arg27[%dma_wait3A_1472] : memref<10240xf32, #tpu.memory_space<vmem_shared>> -> memref<10240xf32, #tpu.memory_space<vmem_shared>>
        tpu.wait_indirect_dma semaphore(%run_scoped3A : memref<!tpu.dma_semaphore, #tpu.memory_space<semaphore_mem>>) src(%arg25 : memref<64xf32, #tpu.memory_space<vmem>>) dst(%dma_wait3A_1473 : memref<10240xf32, #tpu.memory_space<vmem_shared>>)
        tpu.yield
      }) : () -> ()
      %dma_wait3A_1461 = arith.constant 0 : i32
      %dma_wait3A_1462 = arith.constant 0 : i32
      %dma_wait3A_1463 = tpu.memref_slice %arg2[%dma_wait3A_1461, %dma_wait3A_1462] : memref<50000x128xf32, #tpu.memory_space<hbm>> -> memref<50000x128xf32, #tpu.memory_space<hbm>>
      tpu.wait_indirect_dma semaphore(%arg29 : memref<!tpu.dma_semaphore, #tpu.memory_space<semaphore_mem>>) src(%dma_wait3A_1463 : memref<50000x128xf32, #tpu.memory_space<hbm>>) dst(%arg22 : memref<64x128xf32, #tpu.memory_space<vmem>>)
      "tpu.region"() ({
        %run_scoped3A = tpu.sem_alloc : memref<!tpu.dma_semaphore, #tpu.memory_space<semaphore_mem>>
        %dma_start3A_1470 = arith.constant 0 : i32
        %dma_start3A_1471 = arith.constant 0 : i32
        %dma_start3A_1472 = tpu.memref_slice %arg26[%dma_start3A_1470, %dma_start3A_1471] : memref<10240x128xf32, #tpu.memory_space<vmem_shared>> -> memref<10240x128xf32, #tpu.memory_space<vmem_shared>>
        tpu.enqueue_indirect_dma source(%arg22 : memref<64x128xf32, #tpu.memory_space<vmem>>) target(%dma_start3A_1472 : memref<10240x128xf32, #tpu.memory_space<vmem_shared>>) offsets(%arg18 : memref<64xi32, #tpu.memory_space<vmem>>) semaphore(%run_scoped3A : memref<!tpu.dma_semaphore, #tpu.memory_space<semaphore_mem>>) {add = true}
        %dma_wait3A_1473 = arith.constant 0 : i32
        %dma_wait3A_1474 = arith.constant 0 : i32
        %dma_wait3A_1475 = tpu.memref_slice %arg26[%dma_wait3A_1473, %dma_wait3A_1474] : memref<10240x128xf32, #tpu.memory_space<vmem_shared>> -> memref<10240x128xf32, #tpu.memory_space<vmem_shared>>
        tpu.wait_indirect_dma semaphore(%run_scoped3A : memref<!tpu.dma_semaphore, #tpu.memory_space<semaphore_mem>>) src(%arg22 : memref<64x128xf32, #tpu.memory_space<vmem>>) dst(%dma_wait3A_1475 : memref<10240x128xf32, #tpu.memory_space<vmem_shared>>)
        tpu.yield
      }) : () -> ()
      "tpu.region"() ({
        %run_scoped3A = tpu.sem_alloc : memref<!tpu.dma_semaphore, #tpu.memory_space<semaphore_mem>>
        %dma_start3A_1470 = arith.constant 0 : i32
        %dma_start3A_1471 = tpu.memref_slice %arg27[%dma_start3A_1470] : memref<10240xf32, #tpu.memory_space<vmem_shared>> -> memref<10240xf32, #tpu.memory_space<vmem_shared>>
        tpu.enqueue_indirect_dma source(%arg25 : memref<64xf32, #tpu.memory_space<vmem>>) target(%dma_start3A_1471 : memref<10240xf32, #tpu.memory_space<vmem_shared>>) offsets(%arg18 : memref<64xi32, #tpu.memory_space<vmem>>) semaphore(%run_scoped3A : memref<!tpu.dma_semaphore, #tpu.memory_space<semaphore_mem>>) {add = true}
        %dma_wait3A_1472 = arith.constant 0 : i32
        %dma_wait3A_1473 = tpu.memref_slice %arg27[%dma_wait3A_1472] : memref<10240xf32, #tpu.memory_space<vmem_shared>> -> memref<10240xf32, #tpu.memory_space<vmem_shared>>
        tpu.wait_indirect_dma semaphore(%run_scoped3A : memref<!tpu.dma_semaphore, #tpu.memory_space<semaphore_mem>>) src(%arg25 : memref<64xf32, #tpu.memory_space<vmem>>) dst(%dma_wait3A_1473 : memref<10240xf32, #tpu.memory_space<vmem_shared>>)
        tpu.yield
      }) : () -> ()
      %dma_wait3A_1464 = arith.constant 0 : i32
      %dma_wait3A_1465 = arith.constant 0 : i32
      %dma_wait3A_1466 = tpu.memref_slice %arg2[%dma_wait3A_1464, %dma_wait3A_1465] : memref<50000x128xf32, #tpu.memory_space<hbm>> -> memref<50000x128xf32, #tpu.memory_space<hbm>>
      tpu.wait_indirect_dma semaphore(%arg30 : memref<!tpu.dma_semaphore, #tpu.memory_space<semaphore_mem>>) src(%dma_wait3A_1466 : memref<50000x128xf32, #tpu.memory_space<hbm>>) dst(%arg23 : memref<64x128xf32, #tpu.memory_space<vmem>>)
      "tpu.region"() ({
        %run_scoped3A = tpu.sem_alloc : memref<!tpu.dma_semaphore, #tpu.memory_space<semaphore_mem>>
        %dma_start3A_1470 = arith.constant 0 : i32
        %dma_start3A_1471 = arith.constant 0 : i32
        %dma_start3A_1472 = tpu.memref_slice %arg26[%dma_start3A_1470, %dma_start3A_1471] : memref<10240x128xf32, #tpu.memory_space<vmem_shared>> -> memref<10240x128xf32, #tpu.memory_space<vmem_shared>>
        tpu.enqueue_indirect_dma source(%arg23 : memref<64x128xf32, #tpu.memory_space<vmem>>) target(%dma_start3A_1472 : memref<10240x128xf32, #tpu.memory_space<vmem_shared>>) offsets(%arg19 : memref<64xi32, #tpu.memory_space<vmem>>) semaphore(%run_scoped3A : memref<!tpu.dma_semaphore, #tpu.memory_space<semaphore_mem>>) {add = true}
        %dma_wait3A_1473 = arith.constant 0 : i32
        %dma_wait3A_1474 = arith.constant 0 : i32
        %dma_wait3A_1475 = tpu.memref_slice %arg26[%dma_wait3A_1473, %dma_wait3A_1474] : memref<10240x128xf32, #tpu.memory_space<vmem_shared>> -> memref<10240x128xf32, #tpu.memory_space<vmem_shared>>
        tpu.wait_indirect_dma semaphore(%run_scoped3A : memref<!tpu.dma_semaphore, #tpu.memory_space<semaphore_mem>>) src(%arg23 : memref<64x128xf32, #tpu.memory_space<vmem>>) dst(%dma_wait3A_1475 : memref<10240x128xf32, #tpu.memory_space<vmem_shared>>)
        tpu.yield
      }) : () -> ()
      "tpu.region"() ({
        %run_scoped3A = tpu.sem_alloc : memref<!tpu.dma_semaphore, #tpu.memory_space<semaphore_mem>>
        %dma_start3A_1470 = arith.constant 0 : i32
        %dma_start3A_1471 = tpu.memref_slice %arg27[%dma_start3A_1470] : memref<10240xf32, #tpu.memory_space<vmem_shared>> -> memref<10240xf32, #tpu.memory_space<vmem_shared>>
        tpu.enqueue_indirect_dma source(%arg25 : memref<64xf32, #tpu.memory_space<vmem>>) target(%dma_start3A_1471 : memref<10240xf32, #tpu.memory_space<vmem_shared>>) offsets(%arg19 : memref<64xi32, #tpu.memory_space<vmem>>) semaphore(%run_scoped3A : memref<!tpu.dma_semaphore, #tpu.memory_space<semaphore_mem>>) {add = true}
        %dma_wait3A_1472 = arith.constant 0 : i32
        %dma_wait3A_1473 = tpu.memref_slice %arg27[%dma_wait3A_1472] : memref<10240xf32, #tpu.memory_space<vmem_shared>> -> memref<10240xf32, #tpu.memory_space<vmem_shared>>
        tpu.wait_indirect_dma semaphore(%run_scoped3A : memref<!tpu.dma_semaphore, #tpu.memory_space<semaphore_mem>>) src(%arg25 : memref<64xf32, #tpu.memory_space<vmem>>) dst(%dma_wait3A_1473 : memref<10240xf32, #tpu.memory_space<vmem_shared>>)
        tpu.yield
      }) : () -> ()
      %dma_wait3A_1467 = arith.constant 0 : i32
      %dma_wait3A_1468 = arith.constant 0 : i32
      %dma_wait3A_1469 = tpu.memref_slice %arg2[%dma_wait3A_1467, %dma_wait3A_1468] : memref<50000x128xf32, #tpu.memory_space<hbm>> -> memref<50000x128xf32, #tpu.memory_space<hbm>>
      tpu.wait_indirect_dma semaphore(%arg31 : memref<!tpu.dma_semaphore, #tpu.memory_space<semaphore_mem>>) src(%dma_wait3A_1469 : memref<50000x128xf32, #tpu.memory_space<hbm>>) dst(%arg24 : memref<64x128xf32, #tpu.memory_space<vmem>>)
      "tpu.region"() ({
        %run_scoped3A = tpu.sem_alloc : memref<!tpu.dma_semaphore, #tpu.memory_space<semaphore_mem>>
        %dma_start3A_1470 = arith.constant 0 : i32
        %dma_start3A_1471 = arith.constant 0 : i32
        %dma_start3A_1472 = tpu.memref_slice %arg26[%dma_start3A_1470, %dma_start3A_1471] : memref<10240x128xf32, #tpu.memory_space<vmem_shared>> -> memref<10240x128xf32, #tpu.memory_space<vmem_shared>>
        tpu.enqueue_indirect_dma source(%arg24 : memref<64x128xf32, #tpu.memory_space<vmem>>) target(%dma_start3A_1472 : memref<10240x128xf32, #tpu.memory_space<vmem_shared>>) offsets(%arg20 : memref<64xi32, #tpu.memory_space<vmem>>) semaphore(%run_scoped3A : memref<!tpu.dma_semaphore, #tpu.memory_space<semaphore_mem>>) {add = true}
        %dma_wait3A_1473 = arith.constant 0 : i32
        %dma_wait3A_1474 = arith.constant 0 : i32
        %dma_wait3A_1475 = tpu.memref_slice %arg26[%dma_wait3A_1473, %dma_wait3A_1474] : memref<10240x128xf32, #tpu.memory_space<vmem_shared>> -> memref<10240x128xf32, #tpu.memory_space<vmem_shared>>
        tpu.wait_indirect_dma semaphore(%run_scoped3A : memref<!tpu.dma_semaphore, #tpu.memory_space<semaphore_mem>>) src(%arg24 : memref<64x128xf32, #tpu.memory_space<vmem>>) dst(%dma_wait3A_1475 : memref<10240x128xf32, #tpu.memory_space<vmem_shared>>)
        tpu.yield
      }) : () -> ()
      "tpu.region"() ({
        %run_scoped3A = tpu.sem_alloc : memref<!tpu.dma_semaphore, #tpu.memory_space<semaphore_mem>>
        %dma_start3A_1470 = arith.constant 0 : i32
        %dma_start3A_1471 = tpu.memref_slice %arg27[%dma_start3A_1470] : memref<10240xf32, #tpu.memory_space<vmem_shared>> -> memref<10240xf32, #tpu.memory_space<vmem_shared>>
        tpu.enqueue_indirect_dma source(%arg25 : memref<64xf32, #tpu.memory_space<vmem>>) target(%dma_start3A_1471 : memref<10240xf32, #tpu.memory_space<vmem_shared>>) offsets(%arg20 : memref<64xi32, #tpu.memory_space<vmem>>) semaphore(%run_scoped3A : memref<!tpu.dma_semaphore, #tpu.memory_space<semaphore_mem>>) {add = true}
        %dma_wait3A_1472 = arith.constant 0 : i32
        %dma_wait3A_1473 = tpu.memref_slice %arg27[%dma_wait3A_1472] : memref<10240xf32, #tpu.memory_space<vmem_shared>> -> memref<10240xf32, #tpu.memory_space<vmem_shared>>
        tpu.wait_indirect_dma semaphore(%run_scoped3A : memref<!tpu.dma_semaphore, #tpu.memory_space<semaphore_mem>>) src(%arg25 : memref<64xf32, #tpu.memory_space<vmem>>) dst(%dma_wait3A_1473 : memref<10240xf32, #tpu.memory_space<vmem_shared>>)
        tpu.yield
      }) : () -> ()
    }
    %scan3A_27 = arith.constant 10 : i32
    %barrier3A_28 = arith.constant 0 : index
    tpu.barrier barrier_id(%barrier3A_28)
    "tpu.region"() ({
      %run_scoped3A = tpu.sem_alloc : memref<!tpu.dma_semaphore, #tpu.memory_space<semaphore_mem>>
      %dma_start3A = arith.constant 0 : i32
      %dma_start3A_29 = tpu.memref_slice %arg8[%arg0, %mul3A_4, %dma_start3A] : memref<2x10240x128xf32, #tpu.memory_space<hbm>> -> memref<1x640x128xf32, #tpu.memory_space<hbm>>
      %dma_start3A_30 = tpu.memref_squeeze %dma_start3A_29 : memref<1x640x128xf32, #tpu.memory_space<hbm>> -> memref<640x128xf32, #tpu.memory_space<hbm>>
      %dma_start3A_31 = arith.constant 0 : i32
      %dma_start3A_32 = tpu.memref_slice %arg26[%mul3A_4, %dma_start3A_31] : memref<10240x128xf32, #tpu.memory_space<vmem_shared>> -> memref<640x128xf32, #tpu.memory_space<vmem_shared>>
      tpu.enqueue_dma source(%dma_start3A_32 : memref<640x128xf32, #tpu.memory_space<vmem_shared>>) target(%dma_start3A_30 : memref<640x128xf32, #tpu.memory_space<hbm>>) target_semaphore(%run_scoped3A : memref<!tpu.dma_semaphore, #tpu.memory_space<semaphore_mem>>)
      %dma_wait3A = arith.constant 0 : i32
      %dma_wait3A_33 = tpu.memref_slice %arg8[%arg0, %mul3A_4, %dma_wait3A] : memref<2x10240x128xf32, #tpu.memory_space<hbm>> -> memref<1x640x128xf32, #tpu.memory_space<hbm>>
      %dma_wait3A_34 = tpu.memref_squeeze %dma_wait3A_33 : memref<1x640x128xf32, #tpu.memory_space<hbm>> -> memref<640x128xf32, #tpu.memory_space<hbm>>
      %dma_wait3A_35 = arith.constant 0 : i32
      %dma_wait3A_36 = tpu.memref_slice %arg26[%mul3A_4, %dma_wait3A_35] : memref<10240x128xf32, #tpu.memory_space<vmem_shared>> -> memref<640x128xf32, #tpu.memory_space<vmem_shared>>
      tpu.wait_dma2 semaphore(%run_scoped3A : memref<!tpu.dma_semaphore, #tpu.memory_space<semaphore_mem>>) src(%dma_wait3A_36 : memref<640x128xf32, #tpu.memory_space<vmem_shared>>) dst(%dma_wait3A_34 : memref<640x128xf32, #tpu.memory_space<hbm>>)
      tpu.yield
    }) : () -> ()
    "tpu.region"() ({
      %run_scoped3A = tpu.sem_alloc : memref<!tpu.dma_semaphore, #tpu.memory_space<semaphore_mem>>
      %dma_start3A = tpu.memref_slice %arg9[%arg0, %mul3A_6] : memref<2x10240xf32, #tpu.memory_space<hbm>> -> memref<1x640xf32, #tpu.memory_space<hbm>>
      %dma_start3A_29 = tpu.memref_squeeze %dma_start3A : memref<1x640xf32, #tpu.memory_space<hbm>> -> memref<640xf32, #tpu.memory_space<hbm>>
      %dma_start3A_30 = tpu.memref_slice %arg27[%mul3A_6] : memref<10240xf32, #tpu.memory_space<vmem_shared>> -> memref<640xf32, #tpu.memory_space<vmem_shared>>
      tpu.enqueue_dma source(%dma_start3A_30 : memref<640xf32, #tpu.memory_space<vmem_shared>>) target(%dma_start3A_29 : memref<640xf32, #tpu.memory_space<hbm>>) target_semaphore(%run_scoped3A : memref<!tpu.dma_semaphore, #tpu.memory_space<semaphore_mem>>)
      %dma_wait3A = tpu.memref_slice %arg9[%arg0, %mul3A_6] : memref<2x10240xf32, #tpu.memory_space<hbm>> -> memref<1x640xf32, #tpu.memory_space<hbm>>
      %dma_wait3A_31 = tpu.memref_squeeze %dma_wait3A : memref<1x640xf32, #tpu.memory_space<hbm>> -> memref<640xf32, #tpu.memory_space<hbm>>
      %dma_wait3A_32 = tpu.memref_slice %arg27[%mul3A_6] : memref<10240xf32, #tpu.memory_space<vmem_shared>> -> memref<640xf32, #tpu.memory_space<vmem_shared>>
      tpu.wait_dma2 semaphore(%run_scoped3A : memref<!tpu.dma_semaphore, #tpu.memory_space<semaphore_mem>>) src(%dma_wait3A_32 : memref<640xf32, #tpu.memory_space<vmem_shared>>) dst(%dma_wait3A_31 : memref<640xf32, #tpu.memory_space<hbm>>)
      tpu.yield
    }) : () -> ()
    return
  }
}

module attributes {stable_mosaic.version = 14 : i64} {
  func.func @_weight_body(%arg0: i32, %arg1: i32, %arg2: memref<5x8xf32, #tpu.memory_space<smem>>, %arg3: memref<8x400x128xf32, #tpu.memory_space<vmem>>, %arg4: memref<1x400x128xf32, #tpu.memory_space<vmem>>) attributes {dimension_semantics = [#tpu.dimension_semantics<arbitrary>, #tpu.dimension_semantics<arbitrary>], iteration_bounds = array<i64: 25, 5>, scalar_prefetch = 0 : i64, scratch_operands = 0 : i64, tpu.core_type = #tpu.core_type<tc>, window_params = [{transform_indices = @transform_0, window_bounds = array<i64: 5, 8>}, {transform_indices = @transform_1, window_bounds = array<i64: 8, 400, 128>}, {transform_indices = @transform_2, window_bounds = array<i64: 1, 400, 128>}]} {
    %get3A = arith.index_cast %arg1 : i32 to index
    %get3A_0 = arith.constant 0 : index
    %get3A_1 = memref.load %arg2[%get3A, %get3A_0] : memref<5x8xf32, #tpu.memory_space<smem>>
    %get3A_2 = arith.constant 0 : index
    %get3A_3 = arith.constant 0 : index
    %get3A_4 = arith.constant 0 : index
    %get3A_5 = vector.load %arg3[%get3A_2, %get3A_3, %get3A_4] : memref<8x400x128xf32, #tpu.memory_space<vmem>>, vector<1x400x128xf32>
    %get3A_6 = vector.shape_cast %get3A_5 : vector<1x400x128xf32> to vector<400x128xf32>
    %mul3A = vector.broadcast %get3A_1 : f32 to vector<400x128xf32>
    %mul3A_7 = arith.mulf %mul3A, %get3A_6 : vector<400x128xf32>
    %get3A_8 = arith.index_cast %arg1 : i32 to index
    %get3A_9 = arith.constant 1 : index
    %get3A_10 = memref.load %arg2[%get3A_8, %get3A_9] : memref<5x8xf32, #tpu.memory_space<smem>>
    %get3A_11 = arith.constant 1 : index
    %get3A_12 = arith.constant 0 : index
    %get3A_13 = arith.constant 0 : index
    %get3A_14 = vector.load %arg3[%get3A_11, %get3A_12, %get3A_13] : memref<8x400x128xf32, #tpu.memory_space<vmem>>, vector<1x400x128xf32>
    %get3A_15 = vector.shape_cast %get3A_14 : vector<1x400x128xf32> to vector<400x128xf32>
    %mul3A_16 = vector.broadcast %get3A_10 : f32 to vector<400x128xf32>
    %mul3A_17 = arith.mulf %mul3A_16, %get3A_15 : vector<400x128xf32>
    %add3A = arith.addf %mul3A_7, %mul3A_17 : vector<400x128xf32>
    %get3A_18 = arith.index_cast %arg1 : i32 to index
    %get3A_19 = arith.constant 2 : index
    %get3A_20 = memref.load %arg2[%get3A_18, %get3A_19] : memref<5x8xf32, #tpu.memory_space<smem>>
    %get3A_21 = arith.constant 2 : index
    %get3A_22 = arith.constant 0 : index
    %get3A_23 = arith.constant 0 : index
    %get3A_24 = vector.load %arg3[%get3A_21, %get3A_22, %get3A_23] : memref<8x400x128xf32, #tpu.memory_space<vmem>>, vector<1x400x128xf32>
    %get3A_25 = vector.shape_cast %get3A_24 : vector<1x400x128xf32> to vector<400x128xf32>
    %mul3A_26 = vector.broadcast %get3A_20 : f32 to vector<400x128xf32>
    %mul3A_27 = arith.mulf %mul3A_26, %get3A_25 : vector<400x128xf32>
    %add3A_28 = arith.addf %add3A, %mul3A_27 : vector<400x128xf32>
    %get3A_29 = arith.index_cast %arg1 : i32 to index
    %get3A_30 = arith.constant 3 : index
    %get3A_31 = memref.load %arg2[%get3A_29, %get3A_30] : memref<5x8xf32, #tpu.memory_space<smem>>
    %get3A_32 = arith.constant 3 : index
    %get3A_33 = arith.constant 0 : index
    %get3A_34 = arith.constant 0 : index
    %get3A_35 = vector.load %arg3[%get3A_32, %get3A_33, %get3A_34] : memref<8x400x128xf32, #tpu.memory_space<vmem>>, vector<1x400x128xf32>
    %get3A_36 = vector.shape_cast %get3A_35 : vector<1x400x128xf32> to vector<400x128xf32>
    %mul3A_37 = vector.broadcast %get3A_31 : f32 to vector<400x128xf32>
    %mul3A_38 = arith.mulf %mul3A_37, %get3A_36 : vector<400x128xf32>
    %add3A_39 = arith.addf %add3A_28, %mul3A_38 : vector<400x128xf32>
    %get3A_40 = arith.index_cast %arg1 : i32 to index
    %get3A_41 = arith.constant 4 : index
    %get3A_42 = memref.load %arg2[%get3A_40, %get3A_41] : memref<5x8xf32, #tpu.memory_space<smem>>
    %get3A_43 = arith.constant 4 : index
    %get3A_44 = arith.constant 0 : index
    %get3A_45 = arith.constant 0 : index
    %get3A_46 = vector.load %arg3[%get3A_43, %get3A_44, %get3A_45] : memref<8x400x128xf32, #tpu.memory_space<vmem>>, vector<1x400x128xf32>
    %get3A_47 = vector.shape_cast %get3A_46 : vector<1x400x128xf32> to vector<400x128xf32>
    %mul3A_48 = vector.broadcast %get3A_42 : f32 to vector<400x128xf32>
    %mul3A_49 = arith.mulf %mul3A_48, %get3A_47 : vector<400x128xf32>
    %add3A_50 = arith.addf %add3A_39, %mul3A_49 : vector<400x128xf32>
    %get3A_51 = arith.index_cast %arg1 : i32 to index
    %get3A_52 = arith.constant 5 : index
    %get3A_53 = memref.load %arg2[%get3A_51, %get3A_52] : memref<5x8xf32, #tpu.memory_space<smem>>
    %get3A_54 = arith.constant 5 : index
    %get3A_55 = arith.constant 0 : index
    %get3A_56 = arith.constant 0 : index
    %get3A_57 = vector.load %arg3[%get3A_54, %get3A_55, %get3A_56] : memref<8x400x128xf32, #tpu.memory_space<vmem>>, vector<1x400x128xf32>
    %get3A_58 = vector.shape_cast %get3A_57 : vector<1x400x128xf32> to vector<400x128xf32>
    %mul3A_59 = vector.broadcast %get3A_53 : f32 to vector<400x128xf32>
    %mul3A_60 = arith.mulf %mul3A_59, %get3A_58 : vector<400x128xf32>
    %add3A_61 = arith.addf %add3A_50, %mul3A_60 : vector<400x128xf32>
    %get3A_62 = arith.index_cast %arg1 : i32 to index
    %get3A_63 = arith.constant 6 : index
    %get3A_64 = memref.load %arg2[%get3A_62, %get3A_63] : memref<5x8xf32, #tpu.memory_space<smem>>
    %get3A_65 = arith.constant 6 : index
    %get3A_66 = arith.constant 0 : index
    %get3A_67 = arith.constant 0 : index
    %get3A_68 = vector.load %arg3[%get3A_65, %get3A_66, %get3A_67] : memref<8x400x128xf32, #tpu.memory_space<vmem>>, vector<1x400x128xf32>
    %get3A_69 = vector.shape_cast %get3A_68 : vector<1x400x128xf32> to vector<400x128xf32>
    %mul3A_70 = vector.broadcast %get3A_64 : f32 to vector<400x128xf32>
    %mul3A_71 = arith.mulf %mul3A_70, %get3A_69 : vector<400x128xf32>
    %add3A_72 = arith.addf %add3A_61, %mul3A_71 : vector<400x128xf32>
    %get3A_73 = arith.index_cast %arg1 : i32 to index
    %get3A_74 = arith.constant 7 : index
    %get3A_75 = memref.load %arg2[%get3A_73, %get3A_74] : memref<5x8xf32, #tpu.memory_space<smem>>
    %get3A_76 = arith.constant 7 : index
    %get3A_77 = arith.constant 0 : index
    %get3A_78 = arith.constant 0 : index
    %get3A_79 = vector.load %arg3[%get3A_76, %get3A_77, %get3A_78] : memref<8x400x128xf32, #tpu.memory_space<vmem>>, vector<1x400x128xf32>
    %get3A_80 = vector.shape_cast %get3A_79 : vector<1x400x128xf32> to vector<400x128xf32>
    %mul3A_81 = vector.broadcast %get3A_75 : f32 to vector<400x128xf32>
    %mul3A_82 = arith.mulf %mul3A_81, %get3A_80 : vector<400x128xf32>
    %add3A_83 = arith.addf %add3A_72, %mul3A_82 : vector<400x128xf32>
    %swap3A = arith.constant 0 : index
    %swap3A_84 = arith.constant 0 : index
    %swap3A_85 = arith.constant 0 : index
    %swap3A_86 = vector.load %arg4[%swap3A, %swap3A_84, %swap3A_85] : memref<1x400x128xf32, #tpu.memory_space<vmem>>, vector<1x400x128xf32>
    %swap3A_87 = vector.shape_cast %swap3A_86 : vector<1x400x128xf32> to vector<400x128xf32>
    %swap3A_88 = vector.shape_cast %add3A_83 : vector<400x128xf32> to vector<1x400x128xf32>
    tpu.vector_store %arg4[%swap3A, %swap3A_84, %swap3A_85], %swap3A_88 {strides = array<i32>} : memref<1x400x128xf32, #tpu.memory_space<vmem>>, vector<1x400x128xf32>,
    return
  }
  func.func @transform_0(%arg0: i32, %arg1: i32) -> (i32, i32) {
    %c0_i32 = arith.constant 0 : i32
    %c0_i32_0 = arith.constant 0 : i32
    %c0_i32_1 = arith.constant 0 : i32
    return %c0_i32, %c0_i32_0 : i32, i32
  }
  func.func @transform_1(%arg0: i32, %arg1: i32) -> (i32, i32, i32) {
    %c0_i32 = arith.constant 0 : i32
    %c0_i32_0 = arith.constant 0 : i32
    %c0_i32_1 = arith.constant 0 : i32
    return %c0_i32, %arg0, %c0_i32_0 : i32, i32, i32
  }
  func.func @transform_2(%arg0: i32, %arg1: i32) -> (i32, i32, i32) {
    %c0_i32 = arith.constant 0 : i32
    %c0_i32_0 = arith.constant 0 : i32
    return %arg1, %arg0, %c0_i32 : i32, i32, i32
  }
}

module attributes {stable_mosaic.version = 14 : i64} {
  func.func @_combine_body(%arg0: i32, %arg1: memref<2x640x128xf32, #tpu.memory_space<vmem>>, %arg2: memref<2x640xf32, #tpu.memory_space<vmem>>, %arg3: memref<640x128xf32, #tpu.memory_space<vmem>>, %arg4: memref<1x128xf32, #tpu.memory_space<vmem>>, %arg5: memref<640x128xf32, #tpu.memory_space<vmem>>) attributes {dimension_semantics = [#tpu.dimension_semantics<arbitrary>], iteration_bounds = array<i64: 16>, scalar_prefetch = 0 : i64, scratch_operands = 0 : i64, tpu.core_type = #tpu.core_type<tc>, window_params = [{transform_indices = @transform_0, window_bounds = array<i64: 2, 640, 128>}, {transform_indices = @transform_1, window_bounds = array<i64: 2, 640>}, {transform_indices = @transform_2, window_bounds = array<i64: 640, 128>}, {pipeline_mode = #tpu.pipeline_mode<synchronous>, transform_indices = @transform_3, window_bounds = array<i64: 1, 128>}, {transform_indices = @transform_4, window_bounds = array<i64: 640, 128>}]} {
    %get3A = arith.constant 0 : index
    %get3A_0 = arith.constant 0 : index
    %get3A_1 = arith.constant 0 : index
    %get3A_2 = vector.load %arg1[%get3A, %get3A_0, %get3A_1] : memref<2x640x128xf32, #tpu.memory_space<vmem>>, vector<1x640x128xf32>
    %get3A_3 = vector.shape_cast %get3A_2 : vector<1x640x128xf32> to vector<640x128xf32>
    %get3A_4 = arith.constant 0 : index
    %get3A_5 = arith.constant 0 : index
    %get3A_6 = vector.load %arg2[%get3A_4, %get3A_5] : memref<2x640xf32, #tpu.memory_space<vmem>>, vector<1x640xf32>
    %get3A_7 = vector.shape_cast %get3A_6 : vector<1x640xf32> to vector<640xf32>
    %get3A_8 = arith.constant 1 : index
    %get3A_9 = arith.constant 0 : index
    %get3A_10 = arith.constant 0 : index
    %get3A_11 = vector.load %arg1[%get3A_8, %get3A_9, %get3A_10] : memref<2x640x128xf32, #tpu.memory_space<vmem>>, vector<1x640x128xf32>
    %get3A_12 = vector.shape_cast %get3A_11 : vector<1x640x128xf32> to vector<640x128xf32>
    %add3A = arith.addf %get3A_3, %get3A_12 : vector<640x128xf32>
    %get3A_13 = arith.constant 1 : index
    %get3A_14 = arith.constant 0 : index
    %get3A_15 = vector.load %arg2[%get3A_13, %get3A_14] : memref<2x640xf32, #tpu.memory_space<vmem>>, vector<1x640xf32>
    %get3A_16 = vector.shape_cast %get3A_15 : vector<1x640xf32> to vector<640xf32>
    %add3A_17 = arith.addf %get3A_7, %get3A_16 : vector<640xf32>
    %max3A = arith.constant 1.000000e+00 : f32
    %max3A_18 = vector.broadcast %max3A : f32 to vector<640xf32>
    %max3A_19 = arith.maximumf %add3A_17, %max3A_18 : vector<640xf32>
    %broadcast_in_dim3A = vector.shape_cast %max3A_19 : vector<640xf32> to vector<640x1xf32>
    %div3A = vector.broadcast %broadcast_in_dim3A : vector<640x1xf32> to vector<640x128xf32>
    %div3A_20 = arith.divf %add3A, %div3A : vector<640x128xf32>
    %get3A_21 = arith.constant 0 : index
    %get3A_22 = arith.constant 0 : index
    %get3A_23 = vector.load %arg3[%get3A_21, %get3A_22] : memref<640x128xf32, #tpu.memory_space<vmem>>, vector<640x128xf32>
    %add3A_24 = arith.addf %div3A_20, %get3A_23 : vector<640x128xf32>
    %get3A_25 = arith.constant 0 : index
    %get3A_26 = arith.constant 0 : index
    %get3A_27 = vector.load %arg4[%get3A_25, %get3A_26] : memref<1x128xf32, #tpu.memory_space<vmem>>, vector<1x128xf32>
    %add3A_28 = vector.broadcast %get3A_27 : vector<1x128xf32> to vector<640x128xf32>
    %add3A_29 = arith.addf %add3A_24, %add3A_28 : vector<640x128xf32>
    %swap3A = arith.constant 0 : index
    %swap3A_30 = arith.constant 0 : index
    %swap3A_31 = vector.load %arg5[%swap3A, %swap3A_30] : memref<640x128xf32, #tpu.memory_space<vmem>>, vector<640x128xf32>
    tpu.vector_store %arg5[%swap3A, %swap3A_30], %add3A_29 {strides = array<i32>} : memref<640x128xf32, #tpu.memory_space<vmem>>, vector<640x128xf32>,
    return
  }
  func.func @transform_0(%arg0: i32) -> (i32, i32, i32) {
    %c0_i32 = arith.constant 0 : i32
    %c0_i32_0 = arith.constant 0 : i32
    %c0_i32_1 = arith.constant 0 : i32
    return %c0_i32, %arg0, %c0_i32_0 : i32, i32, i32
  }
  func.func @transform_1(%arg0: i32) -> (i32, i32) {
    %c0_i32 = arith.constant 0 : i32
    %c0_i32_0 = arith.constant 0 : i32
    return %c0_i32, %arg0 : i32, i32
  }
  func.func @transform_2(%arg0: i32) -> (i32, i32) {
    %c0_i32 = arith.constant 0 : i32
    %c0_i32_0 = arith.constant 0 : i32
    return %arg0, %c0_i32 : i32, i32
  }
  func.func @transform_3(%arg0: i32) -> (i32, i32) {
    %c0_i32 = arith.constant 0 : i32
    %c0_i32_0 = arith.constant 0 : i32
    %c0_i32_1 = arith.constant 0 : i32
    return %c0_i32, %c0_i32_0 : i32, i32
  }
  func.func @transform_4(%arg0: i32) -> (i32, i32) {
    %c0_i32 = arith.constant 0 : i32
    %c0_i32_0 = arith.constant 0 : i32
    return %arg0, %c0_i32 : i32, i32
  }
}

</mosaic_0001>

<sc_bundles>
// kernel: kernel.5.cloned.1.call-start
scs
__scs_entry_jumppad:
0x0: {  	(pc) =	sbr.rel $0x88, $3  }
0x1: {  	(tag) =	ssettag $0x0;
	lr =	simm.s32 $0x1  }
0x2: {  	[smem:$0x3F9B] =	sst lr;
	_ =	strace $0xD0000000  }
0x3: {  	_ = 	snop  }
0x4: {  	_ = 	snop  }
0x5: {  	_ = 	snop  }
0x6: {  	_ = 	snop  }
0x7: {  	_ = 	snop  }
__scs_overlays_trampoline_lowered:
0x8: {  	[smem:$0x3FAA] =	sst s0  }
0x9: {  	[smem:$0x3FAB] =	sst s1  }
0xa: {  	[smem:$0x3FAC] =	sst s2  }
0xb: {  	[smem:$0x3FAD] =	sst s3  }
0xc: {  	[smem:$0x3FAE] =	sst s4  }
0xd: {  	[smem:$0x3FAF] =	sst s5  }
0xe: {  	[smem:$0x3FB0] =	sst s6  }
0xf: {  	[smem:$0x3FB1] =	sst s7  }
0x10: {  	[smem:$0x3FB2] =	sst s8  }
0x11: {  	[smem:$0x3FB3] =	sst s9;
	s0 =	simm.s32 @!p0 $0x0  }
0x12: {  	s1 =	sld [smem:$0x3F99];
	s0 =	simm.s32 @p0 $0x1  }
0x13: {  	[smem:$0x3FB4] =	sst s0;
	s0 =	simm.s32 @!p1 $0x0  }
0x14: {  	s2 =	sld [smem:$0x3F98];
	s0 =	simm.s32 @p1 $0x1  }
0x15: {  	[smem:$0x3FB5] =	sst s0;
	s0 =	simm.s32 @!p2 $0x0  }
0x16: {  	s3 =	sld [smem:$0x3FDB];
	s0 =	simm.s32 @p2 $0x1  }
0x17: {  	s4 =	simm.s32 $0x1BF5;
	[smem:$0x3FB7] =	sst s0  }
0x18: {  	s0 =	sld [smem:$0x3F9A];
	_ =	swait.ge [sflag:s4], $0x0  }
0x19: {  	s7 =	sld [smem:$0x3F9B]  }
0x1a: {  	s8 =	sadd.s32 $0xFFFFE003, lr  }
0x1b: {  	s9 =	sadd.s32 $0xFFFFFEF7, lr;
	s5 =	simm.s32 $0xFFFFFFFF;
	p2 =	slt.u32 s8, $0xFFFFF086  }
0x1c: {  	p1 =	slt.u32 s9, $0xF7A;
	s5 =	simm.s32 @!p2 $0x0  }
0x1d: {  	s5 =	simm.s32 @p1 $0x1;
	p0 =	seq.s32 s7, s2  }
0x1e: {  	s7 =	smul.u32 @!p0 $0xF7A, s2;
	p2 =	seq.s32 @!p0 s5, $0x0  }
0x1f: {  	s9 =	smul.u32 $0xF7A, s1;
	s8 =	simm.s32 @!p0 $0x1BF5;
	p2 =	por !p2, p0  }
0x20: {  	[sflag:s8] =	ssyncset.s32 @!p0 $0xFFFFF086;
	s6 =	sadd.s32 @!p0 s3, s7;
	s7 =	simm.s32 @!p0 $0x108  }
0x21: {  	s3 =	sadd.s32 s3, s9;
	s6 =	sadd.s32 @!p0 $0x88, s6;
	s7 =	simm.s32 @p2 $0x1082  }
0x22: {  	[simem:s7], [sflag:s8] =	dma.local @!p0 [hbm:s6], $0xF7A  }
0x23: {  	s9 =	sor.u32 $0xD0000000, s2;
	s6 =	simm.s32 $0x108;
	_ =	swait.ge @!p0 [sflag:s8], $0x0  }
0x24: {  	s3 =	sadd.s32 $0x88, s3;
	s6 =	simm.s32 @!p1 $0x1082;
	[sflag:s4] =	ssyncset.s32 $0xFFFFF086  }
0x25: {  	[simem:s6], [sflag:s4] =	dma.local [hbm:s3], $0xF7A  }
0x26: {  	[smem:$0x3F9B] =	sst s1;
	(tag) =	ssettag s2;
	_ =	strace s9  }
0x27: {  	s1 =	sld [smem:$0x3FAB]  }
0x28: {  	s2 =	sld [smem:$0x3FAC]  }
0x29: {  	s4 =	sld [smem:$0x3FAE]  }
0x2a: {  	p0 =	seq.s32 s5, $0x0;
	s5 =	sld [smem:$0x3FAF]  }
0x2b: {  	s6 =	sld [smem:$0x3FB0]  }
0x2c: {  	s7 =	sld [smem:$0x3FB1]  }
0x2d: {  	s3 =	simm.s32 $0x108;
	s8 =	sld [smem:$0x3FB2]  }
0x2e: {  	s3 =	simm.s32 @!p0 $0x1082;
	s9 =	sld [smem:$0x3FB3]  }
0x2f: {  	lr =	sadd.s32 s0, s3;
	s0 =	sld [smem:$0x3FAA]  }
0x30: {  	s3 =	sld [smem:$0x3FAD]  }
0x31: {  	[smem:$0x3FB6] =	sst s10  }
0x32: {  	s10 =	sld [smem:$0x3FB4];
	_ =	sdelay $0x3  }
0x33: {  	p0 =	seq.s32 s10, $0x1;
	s10 =	sld [smem:$0x3FB6];
	_ =	sdelay $0x3  }
0x34: {  	[smem:$0x3FB6] =	sst s10  }
0x35: {  	s10 =	sld [smem:$0x3FB5];
	_ =	sdelay $0x3  }
0x36: {  	p1 =	seq.s32 s10, $0x1;
	s10 =	sld [smem:$0x3FB6];
	_ =	sdelay $0x3  }
0x37: {  	[smem:$0x3FB6] =	sst s10  }
0x38: {  	s10 =	sld [smem:$0x3FB7]  }
0x39: {  	_ = 	snop;
	(pc) =	sbr.ind lr, $3  }
0x3a: {  	_ = 	snop  }
0x3b: {  	_ = 	snop  }
0x3c: {  	p2 =	seq.s32 s10, $0x1;
	s10 =	sld [smem:$0x3FB6]  }
0x3d: {  	_ =	shalt  }
0x3e: {  	_ =	shalt  }
0x3f: {  	_ =	shalt  }
0x40: {  	_ =	shalt  }
0x41: {  	_ =	shalt  }
0x42: {  	_ =	shalt  }
0x43: {  	_ =	shalt  }
0x44: {  	_ =	shalt  }
0x45: {  	_ =	shalt  }
0x46: {  	_ =	shalt  }
0x47: {  	_ =	shalt  }
0x48: {  	_ =	shalt  }
0x49: {  	_ =	shalt  }
0x4a: {  	_ =	shalt  }
0x4b: {  	_ =	shalt  }
0x4c: {  	_ =	shalt  }
0x4d: {  	_ =	shalt  }
0x4e: {  	_ =	shalt  }
0x4f: {  	_ =	shalt  }
0x50: {  	_ =	shalt  }
0x51: {  	_ =	shalt  }
0x52: {  	_ =	shalt  }
0x53: {  	_ =	shalt  }
0x54: {  	_ =	shalt  }
0x55: {  	_ =	shalt  }
0x56: {  	_ =	shalt  }
0x57: {  	_ =	shalt  }
0x58: {  	_ =	shalt  }
0x59: {  	_ =	shalt  }
0x5a: {  	_ =	shalt  }
0x5b: {  	_ =	shalt  }
0x5c: {  	_ =	shalt  }
0x5d: {  	_ =	shalt  }
0x5e: {  	_ =	shalt  }
0x5f: {  	_ =	shalt  }
0x60: {  	_ =	shalt  }
0x61: {  	_ =	shalt  }
0x62: {  	_ =	shalt  }
0x63: {  	_ =	shalt  }
0x64: {  	_ =	shalt  }
0x65: {  	_ =	shalt  }
0x66: {  	_ =	shalt  }
0x67: {  	_ =	shalt  }
0x68: {  	_ =	shalt  }
0x69: {  	_ =	shalt  }
0x6a: {  	_ =	shalt  }
0x6b: {  	_ =	shalt  }
0x6c: {  	_ =	shalt  }
0x6d: {  	_ =	shalt  }
0x6e: {  	_ =	shalt  }
0x6f: {  	_ =	shalt  }
0x70: {  	_ =	shalt  }
0x71: {  	_ =	shalt  }
0x72: {  	_ =	shalt  }
0x73: {  	_ =	shalt  }
0x74: {  	_ =	shalt  }
0x75: {  	_ =	shalt  }
0x76: {  	_ =	shalt  }
0x77: {  	_ =	shalt  }
0x78: {  	_ =	shalt  }
0x79: {  	_ =	shalt  }
0x7a: {  	_ =	shalt  }
0x7b: {  	_ =	shalt  }
0x7c: {  	_ =	shalt  }
0x7d: {  	_ =	shalt  }
0x7e: {  	_ =	shalt  }
0x7f: {  	_ =	shalt  }
0x80: {  	_ =	shalt  }
0x81: {  	_ =	shalt  }
0x82: {  	_ =	shalt  }
0x83: {  	_ =	shalt  }
0x84: {  	_ =	shalt  }
0x85: {  	_ =	shalt  }
0x86: {  	_ =	shalt  }
0x87: {  	_ =	shalt  }
.Lfunc_end0:
.L_simem_size_0:
called_computation_lowered:
.L_overlay_start_0:
0x88: {  	s2 =	sld [smem:$0x3FD9]  }
0x89: {  	s3 =	sld [smem:$0x3FFE];
	_ =	sdelay $0x1  }
0x8a: {  	s1 =	srdreg.scid  }
0x8b: {  	s0 =	sand.u32 $0x1, s1  }
0x8c: {  	s17 =	sshll.u32 s0, $0xA;
	s2 =	sadd.s32 s3, s2  }
0x8d: {  	s2 =	sadd.s32 s2, s17  }
0x8e: {  	[smem:$0x3FC2] =	sst s2  }
0x8f: {  	_ = 	snop  }
0x90: {  	s2 =	sld [smem:$0x3FD0];
	(tm) =	ssettm $0x1  }
0x91: {  	s18 =	sld [smem:$0x3FFB];
	_ =	sdelay $0x3  }
0x92: {  	_ =	strace s18  }
0x93: {  	s3 =	sld [smem:$0x3FFC];
	_ =	sdelay $0x3  }
0x94: {  	_ =	strace s3  }
0x95: {  	s3 =	sld [smem:$0x3FFD];
	_ =	sdelay $0x3  }
0x96: {  	_ =	strace s3  }
0x97: {  	_ =	strace $0x8FFFFFFF  }
0x98: {  	s19 =	sld [smem:$0x3FDB];
	_ =	sdelay $0x1  }
0x99: {  	s4 =	simm.s32 $_scs_section_size  }
0x9a: {  	s5 =	simm.s32 $_size__tile_overlayer_lowered;
	s6 =	simm.s32 $_tile_overlayer_lowered  }
0x9b: {  	s22 =	simm.s32 $0x1BFF;
	s21 =	sshll.u32 s6, $0x1;
	s3 =	sadd.s32 s4, s19  }
0x9c: {  	s7 =	simm.s32 $0x0;
	s20 =	sshll.u32 s5, $0x1;
	s5 =	sadd.s32 s21, s3  }
0x9d: {  	[timem:s7], [sflag:s22] =	dma.local [hbm:s5], s20  }
0x9e: {  	_ =	swait.ge [sflag:s22], s20  }
0x9f: {  	s4 =	ssub.s32 $0x0, s20;
	[sflag:s22] =	ssyncset.done $0x0  }
0xa0: {  	[sflag:s22] =	ssyncadd.s32 s4;
	_ =	sdelay $0x1  }
0xa1: {  	s23 =	simm.s32 $0x1B8B  }
0xa2: {  	_ =	swait.ge [sflag:s23], $0x1  }
0xa3: {  	[sflag:s23] =	ssyncset.done $0x0  }
0xa4: {  	s25 =	simm.s32 $0x1B8E;
	s24 =	sld [smem:$0x3FFE];
	[sflag:s23] =	ssyncadd.s32 $0xFFFFFFFF  }
0xa5: {  	s26 =	simm.s32 $execute0_lowered;
	[smem:$0x3FD2] =	sst s25  }
0xa6: {  	s5 =	sshll.u32 s26, $0x1;
	_ =	strace $0x80000046;
	[dreg:$0x1] =	wrdreg $0xFFFFFFFF  }
0xa7: {  	s28 =	simm.s32 $_size_execute0_lowered;
	s3 =	sadd.s32 s3, s5;
	[dreg:$0x0] =	wrdreg $0x0  }
0xa8: {  	s5 =	sshll.u32 s28, $0x1;
	[dreg:$0x2] =	wrdreg s3  }
0xa9: {  	[dreg:$0x3] =	wrdreg s5  }
0xaa: {  	[dreg:$0x4] =	wrdreg $0xC0  }
0xab: {  	_ =	task [dreg:s7], $0x5FFFF  }
0xac: {  	[dreg:$0x1] =	wrdreg $0xFFFFFFFF  }
0xad: {  	[dreg:$0x0] =	wrdreg $0x60  }
0xae: {  	[dreg:$0x2] =	wrdreg s24  }
0xaf: {  	[dreg:$0x3] =	wrdreg s2  }
0xb0: {  	[dreg:$0x4] =	wrdreg $0x90800  }
0xb1: {  	[dreg:$0x5] =	wrdreg $0x1D0800  }
0xb2: {  	[dreg:$0x6] =	wrdreg $0x9  }
0xb3: {  	_ =	task.clear_ibuf [dreg:s7], $0x7FFFF;
	_ =	strace $0x90000046  }
0xb4: {  	s29 =	simm.s32 $0x9;
	_ =	strace $0x80000048  }
0xb5: {  	_ =	swait.ge [sflag:s29], $0x1  }
0xb6: {  	[sflag:s29] =	ssyncadd.s32 $0xFFFFFFFF  }
0xb7: {  	_ =	strace $0x90000048  }
0xb8: {  	_ =	sfence  }
0xb9: {  	s30 =	sld [smem:$0x0];
	_ =	sdelay $0x2  }
0xba: {  	s31 =	sshll.u32 s1, $0xD;
	s1 =	sshrl.u32 s1, $0x2  }
0xbb: {  	s3 =	sand.u32 $0x4000, s31;
	s1 =	sadd.s32 s1, s30  }
0xbc: {  	s0 =	sor.u32 s3, s0;
	s1 =	sshll.u32 s1, $0x11  }
0xbd: {  	s0 =	sor.u32 s1, s0  }
0xbe: {  	s0 =	sadd.s32 $0x8F2B, s0  }
0xbf: {  	[sflag:s0] =	ssyncadd.remote.s32 $0x1  }
0xc0: {  	_ =	sfence.sel $0xFFFF  }
0xc1: {  	[dreg:$0x0] =	wrdreg $0xFFFFFFFF;
	(pc) =	sbr.abs _section_cstart, $3  }
0xc2: {  	[dreg:$0x1] =	wrdreg $0xFFFFFFFF  }
0xc3: {  	_ =	task.clear_ibuf [dreg:s7], $0x2FFFF;
	_ =	strace $0x9FFFFFFF  }
0xc4: {  	(tm) =	ssettm $0x7FFFFFFF  }
0xc5: {  	_ =	shalt  }
tec
execute0_lowered:
.L_overlay_start_1:
0x0: {  	(tag) =	ssettag $0x1  }
0x1: {  	s0 =	rddreg [dreg:$0x0]  }
0x2: {  	s1 =	rddreg [dreg:$0x1];
	s3 =	srdreg.scid  }
0x3: {  	s2 =	rddreg [dreg:$0x2];
	s14 =	stileid.u32;
	s4 =	simm.s32 $0x0  }
0x4: {  	s28 =	simm.s32 $0x1;
	s29 =	simm.s32 $0xE00;
	s7 =	smul.u32 $0x2800, s14  }
0x5: {  	s30 =	simm.s32 $0x9000;
	s31 =	simm.s32 $0x2;
	s16 =	smul.u32 $0x14000, s14  }
0x6: {  	s6 =	sand.u32 $0x1, s3;
	s3 =	rddreg [dreg:$0x3];
	s18 =	smul.u32 $0x500, s14  }
0x7: {  	[smem:$0x7FF] =	sst s4;
	s17 =	sadd.s32 $0xD8800, s0;
	s20 =	smul.u32 $0x50000, s14  }
0x8: {  	s11 =	sadd.s32 $0xDB000, s0;
	s13 =	smul.u32 $0xA00, s14;
	s22 =	sshll.u32 s14, $0x6  }
0x9: {  	s5 =	smul.u32 $0x28000, s6;
	_ =	strace $0x80000047;
	[dreg:$0x7] =	wrdreg s17  }
0xa: {  	s14 =	simm.s32 $0x5;
	s8 =	smul.u32 $0x140000, s6;
	[dreg:$0x8] =	wrdreg s11  }
0xb: {  	s19 =	sshll.u32 s6, $0x7;
	s6 =	ssub.s32 $0x2, s6;
	s17 =	simm.s32 $0x800  }
0xc: {  	s12 =	sshrl.u32 s6, $0x1;
	s21 =	sshrl.u32 s20, $0x2;
	s23 =	sshrl.u32 s13, $0x2  }
0xd: {  	s20 =	simm.s32 $0x1000;
	s5 =	sadd.s32 s7, s5;
	s7 =	sadd.s32 s16, s8  }
0xe: {  	s8 =	sor.u32 s19, s18;
	s6 =	ssub.s32 s6, s12;
	s11 =	sadd.s32 s21, s2  }
0xf: {  	s15 =	sadd.s32 s23, s3;
	s18 =	simm.s32 $0x40;
	s19 =	simm.s32 $0xC00  }
0x10: {  	s21 =	simm.s32 $0xC80;
	s23 =	simm.s32 $0xD00;
	s16 =	simm.s32 $0x0  }
0x11: {  	s9 =	sshrl.u32 s5, $0x3;
	s5 =	sadd.s32 $0x15200, s0;
	s7 =	sshrl.u32 s7, $0x3  }
0x12: {  	s8 =	sshrl.u32 s8, $0x3;
	s26 =	smax.u32 s6, $0x1;
	s13 =	sshrl.u32 s11, $0x3  }
0x13: {  	s15 =	sshrl.u32 s15, $0x3;
	s6 =	simm.s32 $0xF00;
	s10 =	sadd.s32 s9, s0  }
0x14: {  	s7 =	sadd.s32 s7, s0;
	s0 =	sadd.s32 s8, s0;
	[dreg:$0xb] =	wrdreg s26  }
0x15: {  	s8 =	sor.u32 $0x1C05, s22;
	s12 =	sadd.s32 s9, s1;
	[dreg:$0xc] =	wrdreg s15  }
0x16: {  	s22 =	simm.s32 $0x3000;
	[dreg:$0xd] =	wrdreg s13;
	s7 =	sadd.s32 $0xDB200, s7  }
0x17: {  	s26 =	simm.s32 $0x7000;
	s24 =	sadd.s32 $0xB200, s10;
	[dreg:$0x9] =	wrdreg s7  }
0x18: {  	s1 =	simm.s32 $0xE80;
	s0 =	sadd.s32 $0x12B200, s0;
	[dreg:$0x5] =	wrdreg s24  }
0x19: {  	s9 =	simm.s32 $0xF80;
	s25 =	sadd.s32 $0x1200, s10;
	[dreg:$0xa] =	wrdreg s0  }
0x1a: {  	s10 =	simm.s32 $0x400;
	[dreg:$0x6] =	wrdreg s25;
	s24 =	simm.s32 $0x5000  }
0x1b: {  	v0 =	vimm.f32 $1.000000000e+00;
	s25 =	simm.s32 $0xD80;
	s0 =	simm.s32 $0x3;
	s7 =	simm.s32 $0x4  }
.LBB2_1:
0x1c: {  	[tilespmem:$0x9000] =	vst v0  }
0x1d: {  	[tilespmem:$0x9010] =	vst v0  }
0x1e: {  	[dreg:$0xe] =	wrdreg s16;
	[tilespmem:$0x9020] =	vst v0  }
0x1f: {  	[tilespmem:$0x9030] =	vst v0;
	s11 =	rddreg [dreg:$0x7]  }
0x20: {  	[spmem:s13], [sflag:s8] =	dma.local [hbm:s11], $0x2800  }
0x21: {  	_ =	swait.ge [sflag:s14], $0x2800  }
0x22: {  	[sflag:s14] =	ssyncset.done $0x0  }
0x23: {  	s16 =	rddreg [dreg:$0x8];
	[sflag:s14] =	ssyncadd.s32 $0xFFFFD800  }
0x24: {  	[spmem:s15], [sflag:s8] =	dma.local [hbm:s16], $0x50  }
0x25: {  	_ =	swait.ge [sflag:s14], $0x50  }
0x26: {  	[sflag:s14] =	ssyncset.done $0x0  }
0x27: {  	[sflag:s14] =	ssyncadd.s32 $0xFFFFFFB0  }
0x28: {  	s11 =	simm.s32 $0x0;
	[bflag:$0x0] =	sbarrier.arrive $0xFFFF  }
.LBB2_2:
0x29: {  	s13 =	sadd.s32 s11, s12  }
0x2a: {  	[tilespmem:s4], [sflag:$0x5] =	stream.linear.gather [hbm4b:s13+s4], $0x400, $0x38;
	[tilespmem:$0x1D300] =	vst v63  }
0x2b: {  	_ =	swait.ge [sflag:s14], $0x400  }
0x2c: {  	s15 =	rddreg [dreg:$0x6];
	[sflag:s14] =	ssyncset.done $0x0  }
0x2d: {  	[sflag:s14] =	ssyncadd.s32 $0xFFFFFC00;
	s13 =	sadd.s32 s11, s15  }
0x2e: {  	[tilespmem:s10], [sflag:$0x5] =	stream.linear.gather [hbm4b:s13+s4], $0x400, $0x38;
	[tilespmem:$0x1D300] =	vst v63  }
0x2f: {  	_ =	swait.ge [sflag:s14], $0x400  }
0x30: {  	s16 =	rddreg [dreg:$0x5];
	[sflag:s14] =	ssyncset.done $0x0  }
0x31: {  	[sflag:s14] =	ssyncadd.s32 $0xFFFFFC00;
	s13 =	sadd.s32 s11, s16  }
0x32: {  	[tilespmem:s17], [sflag:$0x5] =	stream.linear.gather [hbm4b:s13+s4], $0x400, $0x38;
	[tilespmem:$0x1D300] =	vst v63  }
0x33: {  	_ =	swait.ge [sflag:s14], $0x400  }
0x34: {  	[sflag:s14] =	ssyncset.done $0x0  }
0x35: {  	[sflag:s14] =	ssyncadd.s32 $0xFFFFFC00  }
0x36: {  	v1 =	vld [tilespmem:$0x400]  }
0x37: {  	v2 =	vld [tilespmem:$0x0]  }
0x38: {  	v3 =	vld [tilespmem:$0x800]  }
0x39: {  	v4 =	vld [tilespmem:$0x410]  }
0x3a: {  	v5 =	vld [tilespmem:$0x10]  }
0x3b: {  	v6 =	vld [tilespmem:$0x810]  }
0x3c: {  	v7 =	vld [tilespmem:$0x420]  }
0x3d: {  	v8 =	vld [tilespmem:$0x20];
	v1 =	vmul.u32 $0x2710, v1  }
0x3e: {  	v9 =	vld [tilespmem:$0x430]  }
0x3f: {  	v48 =	vld [tilespmem:$0x820];
	v1 =	vadd.s32 v2, v1;
	v2 =	vmul.u32 $0x2710, v4  }
0x40: {  	[tilespmem:$0xC00] =	vst v1;
	v1 =	vld [tilespmem:$0x30]  }
0x41: {  	[tilespmem:$0xE00] =	vst v3;
	v2 =	vadd.s32 v5, v2  }
0x42: {  	v3 =	vmul.u32 $0x2710, v7;
	[tilespmem:$0xC10] =	vst v2;
	v2 =	vld [tilespmem:$0x830]  }
0x43: {  	[tilespmem:$0xE10] =	vst v6;
	v49 =	vmul.u32 $0x2710, v9  }
0x44: {  	[tilespmem:$0xE20] =	vst v48;
	v3 =	vadd.s32 v8, v3  }
0x45: {  	[tilespmem:$0xC20] =	vst v3;
	v1 =	vadd.s32 v1, v49  }
0x46: {  	[tilespmem:$0xC30] =	vst v1  }
0x47: {  	[tilespmem:$0xE30] =	vst v2  }
0x48: {  	[tilespmem:s20], [sflag:$0x1] =	stream.indirect.gather [hbm4b:s5+s18], $0x80, s19, s18, $0xb8;
	[tilespmem:$0x1D300] =	vst v63  }
0x49: {  	v1 =	vld [tilespmem:$0x440]  }
0x4a: {  	v2 =	vld [tilespmem:$0x40]  }
0x4b: {  	v3 =	vld [tilespmem:$0x840]  }
0x4c: {  	v50 =	vld [tilespmem:$0x450]  }
0x4d: {  	v51 =	vld [tilespmem:$0x50]  }
0x4e: {  	v52 =	vld [tilespmem:$0x850]  }
0x4f: {  	v53 =	vld [tilespmem:$0x460]  }
0x50: {  	v54 =	vld [tilespmem:$0x60];
	v1 =	vmul.u32 $0x2710, v1  }
0x51: {  	v55 =	vld [tilespmem:$0x470]  }
0x52: {  	v56 =	vld [tilespmem:$0x860];
	v1 =	vadd.s32 v2, v1;
	v2 =	vmul.u32 $0x2710, v50  }
0x53: {  	[tilespmem:$0xC80] =	vst v1;
	v1 =	vld [tilespmem:$0x70]  }
0x54: {  	[tilespmem:$0xE80] =	vst v3;
	v2 =	vadd.s32 v51, v2  }
0x55: {  	v3 =	vmul.u32 $0x2710, v53;
	[tilespmem:$0xC90] =	vst v2;
	v2 =	vld [tilespmem:$0x870]  }
0x56: {  	[tilespmem:$0xE90] =	vst v52;
	v57 =	vmul.u32 $0x2710, v55  }
0x57: {  	[tilespmem:$0xEA0] =	vst v56;
	v3 =	vadd.s32 v54, v3  }
0x58: {  	[tilespmem:$0xCA0] =	vst v3;
	v1 =	vadd.s32 v1, v57  }
0x59: {  	[tilespmem:$0xCB0] =	vst v1  }
0x5a: {  	[tilespmem:$0xEB0] =	vst v2  }
0x5b: {  	[tilespmem:s22], [sflag:$0x2] =	stream.indirect.gather [hbm4b:s5+s18], $0x80, s21, s18, $0xb8;
	[tilespmem:$0x1D300] =	vst v63  }
0x5c: {  	v1 =	vld [tilespmem:$0x480]  }
0x5d: {  	v2 =	vld [tilespmem:$0x80]  }
0x5e: {  	v3 =	vld [tilespmem:$0x880]  }
0x5f: {  	v58 =	vld [tilespmem:$0x490]  }
0x60: {  	v59 =	vld [tilespmem:$0x90]  }
0x61: {  	v60 =	vld [tilespmem:$0x890]  }
0x62: {  	v61 =	vld [tilespmem:$0x4A0]  }
0x63: {  	v62 =	vld [tilespmem:$0xA0];
	v1 =	vmul.u32 $0x2710, v1  }
0x64: {  	v63 =	vld [tilespmem:$0x4B0]  }
0x65: {  	v10 =	vld [tilespmem:$0x8A0];
	v1 =	vadd.s32 v2, v1;
	v2 =	vmul.u32 $0x2710, v58  }
0x66: {  	[tilespmem:$0xD00] =	vst v1;
	v1 =	vld [tilespmem:$0xB0]  }
0x67: {  	[tilespmem:$0xF00] =	vst v3;
	v2 =	vadd.s32 v59, v2  }
0x68: {  	v3 =	vmul.u32 $0x2710, v61;
	[tilespmem:$0xD10] =	vst v2;
	v2 =	vld [tilespmem:$0x8B0]  }
0x69: {  	[tilespmem:$0xF10] =	vst v60;
	v11 =	vmul.u32 $0x2710, v63  }
0x6a: {  	[tilespmem:$0xF20] =	vst v10;
	v3 =	vadd.s32 v62, v3  }
0x6b: {  	[tilespmem:$0xD20] =	vst v3;
	v1 =	vadd.s32 v1, v11  }
0x6c: {  	[tilespmem:$0xD30] =	vst v1  }
0x6d: {  	[tilespmem:$0xF30] =	vst v2  }
0x6e: {  	[tilespmem:s24], [sflag:$0x3] =	stream.indirect.gather [hbm4b:s5+s18], $0x80, s23, s18, $0xb8;
	[tilespmem:$0x1D300] =	vst v63  }
0x6f: {  	v1 =	vld [tilespmem:$0x4C0]  }
0x70: {  	v2 =	vld [tilespmem:$0xC0]  }
0x71: {  	v3 =	vld [tilespmem:$0x8C0]  }
0x72: {  	v12 =	vld [tilespmem:$0x4D0]  }
0x73: {  	v13 =	vld [tilespmem:$0xD0]  }
0x74: {  	v14 =	vld [tilespmem:$0x8D0]  }
0x75: {  	v15 =	vld [tilespmem:$0x4E0]  }
0x76: {  	v16 =	vld [tilespmem:$0xE0];
	v1 =	vmul.u32 $0x2710, v1  }
0x77: {  	v17 =	vld [tilespmem:$0x4F0]  }
0x78: {  	v18 =	vld [tilespmem:$0x8E0];
	v1 =	vadd.s32 v2, v1;
	v2 =	vmul.u32 $0x2710, v12  }
0x79: {  	[tilespmem:$0xD80] =	vst v1;
	v1 =	vld [tilespmem:$0xF0]  }
0x7a: {  	[tilespmem:$0xF80] =	vst v3;
	v2 =	vadd.s32 v13, v2  }
0x7b: {  	v3 =	vmul.u32 $0x2710, v15;
	[tilespmem:$0xD90] =	vst v2;
	v2 =	vld [tilespmem:$0x8F0]  }
0x7c: {  	[tilespmem:$0xF90] =	vst v14;
	v19 =	vmul.u32 $0x2710, v17  }
0x7d: {  	[tilespmem:$0xFA0] =	vst v18;
	v3 =	vadd.s32 v16, v3  }
0x7e: {  	[tilespmem:$0xDA0] =	vst v3;
	v1 =	vadd.s32 v1, v19  }
0x7f: {  	[tilespmem:$0xDB0] =	vst v1  }
0x80: {  	[tilespmem:$0xFB0] =	vst v2  }
0x81: {  	[tilespmem:s26], [sflag:$0x4] =	stream.indirect.gather [hbm4b:s5+s18], $0x80, s25, s18, $0xb8;
	[tilespmem:$0x1D300] =	vst v63  }
0x82: {  	_ =	swait.ge [sflag:s28], $0x2000  }
0x83: {  	[sflag:s28] =	ssyncset.done $0x0  }
0x84: {  	[sflag:s28] =	ssyncadd.s32 $0xFFFFE000  }
0x85: {  	[spmem:s2] =	stream.indirect.scatter.add.f32 [tilespmem:s20], [sflag:$0x5], $0x80, s29, s18, $0xb8;
	[tilespmem:$0x1D300] =	vst v63  }
0x86: {  	_ =	swait.ge [sflag:s14], $0x2000  }
0x87: {  	[sflag:s14] =	ssyncset.done $0x0  }
0x88: {  	[sflag:s14] =	ssyncadd.s32 $0xFFFFE000  }
0x89: {  	[spmem:s3] =	stream.indirect.scatter.add.f32 [tilespmem:s30], [sflag:$0x5], $0x1, s29, s18, $0xb8;
	[tilespmem:$0x1D300] =	vst v63  }
0x8a: {  	_ =	swait.ge [sflag:s14], $0x40  }
0x8b: {  	[sflag:s14] =	ssyncset.done $0x0  }
0x8c: {  	[sflag:s14] =	ssyncadd.s32 $0xFFFFFFC0  }
0x8d: {  	v1 =	vld [tilespmem:$0x500]  }
0x8e: {  	v2 =	vld [tilespmem:$0x100]  }
0x8f: {  	v3 =	vld [tilespmem:$0x900]  }
0x90: {  	v20 =	vld [tilespmem:$0x510]  }
0x91: {  	v21 =	vld [tilespmem:$0x110]  }
0x92: {  	v22 =	vld [tilespmem:$0x910]  }
0x93: {  	v23 =	vld [tilespmem:$0x520]  }
0x94: {  	v24 =	vld [tilespmem:$0x120];
	v1 =	vmul.u32 $0x2710, v1  }
0x95: {  	v25 =	vld [tilespmem:$0x530]  }
0x96: {  	v26 =	vld [tilespmem:$0x920];
	v1 =	vadd.s32 v2, v1;
	v2 =	vmul.u32 $0x2710, v20  }
0x97: {  	[tilespmem:$0xC00] =	vst v1;
	v1 =	vld [tilespmem:$0x130]  }
0x98: {  	[tilespmem:$0xE00] =	vst v3;
	v2 =	vadd.s32 v21, v2  }
0x99: {  	v3 =	vmul.u32 $0x2710, v23;
	[tilespmem:$0xC10] =	vst v2;
	v2 =	vld [tilespmem:$0x930]  }
0x9a: {  	[tilespmem:$0xE10] =	vst v22;
	v27 =	vmul.u32 $0x2710, v25  }
0x9b: {  	[tilespmem:$0xE20] =	vst v26;
	v3 =	vadd.s32 v24, v3  }
0x9c: {  	[tilespmem:$0xC20] =	vst v3;
	v1 =	vadd.s32 v1, v27  }
0x9d: {  	[tilespmem:$0xC30] =	vst v1  }
0x9e: {  	[tilespmem:$0xE30] =	vst v2  }
0x9f: {  	[tilespmem:s20], [sflag:$0x1] =	stream.indirect.gather [hbm4b:s5+s18], $0x80, s19, s18, $0xb8;
	[tilespmem:$0x1D300] =	vst v63  }
0xa0: {  	_ =	swait.ge [sflag:s31], $0x2000  }
0xa1: {  	[sflag:s31] =	ssyncset.done $0x0  }
0xa2: {  	[sflag:s31] =	ssyncadd.s32 $0xFFFFE000  }
0xa3: {  	[spmem:s2] =	stream.indirect.scatter.add.f32 [tilespmem:s22], [sflag:$0x5], $0x80, s1, s18, $0xb8;
	[tilespmem:$0x1D300] =	vst v63  }
0xa4: {  	_ =	swait.ge [sflag:s14], $0x2000  }
0xa5: {  	[sflag:s14] =	ssyncset.done $0x0  }
0xa6: {  	[sflag:s14] =	ssyncadd.s32 $0xFFFFE000  }
0xa7: {  	[spmem:s3] =	stream.indirect.scatter.add.f32 [tilespmem:s30], [sflag:$0x5], $0x1, s1, s18, $0xb8;
	[tilespmem:$0x1D300] =	vst v63  }
0xa8: {  	_ =	swait.ge [sflag:s14], $0x40  }
0xa9: {  	[sflag:s14] =	ssyncset.done $0x0  }
0xaa: {  	[sflag:s14] =	ssyncadd.s32 $0xFFFFFFC0  }
0xab: {  	v1 =	vld [tilespmem:$0x540]  }
0xac: {  	v2 =	vld [tilespmem:$0x140]  }
0xad: {  	v3 =	vld [tilespmem:$0x940]  }
0xae: {  	v28 =	vld [tilespmem:$0x550]  }
0xaf: {  	v29 =	vld [tilespmem:$0x150]  }
0xb0: {  	v30 =	vld [tilespmem:$0x950]  }
0xb1: {  	v31 =	vld [tilespmem:$0x560]  }
0xb2: {  	v32 =	vld [tilespmem:$0x160];
	v1 =	vmul.u32 $0x2710, v1  }
0xb3: {  	v33 =	vld [tilespmem:$0x570]  }
0xb4: {  	v34 =	vld [tilespmem:$0x960];
	v1 =	vadd.s32 v2, v1;
	v2 =	vmul.u32 $0x2710, v28  }
0xb5: {  	[tilespmem:$0xC80] =	vst v1;
	v1 =	vld [tilespmem:$0x170]  }
0xb6: {  	[tilespmem:$0xE80] =	vst v3;
	v2 =	vadd.s32 v29, v2  }
0xb7: {  	v3 =	vmul.u32 $0x2710, v31;
	[tilespmem:$0xC90] =	vst v2;
	v2 =	vld [tilespmem:$0x970]  }
0xb8: {  	[tilespmem:$0xE90] =	vst v30;
	v35 =	vmul.u32 $0x2710, v33  }
0xb9: {  	[tilespmem:$0xEA0] =	vst v34;
	v3 =	vadd.s32 v32, v3  }
0xba: {  	[tilespmem:$0xCA0] =	vst v3;
	v1 =	vadd.s32 v1, v35  }
0xbb: {  	[tilespmem:$0xCB0] =	vst v1  }
0xbc: {  	[tilespmem:$0xEB0] =	vst v2  }
0xbd: {  	[tilespmem:s22], [sflag:$0x2] =	stream.indirect.gather [hbm4b:s5+s18], $0x80, s21, s18, $0xb8;
	[tilespmem:$0x1D300] =	vst v63  }
0xbe: {  	_ =	swait.ge [sflag:s0], $0x2000  }
0xbf: {  	[sflag:s0] =	ssyncset.done $0x0  }
0xc0: {  	[sflag:s0] =	ssyncadd.s32 $0xFFFFE000  }
0xc1: {  	[spmem:s2] =	stream.indirect.scatter.add.f32 [tilespmem:s24], [sflag:$0x5], $0x80, s6, s18, $0xb8;
	[tilespmem:$0x1D300] =	vst v63  }
0xc2: {  	_ =	swait.ge [sflag:s14], $0x2000  }
0xc3: {  	[sflag:s14] =	ssyncset.done $0x0  }
0xc4: {  	[sflag:s14] =	ssyncadd.s32 $0xFFFFE000  }
0xc5: {  	[spmem:s3] =	stream.indirect.scatter.add.f32 [tilespmem:s30], [sflag:$0x5], $0x1, s6, s18, $0xb8;
	[tilespmem:$0x1D300] =	vst v63  }
0xc6: {  	_ =	swait.ge [sflag:s14], $0x40  }
0xc7: {  	[sflag:s14] =	ssyncset.done $0x0  }
0xc8: {  	[sflag:s14] =	ssyncadd.s32 $0xFFFFFFC0  }
0xc9: {  	v1 =	vld [tilespmem:$0x580]  }
0xca: {  	v2 =	vld [tilespmem:$0x180]  }
0xcb: {  	v3 =	vld [tilespmem:$0x980]  }
0xcc: {  	v36 =	vld [tilespmem:$0x590]  }
0xcd: {  	v37 =	vld [tilespmem:$0x190]  }
0xce: {  	v38 =	vld [tilespmem:$0x990]  }
0xcf: {  	v39 =	vld [tilespmem:$0x5A0]  }
0xd0: {  	v40 =	vld [tilespmem:$0x1A0];
	v1 =	vmul.u32 $0x2710, v1  }
0xd1: {  	v41 =	vld [tilespmem:$0x5B0]  }
0xd2: {  	v42 =	vld [tilespmem:$0x9A0];
	v1 =	vadd.s32 v2, v1;
	v2 =	vmul.u32 $0x2710, v36  }
0xd3: {  	[tilespmem:$0xD00] =	vst v1;
	v1 =	vld [tilespmem:$0x1B0]  }
0xd4: {  	[tilespmem:$0xF00] =	vst v3;
	v2 =	vadd.s32 v37, v2  }
0xd5: {  	v3 =	vmul.u32 $0x2710, v39;
	[tilespmem:$0xD10] =	vst v2;
	v2 =	vld [tilespmem:$0x9B0]  }
0xd6: {  	[tilespmem:$0xF10] =	vst v38;
	v43 =	vmul.u32 $0x2710, v41  }
0xd7: {  	[tilespmem:$0xF20] =	vst v42;
	v3 =	vadd.s32 v40, v3  }
0xd8: {  	[tilespmem:$0xD20] =	vst v3;
	v1 =	vadd.s32 v1, v43  }
0xd9: {  	[tilespmem:$0xD30] =	vst v1  }
0xda: {  	[tilespmem:$0xF30] =	vst v2  }
0xdb: {  	[tilespmem:s24], [sflag:$0x3] =	stream.indirect.gather [hbm4b:s5+s18], $0x80, s23, s18, $0xb8;
	[tilespmem:$0x1D300] =	vst v63  }
0xdc: {  	_ =	swait.ge [sflag:s7], $0x2000  }
0xdd: {  	[sflag:s7] =	ssyncset.done $0x0  }
0xde: {  	[sflag:s7] =	ssyncadd.s32 $0xFFFFE000  }
0xdf: {  	[spmem:s2] =	stream.indirect.scatter.add.f32 [tilespmem:s26], [sflag:$0x5], $0x80, s9, s18, $0xb8;
	[tilespmem:$0x1D300] =	vst v63  }
0xe0: {  	_ =	swait.ge [sflag:s14], $0x2000  }
0xe1: {  	[sflag:s14] =	ssyncset.done $0x0  }
0xe2: {  	[sflag:s14] =	ssyncadd.s32 $0xFFFFE000  }
0xe3: {  	[spmem:s3] =	stream.indirect.scatter.add.f32 [tilespmem:s30], [sflag:$0x5], $0x1, s9, s18, $0xb8;
	[tilespmem:$0x1D300] =	vst v63  }
0xe4: {  	_ =	swait.ge [sflag:s14], $0x40  }
0xe5: {  	[sflag:s14] =	ssyncset.done $0x0  }
0xe6: {  	[sflag:s14] =	ssyncadd.s32 $0xFFFFFFC0  }
0xe7: {  	v1 =	vld [tilespmem:$0x5C0]  }
0xe8: {  	v2 =	vld [tilespmem:$0x1C0]  }
0xe9: {  	v3 =	vld [tilespmem:$0x9C0]  }
0xea: {  	v44 =	vld [tilespmem:$0x5D0]  }
0xeb: {  	v45 =	vld [tilespmem:$0x1D0]  }
0xec: {  	v46 =	vld [tilespmem:$0x9D0]  }
0xed: {  	v47 =	vld [tilespmem:$0x5E0]  }
0xee: {  	v48 =	vld [tilespmem:$0x1E0];
	v1 =	vmul.u32 $0x2710, v1  }
0xef: {  	v49 =	vld [tilespmem:$0x5F0]  }
0xf0: {  	v50 =	vld [tilespmem:$0x9E0];
	v1 =	vadd.s32 v2, v1;
	v2 =	vmul.u32 $0x2710, v44  }
0xf1: {  	[tilespmem:$0xD80] =	vst v1;
	v1 =	vld [tilespmem:$0x1F0]  }
0xf2: {  	[tilespmem:$0xF80] =	vst v3;
	v2 =	vadd.s32 v45, v2  }
0xf3: {  	v3 =	vmul.u32 $0x2710, v47;
	[tilespmem:$0xD90] =	vst v2;
	v2 =	vld [tilespmem:$0x9F0]  }
0xf4: {  	[tilespmem:$0xF90] =	vst v46;
	v51 =	vmul.u32 $0x2710, v49  }
0xf5: {  	[tilespmem:$0xFA0] =	vst v50;
	v3 =	vadd.s32 v48, v3  }
0xf6: {  	[tilespmem:$0xDA0] =	vst v3;
	v1 =	vadd.s32 v1, v51  }
0xf7: {  	[tilespmem:$0xDB0] =	vst v1  }
0xf8: {  	[tilespmem:$0xFB0] =	vst v2  }
0xf9: {  	[tilespmem:s26], [sflag:$0x4] =	stream.indirect.gather [hbm4b:s5+s18], $0x80, s25, s18, $0xb8;
	[tilespmem:$0x1D300] =	vst v63  }
0xfa: {  	_ =	swait.ge [sflag:s28], $0x2000  }
0xfb: {  	[sflag:s28] =	ssyncset.done $0x0  }
0xfc: {  	[sflag:s28] =	ssyncadd.s32 $0xFFFFE000  }
0xfd: {  	[spmem:s2] =	stream.indirect.scatter.add.f32 [tilespmem:s20], [sflag:$0x5], $0x80, s29, s18, $0xb8;
	[tilespmem:$0x1D300] =	vst v63  }
0xfe: {  	_ =	swait.ge [sflag:s14], $0x2000  }
0xff: {  	[sflag:s14] =	ssyncset.done $0x0  }
0x100: {  	[sflag:s14] =	ssyncadd.s32 $0xFFFFE000  }
0x101: {  	[spmem:s3] =	stream.indirect.scatter.add.f32 [tilespmem:s30], [sflag:$0x5], $0x1, s29, s18, $0xb8;
	[tilespmem:$0x1D300] =	vst v63  }
0x102: {  	_ =	swait.ge [sflag:s14], $0x40  }
0x103: {  	[sflag:s14] =	ssyncset.done $0x0  }
0x104: {  	[sflag:s14] =	ssyncadd.s32 $0xFFFFFFC0  }
0x105: {  	v1 =	vld [tilespmem:$0x600]  }
0x106: {  	v2 =	vld [tilespmem:$0x200]  }
0x107: {  	v3 =	vld [tilespmem:$0xA00]  }
0x108: {  	v52 =	vld [tilespmem:$0x610]  }
0x109: {  	v53 =	vld [tilespmem:$0x210]  }
0x10a: {  	v54 =	vld [tilespmem:$0xA10]  }
0x10b: {  	v55 =	vld [tilespmem:$0x620]  }
0x10c: {  	v56 =	vld [tilespmem:$0x220];
	v1 =	vmul.u32 $0x2710, v1  }
0x10d: {  	v57 =	vld [tilespmem:$0x630]  }
0x10e: {  	v58 =	vld [tilespmem:$0xA20];
	v1 =	vadd.s32 v2, v1;
	v2 =	vmul.u32 $0x2710, v52  }
0x10f: {  	[tilespmem:$0xC00] =	vst v1;
	v1 =	vld [tilespmem:$0x230]  }
0x110: {  	[tilespmem:$0xE00] =	vst v3;
	v2 =	vadd.s32 v53, v2  }
0x111: {  	v3 =	vmul.u32 $0x2710, v55;
	[tilespmem:$0xC10] =	vst v2;
	v2 =	vld [tilespmem:$0xA30]  }
0x112: {  	[tilespmem:$0xE10] =	vst v54;
	v59 =	vmul.u32 $0x2710, v57  }
0x113: {  	[tilespmem:$0xE20] =	vst v58;
	v3 =	vadd.s32 v56, v3  }
0x114: {  	[tilespmem:$0xC20] =	vst v3;
	v1 =	vadd.s32 v1, v59  }
0x115: {  	[tilespmem:$0xC30] =	vst v1  }
0x116: {  	[tilespmem:$0xE30] =	vst v2  }
0x117: {  	[tilespmem:s20], [sflag:$0x1] =	stream.indirect.gather [hbm4b:s5+s18], $0x80, s19, s18, $0xb8;
	[tilespmem:$0x1D300] =	vst v63  }
0x118: {  	_ =	swait.ge [sflag:s31], $0x2000  }
0x119: {  	[sflag:s31] =	ssyncset.done $0x0  }
0x11a: {  	[sflag:s31] =	ssyncadd.s32 $0xFFFFE000  }
0x11b: {  	[spmem:s2] =	stream.indirect.scatter.add.f32 [tilespmem:s22], [sflag:$0x5], $0x80, s1, s18, $0xb8;
	[tilespmem:$0x1D300] =	vst v63  }
0x11c: {  	_ =	swait.ge [sflag:s14], $0x2000  }
0x11d: {  	[sflag:s14] =	ssyncset.done $0x0  }
0x11e: {  	[sflag:s14] =	ssyncadd.s32 $0xFFFFE000  }
0x11f: {  	[spmem:s3] =	stream.indirect.scatter.add.f32 [tilespmem:s30], [sflag:$0x5], $0x1, s1, s18, $0xb8;
	[tilespmem:$0x1D300] =	vst v63  }
0x120: {  	_ =	swait.ge [sflag:s14], $0x40  }
0x121: {  	[sflag:s14] =	ssyncset.done $0x0  }
0x122: {  	[sflag:s14] =	ssyncadd.s32 $0xFFFFFFC0  }
0x123: {  	v1 =	vld [tilespmem:$0x640]  }
0x124: {  	v2 =	vld [tilespmem:$0x240]  }
0x125: {  	v3 =	vld [tilespmem:$0xA40]  }
0x126: {  	v60 =	vld [tilespmem:$0x650]  }
0x127: {  	v61 =	vld [tilespmem:$0x250]  }
0x128: {  	v62 =	vld [tilespmem:$0xA50]  }
0x129: {  	v63 =	vld [tilespmem:$0x660]  }
0x12a: {  	v12 =	vld [tilespmem:$0x260];
	v1 =	vmul.u32 $0x2710, v1  }
0x12b: {  	v13 =	vld [tilespmem:$0x670]  }
0x12c: {  	v14 =	vld [tilespmem:$0xA60];
	v1 =	vadd.s32 v2, v1;
	v2 =	vmul.u32 $0x2710, v60  }
0x12d: {  	[tilespmem:$0xC80] =	vst v1;
	v1 =	vld [tilespmem:$0x270]  }
0x12e: {  	[tilespmem:$0xE80] =	vst v3;
	v2 =	vadd.s32 v61, v2  }
0x12f: {  	v3 =	vmul.u32 $0x2710, v63;
	[tilespmem:$0xC90] =	vst v2;
	v2 =	vld [tilespmem:$0xA70]  }
0x130: {  	[tilespmem:$0xE90] =	vst v62;
	v15 =	vmul.u32 $0x2710, v13  }
0x131: {  	[tilespmem:$0xEA0] =	vst v14;
	v3 =	vadd.s32 v12, v3  }
0x132: {  	[tilespmem:$0xCA0] =	vst v3;
	v1 =	vadd.s32 v1, v15  }
0x133: {  	[tilespmem:$0xCB0] =	vst v1  }
0x134: {  	[tilespmem:$0xEB0] =	vst v2  }
0x135: {  	[tilespmem:s22], [sflag:$0x2] =	stream.indirect.gather [hbm4b:s5+s18], $0x80, s21, s18, $0xb8;
	[tilespmem:$0x1D300] =	vst v63  }
0x136: {  	_ =	swait.ge [sflag:s0], $0x2000  }
0x137: {  	[sflag:s0] =	ssyncset.done $0x0  }
0x138: {  	[sflag:s0] =	ssyncadd.s32 $0xFFFFE000  }
0x139: {  	[spmem:s2] =	stream.indirect.scatter.add.f32 [tilespmem:s24], [sflag:$0x5], $0x80, s6, s18, $0xb8;
	[tilespmem:$0x1D300] =	vst v63  }
0x13a: {  	_ =	swait.ge [sflag:s14], $0x2000  }
0x13b: {  	[sflag:s14] =	ssyncset.done $0x0  }
0x13c: {  	[sflag:s14] =	ssyncadd.s32 $0xFFFFE000  }
0x13d: {  	[spmem:s3] =	stream.indirect.scatter.add.f32 [tilespmem:s30], [sflag:$0x5], $0x1, s6, s18, $0xb8;
	[tilespmem:$0x1D300] =	vst v63  }
0x13e: {  	_ =	swait.ge [sflag:s14], $0x40  }
0x13f: {  	[sflag:s14] =	ssyncset.done $0x0  }
0x140: {  	[sflag:s14] =	ssyncadd.s32 $0xFFFFFFC0  }
0x141: {  	v1 =	vld [tilespmem:$0x680]  }
0x142: {  	v2 =	vld [tilespmem:$0x280]  }
0x143: {  	v3 =	vld [tilespmem:$0xA80]  }
0x144: {  	v16 =	vld [tilespmem:$0x690]  }
0x145: {  	v17 =	vld [tilespmem:$0x290]  }
0x146: {  	v18 =	vld [tilespmem:$0xA90]  }
0x147: {  	v19 =	vld [tilespmem:$0x6A0]  }
0x148: {  	v20 =	vld [tilespmem:$0x2A0];
	v1 =	vmul.u32 $0x2710, v1  }
0x149: {  	v21 =	vld [tilespmem:$0x6B0]  }
0x14a: {  	v22 =	vld [tilespmem:$0xAA0];
	v1 =	vadd.s32 v2, v1;
	v2 =	vmul.u32 $0x2710, v16  }
0x14b: {  	[tilespmem:$0xD00] =	vst v1;
	v1 =	vld [tilespmem:$0x2B0]  }
0x14c: {  	[tilespmem:$0xF00] =	vst v3;
	v2 =	vadd.s32 v17, v2  }
0x14d: {  	v3 =	vmul.u32 $0x2710, v19;
	[tilespmem:$0xD10] =	vst v2;
	v2 =	vld [tilespmem:$0xAB0]  }
0x14e: {  	[tilespmem:$0xF10] =	vst v18;
	v23 =	vmul.u32 $0x2710, v21  }
0x14f: {  	[tilespmem:$0xF20] =	vst v22;
	v3 =	vadd.s32 v20, v3  }
0x150: {  	[tilespmem:$0xD20] =	vst v3;
	v1 =	vadd.s32 v1, v23  }
0x151: {  	[tilespmem:$0xD30] =	vst v1  }
0x152: {  	[tilespmem:$0xF30] =	vst v2  }
0x153: {  	[tilespmem:s24], [sflag:$0x3] =	stream.indirect.gather [hbm4b:s5+s18], $0x80, s23, s18, $0xb8;
	[tilespmem:$0x1D300] =	vst v63  }
0x154: {  	_ =	swait.ge [sflag:s7], $0x2000  }
0x155: {  	[sflag:s7] =	ssyncset.done $0x0  }
0x156: {  	[sflag:s7] =	ssyncadd.s32 $0xFFFFE000  }
0x157: {  	[spmem:s2] =	stream.indirect.scatter.add.f32 [tilespmem:s26], [sflag:$0x5], $0x80, s9, s18, $0xb8;
	[tilespmem:$0x1D300] =	vst v63  }
0x158: {  	_ =	swait.ge [sflag:s14], $0x2000  }
0x159: {  	[sflag:s14] =	ssyncset.done $0x0  }
0x15a: {  	[sflag:s14] =	ssyncadd.s32 $0xFFFFE000  }
0x15b: {  	[spmem:s3] =	stream.indirect.scatter.add.f32 [tilespmem:s30], [sflag:$0x5], $0x1, s9, s18, $0xb8;
	[tilespmem:$0x1D300] =	vst v63  }
0x15c: {  	_ =	swait.ge [sflag:s14], $0x40  }
0x15d: {  	[sflag:s14] =	ssyncset.done $0x0  }
0x15e: {  	[sflag:s14] =	ssyncadd.s32 $0xFFFFFFC0  }
0x15f: {  	v1 =	vld [tilespmem:$0x6C0]  }
0x160: {  	v2 =	vld [tilespmem:$0x2C0]  }
0x161: {  	v3 =	vld [tilespmem:$0xAC0]  }
0x162: {  	v24 =	vld [tilespmem:$0x6D0]  }
0x163: {  	v25 =	vld [tilespmem:$0x2D0]  }
0x164: {  	v26 =	vld [tilespmem:$0xAD0]  }
0x165: {  	v27 =	vld [tilespmem:$0x6E0]  }
0x166: {  	v28 =	vld [tilespmem:$0x2E0];
	v1 =	vmul.u32 $0x2710, v1  }
0x167: {  	v29 =	vld [tilespmem:$0x6F0]  }
0x168: {  	v30 =	vld [tilespmem:$0xAE0];
	v1 =	vadd.s32 v2, v1;
	v2 =	vmul.u32 $0x2710, v24  }
0x169: {  	[tilespmem:$0xD80] =	vst v1;
	v1 =	vld [tilespmem:$0x2F0]  }
0x16a: {  	[tilespmem:$0xF80] =	vst v3;
	v2 =	vadd.s32 v25, v2  }
0x16b: {  	v3 =	vmul.u32 $0x2710, v27;
	[tilespmem:$0xD90] =	vst v2;
	v2 =	vld [tilespmem:$0xAF0]  }
0x16c: {  	[tilespmem:$0xF90] =	vst v26;
	v31 =	vmul.u32 $0x2710, v29  }
0x16d: {  	[tilespmem:$0xFA0] =	vst v30;
	v3 =	vadd.s32 v28, v3  }
0x16e: {  	[tilespmem:$0xDA0] =	vst v3;
	v1 =	vadd.s32 v1, v31  }
0x16f: {  	[tilespmem:$0xDB0] =	vst v1  }
0x170: {  	[tilespmem:$0xFB0] =	vst v2  }
0x171: {  	[tilespmem:s26], [sflag:$0x4] =	stream.indirect.gather [hbm4b:s5+s18], $0x80, s25, s18, $0xb8;
	[tilespmem:$0x1D300] =	vst v63  }
0x172: {  	_ =	swait.ge [sflag:s28], $0x2000  }
0x173: {  	[sflag:s28] =	ssyncset.done $0x0  }
0x174: {  	[sflag:s28] =	ssyncadd.s32 $0xFFFFE000  }
0x175: {  	[spmem:s2] =	stream.indirect.scatter.add.f32 [tilespmem:s20], [sflag:$0x5], $0x80, s29, s18, $0xb8;
	[tilespmem:$0x1D300] =	vst v63  }
0x176: {  	_ =	swait.ge [sflag:s14], $0x2000  }
0x177: {  	[sflag:s14] =	ssyncset.done $0x0  }
0x178: {  	[sflag:s14] =	ssyncadd.s32 $0xFFFFE000  }
0x179: {  	[spmem:s3] =	stream.indirect.scatter.add.f32 [tilespmem:s30], [sflag:$0x5], $0x1, s29, s18, $0xb8;
	[tilespmem:$0x1D300] =	vst v63  }
0x17a: {  	_ =	swait.ge [sflag:s14], $0x40  }
0x17b: {  	[sflag:s14] =	ssyncset.done $0x0  }
0x17c: {  	[sflag:s14] =	ssyncadd.s32 $0xFFFFFFC0  }
0x17d: {  	v1 =	vld [tilespmem:$0x700]  }
0x17e: {  	v2 =	vld [tilespmem:$0x300]  }
0x17f: {  	v3 =	vld [tilespmem:$0xB00]  }
0x180: {  	v32 =	vld [tilespmem:$0x710]  }
0x181: {  	v33 =	vld [tilespmem:$0x310]  }
0x182: {  	v34 =	vld [tilespmem:$0xB10]  }
0x183: {  	v35 =	vld [tilespmem:$0x720]  }
0x184: {  	v36 =	vld [tilespmem:$0x320];
	v1 =	vmul.u32 $0x2710, v1  }
0x185: {  	v37 =	vld [tilespmem:$0x730]  }
0x186: {  	v38 =	vld [tilespmem:$0xB20];
	v1 =	vadd.s32 v2, v1;
	v2 =	vmul.u32 $0x2710, v32  }
0x187: {  	[tilespmem:$0xC00] =	vst v1;
	v1 =	vld [tilespmem:$0x330]  }
0x188: {  	[tilespmem:$0xE00] =	vst v3;
	v2 =	vadd.s32 v33, v2  }
0x189: {  	v3 =	vmul.u32 $0x2710, v35;
	[tilespmem:$0xC10] =	vst v2;
	v2 =	vld [tilespmem:$0xB30]  }
0x18a: {  	[tilespmem:$0xE10] =	vst v34;
	v39 =	vmul.u32 $0x2710, v37  }
0x18b: {  	[tilespmem:$0xE20] =	vst v38;
	v3 =	vadd.s32 v36, v3  }
0x18c: {  	[tilespmem:$0xC20] =	vst v3;
	v1 =	vadd.s32 v1, v39  }
0x18d: {  	[tilespmem:$0xC30] =	vst v1  }
0x18e: {  	[tilespmem:$0xE30] =	vst v2  }
0x18f: {  	[tilespmem:s20], [sflag:$0x1] =	stream.indirect.gather [hbm4b:s5+s18], $0x80, s19, s18, $0xb8;
	[tilespmem:$0x1D300] =	vst v63  }
0x190: {  	_ =	swait.ge [sflag:s31], $0x2000  }
0x191: {  	[sflag:s31] =	ssyncset.done $0x0  }
0x192: {  	[sflag:s31] =	ssyncadd.s32 $0xFFFFE000  }
0x193: {  	[spmem:s2] =	stream.indirect.scatter.add.f32 [tilespmem:s22], [sflag:$0x5], $0x80, s1, s18, $0xb8;
	[tilespmem:$0x1D300] =	vst v63  }
0x194: {  	_ =	swait.ge [sflag:s14], $0x2000  }
0x195: {  	[sflag:s14] =	ssyncset.done $0x0  }
0x196: {  	[sflag:s14] =	ssyncadd.s32 $0xFFFFE000  }
0x197: {  	[spmem:s3] =	stream.indirect.scatter.add.f32 [tilespmem:s30], [sflag:$0x5], $0x1, s1, s18, $0xb8;
	[tilespmem:$0x1D300] =	vst v63  }
0x198: {  	_ =	swait.ge [sflag:s14], $0x40  }
0x199: {  	[sflag:s14] =	ssyncset.done $0x0  }
0x19a: {  	[sflag:s14] =	ssyncadd.s32 $0xFFFFFFC0  }
0x19b: {  	v1 =	vld [tilespmem:$0x740]  }
0x19c: {  	v2 =	vld [tilespmem:$0x340]  }
0x19d: {  	v3 =	vld [tilespmem:$0xB40]  }
0x19e: {  	v40 =	vld [tilespmem:$0x750]  }
0x19f: {  	v41 =	vld [tilespmem:$0x350]  }
0x1a0: {  	v42 =	vld [tilespmem:$0xB50]  }
0x1a1: {  	v43 =	vld [tilespmem:$0x760]  }
0x1a2: {  	v44 =	vld [tilespmem:$0x360];
	v1 =	vmul.u32 $0x2710, v1  }
0x1a3: {  	v45 =	vld [tilespmem:$0x770]  }
0x1a4: {  	v46 =	vld [tilespmem:$0xB60];
	v1 =	vadd.s32 v2, v1;
	v2 =	vmul.u32 $0x2710, v40  }
0x1a5: {  	[tilespmem:$0xC80] =	vst v1;
	v1 =	vld [tilespmem:$0x370]  }
0x1a6: {  	[tilespmem:$0xE80] =	vst v3;
	v2 =	vadd.s32 v41, v2  }
0x1a7: {  	v3 =	vmul.u32 $0x2710, v43;
	[tilespmem:$0xC90] =	vst v2;
	v2 =	vld [tilespmem:$0xB70]  }
0x1a8: {  	[tilespmem:$0xE90] =	vst v42;
	v47 =	vmul.u32 $0x2710, v45  }
0x1a9: {  	[tilespmem:$0xEA0] =	vst v46;
	v3 =	vadd.s32 v44, v3  }
0x1aa: {  	[tilespmem:$0xCA0] =	vst v3;
	v1 =	vadd.s32 v1, v47  }
0x1ab: {  	[tilespmem:$0xCB0] =	vst v1  }
0x1ac: {  	[tilespmem:$0xEB0] =	vst v2  }
0x1ad: {  	[tilespmem:s22], [sflag:$0x2] =	stream.indirect.gather [hbm4b:s5+s18], $0x80, s21, s18, $0xb8;
	[tilespmem:$0x1D300] =	vst v63  }
0x1ae: {  	_ =	swait.ge [sflag:s0], $0x2000  }
0x1af: {  	[sflag:s0] =	ssyncset.done $0x0  }
0x1b0: {  	[sflag:s0] =	ssyncadd.s32 $0xFFFFE000  }
0x1b1: {  	[spmem:s2] =	stream.indirect.scatter.add.f32 [tilespmem:s24], [sflag:$0x5], $0x80, s6, s18, $0xb8;
	[tilespmem:$0x1D300] =	vst v63  }
0x1b2: {  	_ =	swait.ge [sflag:s14], $0x2000  }
0x1b3: {  	[sflag:s14] =	ssyncset.done $0x0  }
0x1b4: {  	[sflag:s14] =	ssyncadd.s32 $0xFFFFE000  }
0x1b5: {  	[spmem:s3] =	stream.indirect.scatter.add.f32 [tilespmem:s30], [sflag:$0x5], $0x1, s6, s18, $0xb8;
	[tilespmem:$0x1D300] =	vst v63  }
0x1b6: {  	_ =	swait.ge [sflag:s14], $0x40  }
0x1b7: {  	[sflag:s14] =	ssyncset.done $0x0  }
0x1b8: {  	[sflag:s14] =	ssyncadd.s32 $0xFFFFFFC0  }
0x1b9: {  	v1 =	vld [tilespmem:$0x780]  }
0x1ba: {  	v2 =	vld [tilespmem:$0x380]  }
0x1bb: {  	v3 =	vld [tilespmem:$0xB80]  }
0x1bc: {  	v48 =	vld [tilespmem:$0x790]  }
0x1bd: {  	v49 =	vld [tilespmem:$0x390]  }
0x1be: {  	v50 =	vld [tilespmem:$0xB90]  }
0x1bf: {  	v51 =	vld [tilespmem:$0x7A0]  }
0x1c0: {  	v52 =	vld [tilespmem:$0x3A0];
	v1 =	vmul.u32 $0x2710, v1  }
0x1c1: {  	v53 =	vld [tilespmem:$0x7B0]  }
0x1c2: {  	v54 =	vld [tilespmem:$0xBA0];
	v1 =	vadd.s32 v2, v1;
	v2 =	vmul.u32 $0x2710, v48  }
0x1c3: {  	[tilespmem:$0xD00] =	vst v1;
	v1 =	vld [tilespmem:$0x3B0]  }
0x1c4: {  	[tilespmem:$0xF00] =	vst v3;
	v2 =	vadd.s32 v49, v2  }
0x1c5: {  	v3 =	vmul.u32 $0x2710, v51;
	[tilespmem:$0xD10] =	vst v2;
	v2 =	vld [tilespmem:$0xBB0]  }
0x1c6: {  	[tilespmem:$0xF10] =	vst v50;
	v55 =	vmul.u32 $0x2710, v53  }
0x1c7: {  	[tilespmem:$0xF20] =	vst v54;
	v3 =	vadd.s32 v52, v3  }
0x1c8: {  	[tilespmem:$0xD20] =	vst v3;
	v1 =	vadd.s32 v1, v55  }
0x1c9: {  	[tilespmem:$0xD30] =	vst v1  }
0x1ca: {  	[tilespmem:$0xF30] =	vst v2  }
0x1cb: {  	[tilespmem:s24], [sflag:$0x3] =	stream.indirect.gather [hbm4b:s5+s18], $0x80, s23, s18, $0xb8;
	[tilespmem:$0x1D300] =	vst v63  }
0x1cc: {  	_ =	swait.ge [sflag:s7], $0x2000  }
0x1cd: {  	[sflag:s7] =	ssyncset.done $0x0  }
0x1ce: {  	[sflag:s7] =	ssyncadd.s32 $0xFFFFE000  }
0x1cf: {  	[spmem:s2] =	stream.indirect.scatter.add.f32 [tilespmem:s26], [sflag:$0x5], $0x80, s9, s18, $0xb8;
	[tilespmem:$0x1D300] =	vst v63  }
0x1d0: {  	_ =	swait.ge [sflag:s14], $0x2000  }
0x1d1: {  	[sflag:s14] =	ssyncset.done $0x0  }
0x1d2: {  	[sflag:s14] =	ssyncadd.s32 $0xFFFFE000  }
0x1d3: {  	[spmem:s3] =	stream.indirect.scatter.add.f32 [tilespmem:s30], [sflag:$0x5], $0x1, s9, s18, $0xb8;
	[tilespmem:$0x1D300] =	vst v63  }
0x1d4: {  	_ =	swait.ge [sflag:s14], $0x40  }
0x1d5: {  	[sflag:s14] =	ssyncset.done $0x0  }
0x1d6: {  	[sflag:s14] =	ssyncadd.s32 $0xFFFFFFC0  }
0x1d7: {  	v1 =	vld [tilespmem:$0x7C0]  }
0x1d8: {  	v2 =	vld [tilespmem:$0x3C0]  }
0x1d9: {  	v3 =	vld [tilespmem:$0xBC0]  }
0x1da: {  	v56 =	vld [tilespmem:$0x7D0]  }
0x1db: {  	v57 =	vld [tilespmem:$0x3D0]  }
0x1dc: {  	v58 =	vld [tilespmem:$0xBD0]  }
0x1dd: {  	v59 =	vld [tilespmem:$0x7E0]  }
0x1de: {  	v60 =	vld [tilespmem:$0x3E0];
	v1 =	vmul.u32 $0x2710, v1  }
0x1df: {  	v61 =	vld [tilespmem:$0x7F0]  }
0x1e0: {  	v62 =	vld [tilespmem:$0xBE0];
	v1 =	vadd.s32 v2, v1;
	v2 =	vmul.u32 $0x2710, v56  }
0x1e1: {  	[tilespmem:$0xD80] =	vst v1;
	v1 =	vld [tilespmem:$0x3F0]  }
0x1e2: {  	[tilespmem:$0xF80] =	vst v3;
	v2 =	vadd.s32 v57, v2  }
0x1e3: {  	v3 =	vmul.u32 $0x2710, v59;
	[tilespmem:$0xD90] =	vst v2;
	v2 =	vld [tilespmem:$0xBF0]  }
0x1e4: {  	[tilespmem:$0xF90] =	vst v58;
	v63 =	vmul.u32 $0x2710, v61  }
0x1e5: {  	[tilespmem:$0xFA0] =	vst v62;
	v3 =	vadd.s32 v60, v3  }
0x1e6: {  	[tilespmem:$0xDA0] =	vst v3;
	v1 =	vadd.s32 v1, v63  }
0x1e7: {  	[tilespmem:$0xDB0] =	vst v1  }
0x1e8: {  	[tilespmem:$0xFB0] =	vst v2  }
0x1e9: {  	[tilespmem:s26], [sflag:$0x4] =	stream.indirect.gather [hbm4b:s5+s18], $0x80, s25, s18, $0xb8;
	[tilespmem:$0x1D300] =	vst v63  }
0x1ea: {  	_ =	swait.ge [sflag:s28], $0x2000  }
0x1eb: {  	[sflag:s28] =	ssyncset.done $0x0  }
0x1ec: {  	[sflag:s28] =	ssyncadd.s32 $0xFFFFE000  }
0x1ed: {  	[spmem:s2] =	stream.indirect.scatter.add.f32 [tilespmem:s20], [sflag:$0x5], $0x80, s29, s18, $0xb8;
	[tilespmem:$0x1D300] =	vst v63  }
0x1ee: {  	_ =	swait.ge [sflag:s14], $0x2000  }
0x1ef: {  	[sflag:s14] =	ssyncset.done $0x0  }
0x1f0: {  	[sflag:s14] =	ssyncadd.s32 $0xFFFFE000  }
0x1f1: {  	[spmem:s3] =	stream.indirect.scatter.add.f32 [tilespmem:s30], [sflag:$0x5], $0x1, s29, s18, $0xb8;
	[tilespmem:$0x1D300] =	vst v63  }
0x1f2: {  	_ =	swait.ge [sflag:s14], $0x40  }
0x1f3: {  	[sflag:s14] =	ssyncset.done $0x0  }
0x1f4: {  	[sflag:s14] =	ssyncadd.s32 $0xFFFFFFC0  }
0x1f5: {  	_ =	swait.ge [sflag:s31], $0x2000  }
0x1f6: {  	[sflag:s31] =	ssyncset.done $0x0  }
0x1f7: {  	[sflag:s31] =	ssyncadd.s32 $0xFFFFE000  }
0x1f8: {  	[spmem:s2] =	stream.indirect.scatter.add.f32 [tilespmem:s22], [sflag:$0x5], $0x80, s1, s18, $0xb8;
	[tilespmem:$0x1D300] =	vst v63  }
0x1f9: {  	_ =	swait.ge [sflag:s14], $0x2000  }
0x1fa: {  	[sflag:s14] =	ssyncset.done $0x0  }
0x1fb: {  	[sflag:s14] =	ssyncadd.s32 $0xFFFFE000  }
0x1fc: {  	[spmem:s3] =	stream.indirect.scatter.add.f32 [tilespmem:s30], [sflag:$0x5], $0x1, s1, s18, $0xb8;
	[tilespmem:$0x1D300] =	vst v63  }
0x1fd: {  	_ =	swait.ge [sflag:s14], $0x40  }
0x1fe: {  	[sflag:s14] =	ssyncset.done $0x0  }
0x1ff: {  	[sflag:s14] =	ssyncadd.s32 $0xFFFFFFC0  }
0x200: {  	_ =	swait.ge [sflag:s0], $0x2000  }
0x201: {  	[sflag:s0] =	ssyncset.done $0x0  }
0x202: {  	[sflag:s0] =	ssyncadd.s32 $0xFFFFE000  }
0x203: {  	[spmem:s2] =	stream.indirect.scatter.add.f32 [tilespmem:s24], [sflag:$0x5], $0x80, s6, s18, $0xb8;
	[tilespmem:$0x1D300] =	vst v63  }
0x204: {  	_ =	swait.ge [sflag:s14], $0x2000  }
0x205: {  	[sflag:s14] =	ssyncset.done $0x0  }
0x206: {  	[sflag:s14] =	ssyncadd.s32 $0xFFFFE000  }
0x207: {  	[spmem:s3] =	stream.indirect.scatter.add.f32 [tilespmem:s30], [sflag:$0x5], $0x1, s6, s18, $0xb8;
	[tilespmem:$0x1D300] =	vst v63  }
0x208: {  	_ =	swait.ge [sflag:s14], $0x40  }
0x209: {  	[sflag:s14] =	ssyncset.done $0x0  }
0x20a: {  	[sflag:s14] =	ssyncadd.s32 $0xFFFFFFC0  }
0x20b: {  	_ =	swait.ge [sflag:s7], $0x2000  }
0x20c: {  	[sflag:s7] =	ssyncset.done $0x0  }
0x20d: {  	[sflag:s7] =	ssyncadd.s32 $0xFFFFE000  }
0x20e: {  	[spmem:s2] =	stream.indirect.scatter.add.f32 [tilespmem:s26], [sflag:$0x5], $0x80, s9, s18, $0xb8;
	[tilespmem:$0x1D300] =	vst v63  }
0x20f: {  	_ =	swait.ge [sflag:s14], $0x2000  }
0x210: {  	p0 =	sne.s32 s11, $0x480;
	[sflag:s14] =	ssyncset.done $0x0  }
.Ltmp0:
0x211: {  	[sflag:s14] =	ssyncadd.s32 $0xFFFFE000;
	(pc) =	sbr.rel @p0 .LBB2_2-.Ltmp0, $4  }
0x212: {  	[spmem:s3] =	stream.indirect.scatter.add.f32 [tilespmem:s30], [sflag:$0x5], $0x1, s9, s18, $0xb8;
	[tilespmem:$0x1D300] =	vst v63  }
0x213: {  	_ =	swait.ge [sflag:s14], $0x40  }
0x214: {  	[sflag:s14] =	ssyncset.done $0x0  }
0x215: {  	s11 =	sadd.s32 $0x80, s11;
	[sflag:s14] =	ssyncadd.s32 $0xFFFFFFC0  }
0x216: {  	[bflag:$0x0] =	sbarrier.arrive $0xFFFF  }
0x217: {  	s11 =	rddreg [dreg:$0x9]  }
0x218: {  	s13 =	rddreg [dreg:$0xd]  }
0x219: {  	[hbm:s11], [sflag:s8] =	dma.local [spmem:s13], $0x2800  }
0x21a: {  	s10 =	smov.u32 s8;
	_ =	swait.ge [sflag:s14], $0x2800  }
0x21b: {  	s16 =	simm.s32 $0x10;
	[sflag:s14] =	ssyncset.done $0x0;
	s11 =	rddreg [dreg:$0xa]  }
0x21c: {  	s8 =	simm.s32 $0x20;
	s15 =	rddreg [dreg:$0xc];
	[sflag:s14] =	ssyncadd.s32 $0xFFFFD800  }
0x21d: {  	[hbm:s11@s8], [sflag:s10] =	dma.strided [spmem:s15@s16], $0x50, s28, $0x10   }
0x21e: {  	_ =	swait.ge [sflag:s14], $0x50  }
0x21f: {  	s11 =	rddreg [dreg:$0xe]  }
0x220: {  	s16 =	sadd.s32 $0x1, s11;
	s11 =	rddreg [dreg:$0xb]  }
0x221: {  	p0 =	sne.s32 s16, s11  }
.Ltmp1:
0x222: {  	_ = 	snop;
	(pc) =	sbr.rel @p0 .LBB2_1-.Ltmp1, $3  }
0x223: {  	_ =	sdelay $0x1  }
0x224: {  	[sflag:s14] =	ssyncset.done $0x0  }
0x225: {  	s8 =	smov.u32 s10;
	s10 =	simm.s32 $0x400;
	[sflag:s14] =	ssyncadd.s32 $0xFFFFFFB0  }
0x226: {  	_ =	sfence.sel $0x180000  }
0x227: {  	[bflag:$0x0] =	sbarrier.arrive $0xFFFF  }
0x228: {  	_ =	strace $0x90000047  }
0x229: {  	s0 =	stileid.u32;
	[bflag:$0x2] =	sbarrier.arrive $0xFFFF  }
0x22a: {  	p0 =	sne.s32 s0, $0x0;
	s0 =	rddreg [dreg:$0x4]  }
0x22b: {  	s0 =	sadd.s32 @!p0 $0x100000, s0  }
0x22c: {  	[sflag:s0] =	ssyncadd.tile.s32 @!p0 $0x1;
	_ =	shalt  }
.Lfunc_end2:
_tile_overlayer_lowered:
.L_overlay_start_2:
0x22d: {  	(tag) =	ssettag $0x2  }
0x22e: {  	s0 =	rddreg [dreg:$0x0];
	s2 =	stileid.u32  }
0x22f: {  	s1 =	rddreg [dreg:$0x1];
	p0 =	sne.s32 s2, $0x0  }
0x230: {  	s3 =	rddreg [dreg:$0x2];
	[bflag:$0x3] =	sbarrier.arrive $0xFFFF;
	s2 =	simm.s32 @!p0 $0x1C05  }
0x231: {  	[timem:s3], [sflag:s2] =	dma.local @!p0 [hbm:s0], s1  }
0x232: {  	s0 =	simm.s32 @!p0 $0x5  }
0x233: {  	_ =	swait.ge @!p0 [sflag:s0], s1  }
0x234: {  	s1 =	ssub.s32 @!p0 $0x0, s1;
	[sflag:s0] =	ssyncset.done @!p0 $0x0  }
0x235: {  	[sflag:s0] =	ssyncadd.s32 @!p0 s1  }
0x236: {  	[bflag:$0x3] =	sbarrier.arrive $0xFFFF  }
0x237: {  	_ =	shalt  }

</sc_bundles>
